<compile_context>
chip_gen: v7x
topology: tpu7x:2x2x1
jax: 0.10.2.dev20260603
libtpu: 0.0.44.dev20260713+nightly
codegen_flags: <defaults>
</compile_context>

<pallas_src>
import functools

import jax
import jax.numpy as jnp
import numpy as np
from jax import lax
from jax.experimental import pallas as pl
from jax.experimental.pallas import tpu as pltpu
from jax.experimental.pallas import tpu_sc as plsc

NC = 2
NS = 16
L = 16

F = 9
V = 1000

NB = 32
WB = NB * F
FRAME = F * L
VPB = WB // L
GROUPS = 3
GROW = WB // GROUPS

INT_MAX = 2147483647

_FEAT = np.arange(FRAME, dtype=np.int32) % F


def _adjust_body(x_ref, adj_ref):
  m = jnp.min(x_ref[...], axis=0, keepdims=True)
  feat = lax.broadcasted_iota(jnp.int32, (1, FRAME), 1) % F
  adj = jnp.zeros((1, FRAME), jnp.int32)
  for fi in range(F):
    mask = feat == fi
    mfi = jnp.min(jnp.where(mask, m, INT_MAX), axis=1, keepdims=True)
    adj = jnp.where(mask, V * fi - mfi, adj)
  adj_ref[...] = adj


def _sc_body(NBLK, KMAX, xflat, adj_hbm, comb, out,
             xbuf0, xbuf1, adjbuf, idxbuf0, idxbuf1, gbuf0, gbuf1,
             obuf0, obuf1, gsem0, gsem1, osem0, osem1, xsem0, xsem1):
  c = lax.axis_index("c")
  s = lax.axis_index("s")
  wid = s * NC + c

  xbufs = (xbuf0, xbuf1)
  idxbufs = (idxbuf0, idxbuf1)
  gbufs = (gbuf0, gbuf1)
  obufs = (obuf0, obuf1)
  gsems = (gsem0, gsem1)
  osems = (osem0, osem1)
  xsems = (xsem0, xsem1)

  pltpu.sync_copy(adj_hbm, adjbuf)

  def fire_x(j, p):
    pltpu.async_copy(xflat.at[pl.ds(j * WB, WB)], xbufs[p], xsems[p])

  def prep(j, p):
    xbuf, idxbuf = xbufs[p], idxbufs[p]
    pltpu.make_async_copy(xflat.at[pl.ds(0, WB)], xbuf, xsems[p]).wait()
    for v in range(VPB):
      idx = xbuf[pl.ds(v * L, L)] + adjbuf[0, pl.ds((v % F) * L, L)]
      idxbuf[v // (GROW // L), pl.ds((v % (GROW // L)) * L, L)] = idx
    for g in range(GROUPS):
      pltpu.async_copy(comb.at[idxbuf.at[g]],
                       gbufs[p].at[pl.ds(g * GROW, GROW)], gsems[p])

  def wait_gathers(p):
    pltpu.make_async_copy(comb.at[pl.ds(0, WB)], gbufs[p], gsems[p]).wait()

  def accum_and_out(j, p):
    gbuf, obuf = gbufs[p], obufs[p]

    def node_body(n, _):
      for cc in range(8):
        acc = gbuf[n * F, pl.ds(cc * L, L)]
        for fi in range(1, F):
          acc = acc + gbuf[n * F + fi, pl.ds(cc * L, L)]
        obuf[n, pl.ds(cc * L, L)] = acc
      return 0

    lax.fori_loop(0, NB, node_body, 0)
    pltpu.async_copy(obuf, out.at[pl.ds(j * NB, NB)], osems[p])

  def step(k, p):
    jn2 = wid + 32 * (k + 2)

    @pl.when(jn2 < NBLK)
    def _():
      fire_x(jn2, p)

    jn = wid + 32 * (k + 1)

    @pl.when(jn < NBLK)
    def _():
      prep(jn, 1 - p)

    jc = wid + 32 * k

    @pl.when(jc < NBLK)
    def _():
      wait_gathers(p)

      @pl.when(k >= 2)
      def _():
        pltpu.make_async_copy(obufs[p],
                              out.at[pl.ds((jc - 64) * NB, NB)],
                              osems[p]).wait()

      accum_and_out(jc, p)

  fire_x(wid, 0)
  jn1 = wid + 32

  @pl.when(jn1 < NBLK)
  def _():
    fire_x(jn1, 1)

  prep(wid, 0)

  def pair_body(m, _):
    step(2 * m, 0)
    step(2 * m + 1, 1)
    return 0

  lax.fori_loop(0, KMAX // 2, pair_body, 0)

  kstar = (NBLK - 1 - wid) // 32
  for p in (0, 1):
    kp_last = kstar - ((kstar - p) % 2)

    @pl.when(kp_last >= 0)
    def _():
      pltpu.make_async_copy(obufs[p],
                            out.at[pl.ds((wid + 32 * kp_last) * NB, NB)],
                            osems[p]).wait()


@functools.partial(jax.jit, static_argnums=(2, 3))
def _run(xflat, comb, N, D):
  NBLK = N // NB
  KMAX = (NBLK + 31) // 32

  adj = pl.pallas_call(
      _adjust_body,
      out_shape=jax.ShapeDtypeStruct((1, FRAME), jnp.int32),
  )(xflat.reshape(-1, FRAME))

  mesh = plsc.VectorSubcoreMesh(core_axis_name="c", subcore_axis_name="s")
  body = functools.partial(_sc_body, NBLK, KMAX)
  return pl.kernel(
      body,
      out_type=jax.ShapeDtypeStruct((N, D), jnp.float32),
      mesh=mesh,
      scratch_types=[
          pltpu.VMEM((WB,), jnp.int32),
          pltpu.VMEM((WB,), jnp.int32),
          pltpu.VMEM((1, FRAME), jnp.int32),
          pltpu.VMEM((GROUPS, GROW), jnp.int32),
          pltpu.VMEM((GROUPS, GROW), jnp.int32),
          pltpu.VMEM((WB, 128), jnp.float32),
          pltpu.VMEM((WB, 128), jnp.float32),
          pltpu.VMEM((NB, 128), jnp.float32),
          pltpu.VMEM((NB, 128), jnp.float32),
          pltpu.SemaphoreType.DMA,
          pltpu.SemaphoreType.DMA,
          pltpu.SemaphoreType.DMA,
          pltpu.SemaphoreType.DMA,
          pltpu.SemaphoreType.DMA,
          pltpu.SemaphoreType.DMA,
      ],
  )(xflat, adj, comb)


def kernel(x, tables):
  N = x.shape[0]
  D = tables.shape[-1]
  xflat = x.reshape(-1)
  comb = tables.reshape(-1, D)
  return _run(xflat, comb, N, D)

# --- scband reference (transcript-rebuilt; emitter-appended) ---
"""Pipeline reference for scband-node-encoder-68573447848160 (READ-ONLY COPY).

The authoritative reference and input builder live on the scoring server;
editing this copy changes nothing except your own understanding.
"""

import jax, jax.numpy as jnp
import numpy as np

NUM_NODES = 100000
NUM_FEATS = 9
VOCAB = 1000
EMB_DIM = 128


def setup_inputs(seed: int = 0) -> dict:
    key = jax.random.key(seed)
    k1, k2 = jax.random.split(key)
    x = jax.random.randint(k1, (NUM_NODES, NUM_FEATS), 0, VOCAB, dtype=jnp.int32)
    # xavier_uniform-style init for each embedding table, stacked: [NUM_FEATS, VOCAB, EMB_DIM]
    bound = float(np.sqrt(6.0 / (VOCAB + EMB_DIM)))
    tables = jax.random.uniform(k2, (NUM_FEATS, VOCAB, EMB_DIM), minval=-bound, maxval=bound, dtype=jnp.float32)
    return {"x": x, "tables": tables}


def reference(x, tables):
    # x: int[num_nodes, num_features]; tables: float32[num_features, vocab, emb_dim]
    assert x.ndim == 2
    x_min = jnp.min(x, axis=0)
    x_shifted = (x - x_min[None, :]).astype(jnp.int32)
    atom_embedding = jnp.zeros((x.shape[0], tables.shape[-1]), dtype=tables.dtype)
    for i in range(x_shifted.shape[1]):
        atom_embedding = atom_embedding + jnp.take(tables[i], x_shifted[:, i], axis=0)
    return atom_embedding

if __name__ == "__main__":
    import jax
    _d = setup_inputs()
    print(jax.jit(kernel)(*tuple(_d.values())))

</pallas_src>

<mosaic_0001>
#map = affine_map<(d0, d1) -> (0)>
#map1 = affine_map<(d0, d1) -> (0, 0)>
module attributes {stable_mosaic.version = 14 : i64} {
  func.func @_sc_body(%arg0: i32, %arg1: i32, %arg2: memref<900000xi32, #tpu.memory_space<hbm>>, %arg3: memref<1x144xi32, #tpu.memory_space<hbm>>, %arg4: memref<9000x128xf32, #tpu.memory_space<hbm>>, %arg5: memref<100000x128xf32, #tpu.memory_space<hbm>>, %arg6: memref<288xi32, #tpu.memory_space<vmem>>, %arg7: memref<288xi32, #tpu.memory_space<vmem>>, %arg8: memref<1x144xi32, #tpu.memory_space<vmem>>, %arg9: memref<3x96xi32, #tpu.memory_space<vmem>>, %arg10: memref<3x96xi32, #tpu.memory_space<vmem>>, %arg11: memref<288x128xf32, #tpu.memory_space<vmem>>, %arg12: memref<288x128xf32, #tpu.memory_space<vmem>>, %arg13: memref<32x128xf32, #tpu.memory_space<vmem>>, %arg14: memref<32x128xf32, #tpu.memory_space<vmem>>, %arg15: memref<!tpu.dma_semaphore, #tpu.memory_space<semaphore_mem>>, %arg16: memref<!tpu.dma_semaphore, #tpu.memory_space<semaphore_mem>>, %arg17: memref<!tpu.dma_semaphore, #tpu.memory_space<semaphore_mem>>, %arg18: memref<!tpu.dma_semaphore, #tpu.memory_space<semaphore_mem>>, %arg19: memref<!tpu.dma_semaphore, #tpu.memory_space<semaphore_mem>>, %arg20: memref<!tpu.dma_semaphore, #tpu.memory_space<semaphore_mem>>) attributes {dimension_semantics = [#tpu.dimension_semantics<core_parallel>, #tpu.dimension_semantics<subcore_parallel>], iteration_bounds = array<i64: 2, 16>, scalar_prefetch = 0 : i64, scratch_operands = 15 : i64, tpu.core_type = #tpu.core_type<sc_vector_subcore>, window_params = [{transform_indices = #map}, {transform_indices = #map1}, {transform_indices = #map1}, {transform_indices = #map1}]} {
    %mul3A = arith.constant 2 : i32
    %mul3A_0 = arith.muli %arg1, %mul3A : i32
    %add3A = arith.addi %mul3A_0, %arg0 : i32
    "tpu.region"() ({
      %run_scoped3A = tpu.sem_alloc : memref<!tpu.dma_semaphore, #tpu.memory_space<semaphore_mem>>
      tpu.enqueue_dma source(%arg3 : memref<1x144xi32, #tpu.memory_space<hbm>>) target(%arg8 : memref<1x144xi32, #tpu.memory_space<vmem>>) target_semaphore(%run_scoped3A : memref<!tpu.dma_semaphore, #tpu.memory_space<semaphore_mem>>)
      tpu.wait_dma2 semaphore(%run_scoped3A : memref<!tpu.dma_semaphore, #tpu.memory_space<semaphore_mem>>) src(%arg3 : memref<1x144xi32, #tpu.memory_space<hbm>>) dst(%arg8 : memref<1x144xi32, #tpu.memory_space<vmem>>)
      tpu.yield
    }) : () -> ()
    %mul3A_1 = arith.constant 288 : i32
    %mul3A_2 = arith.muli %add3A, %mul3A_1 : i32
    %dma_start3A = tpu.memref_slice %arg2[%mul3A_2] : memref<900000xi32, #tpu.memory_space<hbm>> -> memref<288xi32, #tpu.memory_space<hbm>>
    %dma_start3A_3 = tpu.memref_slice %arg2[%mul3A_2] : memref<900000xi32, #tpu.memory_space<hbm>> -> memref<288xi32, #tpu.memory_space<hbm>>
    tpu.enqueue_dma source(%dma_start3A_3 : memref<288xi32, #tpu.memory_space<hbm>>) target(%arg6 : memref<288xi32, #tpu.memory_space<vmem>>) target_semaphore(%arg19 : memref<!tpu.dma_semaphore, #tpu.memory_space<semaphore_mem>>)
    %add3A_4 = arith.constant 32 : i32
    %add3A_5 = arith.addi %add3A, %add3A_4 : i32
    %lt3A = arith.constant 3125 : i32
    %lt3A_6 = arith.cmpi slt, %add3A_5, %lt3A : i32
    %convert_element_type3A = arith.extui %lt3A_6 : i1 to i32
    %cond3A = arith.constant 0 : i32
    %cond3A_7 = arith.cmpi ne, %convert_element_type3A, %cond3A : i32
    scf.if %cond3A_7 {
      %mul3A_379 = arith.constant 288 : i32
      %mul3A_380 = arith.muli %add3A_5, %mul3A_379 : i32
      %dma_start3A_381 = tpu.memref_slice %arg2[%mul3A_380] : memref<900000xi32, #tpu.memory_space<hbm>> -> memref<288xi32, #tpu.memory_space<hbm>>
      %dma_start3A_382 = tpu.memref_slice %arg2[%mul3A_380] : memref<900000xi32, #tpu.memory_space<hbm>> -> memref<288xi32, #tpu.memory_space<hbm>>
      tpu.enqueue_dma source(%dma_start3A_382 : memref<288xi32, #tpu.memory_space<hbm>>) target(%arg7 : memref<288xi32, #tpu.memory_space<vmem>>) target_semaphore(%arg20 : memref<!tpu.dma_semaphore, #tpu.memory_space<semaphore_mem>>)
    } else {
    }
    %dma_wait3A = arith.constant 0 : i32
    %dma_wait3A_8 = tpu.memref_slice %arg2[%dma_wait3A] : memref<900000xi32, #tpu.memory_space<hbm>> -> memref<288xi32, #tpu.memory_space<hbm>>
    %dma_wait3A_9 = arith.constant 0 : i32
    %dma_wait3A_10 = tpu.memref_slice %arg2[%dma_wait3A_9] : memref<900000xi32, #tpu.memory_space<hbm>> -> memref<288xi32, #tpu.memory_space<hbm>>
    tpu.wait_dma2 semaphore(%arg19 : memref<!tpu.dma_semaphore, #tpu.memory_space<semaphore_mem>>) src(%dma_wait3A_10 : memref<288xi32, #tpu.memory_space<hbm>>) dst(%arg6 : memref<288xi32, #tpu.memory_space<vmem>>)
    %get3A = arith.constant 0 : index
    %get3A_11 = tpu.vector_load %arg6[%get3A] {strides = array<i32>} : memref<288xi32, #tpu.memory_space<vmem>>, vector<16xi32>,
    %get3A_12 = vector.shape_cast %get3A_11 : vector<16xi32> to vector<16xi32>
    %get3A_13 = arith.constant 0 : i32
    %get3A_14 = arith.index_cast %get3A_13 : i32 to index
    %get3A_15 = arith.constant 0 : index
    %get3A_16 = tpu.vector_load %arg8[%get3A_14, %get3A_15] {strides = array<i32>} : memref<1x144xi32, #tpu.memory_space<vmem>>, vector<1x16xi32>,
    %get3A_17 = vector.shape_cast %get3A_16 : vector<1x16xi32> to vector<16xi32>
    %add3A_18 = arith.addi %get3A_12, %get3A_17 : vector<16xi32>
    %swap3A = arith.constant 0 : i32
    %swap3A_19 = arith.index_cast %swap3A : i32 to index
    %swap3A_20 = arith.constant 0 : index
    %swap3A_21 = tpu.vector_load %arg9[%swap3A_19, %swap3A_20] {strides = array<i32>} : memref<3x96xi32, #tpu.memory_space<vmem>>, vector<1x16xi32>,
    %swap3A_22 = vector.shape_cast %swap3A_21 : vector<1x16xi32> to vector<16xi32>
    %swap3A_23 = vector.shape_cast %add3A_18 : vector<16xi32> to vector<1x16xi32>
    tpu.vector_store %arg9[%swap3A_19, %swap3A_20], %swap3A_23 {strides = array<i32>} : memref<3x96xi32, #tpu.memory_space<vmem>>, vector<1x16xi32>,
    %get3A_24 = arith.constant 16 : index
    %get3A_25 = tpu.vector_load %arg6[%get3A_24] {strides = array<i32>} : memref<288xi32, #tpu.memory_space<vmem>>, vector<16xi32>,
    %get3A_26 = vector.shape_cast %get3A_25 : vector<16xi32> to vector<16xi32>
    %get3A_27 = arith.constant 0 : i32
    %get3A_28 = arith.index_cast %get3A_27 : i32 to index
    %get3A_29 = arith.constant 16 : index
    %get3A_30 = tpu.vector_load %arg8[%get3A_28, %get3A_29] {strides = array<i32>} : memref<1x144xi32, #tpu.memory_space<vmem>>, vector<1x16xi32>,
    %get3A_31 = vector.shape_cast %get3A_30 : vector<1x16xi32> to vector<16xi32>
    %add3A_32 = arith.addi %get3A_26, %get3A_31 : vector<16xi32>
    %swap3A_33 = arith.constant 0 : i32
    %swap3A_34 = arith.index_cast %swap3A_33 : i32 to index
    %swap3A_35 = arith.constant 16 : index
    %swap3A_36 = tpu.vector_load %arg9[%swap3A_34, %swap3A_35] {strides = array<i32>} : memref<3x96xi32, #tpu.memory_space<vmem>>, vector<1x16xi32>,
    %swap3A_37 = vector.shape_cast %swap3A_36 : vector<1x16xi32> to vector<16xi32>
    %swap3A_38 = vector.shape_cast %add3A_32 : vector<16xi32> to vector<1x16xi32>
    tpu.vector_store %arg9[%swap3A_34, %swap3A_35], %swap3A_38 {strides = array<i32>} : memref<3x96xi32, #tpu.memory_space<vmem>>, vector<1x16xi32>,
    %get3A_39 = arith.constant 32 : index
    %get3A_40 = tpu.vector_load %arg6[%get3A_39] {strides = array<i32>} : memref<288xi32, #tpu.memory_space<vmem>>, vector<16xi32>,
    %get3A_41 = vector.shape_cast %get3A_40 : vector<16xi32> to vector<16xi32>
    %get3A_42 = arith.constant 0 : i32
    %get3A_43 = arith.index_cast %get3A_42 : i32 to index
    %get3A_44 = arith.constant 32 : index
    %get3A_45 = tpu.vector_load %arg8[%get3A_43, %get3A_44] {strides = array<i32>} : memref<1x144xi32, #tpu.memory_space<vmem>>, vector<1x16xi32>,
    %get3A_46 = vector.shape_cast %get3A_45 : vector<1x16xi32> to vector<16xi32>
    %add3A_47 = arith.addi %get3A_41, %get3A_46 : vector<16xi32>
    %swap3A_48 = arith.constant 0 : i32
    %swap3A_49 = arith.index_cast %swap3A_48 : i32 to index
    %swap3A_50 = arith.constant 32 : index
    %swap3A_51 = tpu.vector_load %arg9[%swap3A_49, %swap3A_50] {strides = array<i32>} : memref<3x96xi32, #tpu.memory_space<vmem>>, vector<1x16xi32>,
    %swap3A_52 = vector.shape_cast %swap3A_51 : vector<1x16xi32> to vector<16xi32>
    %swap3A_53 = vector.shape_cast %add3A_47 : vector<16xi32> to vector<1x16xi32>
    tpu.vector_store %arg9[%swap3A_49, %swap3A_50], %swap3A_53 {strides = array<i32>} : memref<3x96xi32, #tpu.memory_space<vmem>>, vector<1x16xi32>,
    %get3A_54 = arith.constant 48 : index
    %get3A_55 = tpu.vector_load %arg6[%get3A_54] {strides = array<i32>} : memref<288xi32, #tpu.memory_space<vmem>>, vector<16xi32>,
    %get3A_56 = vector.shape_cast %get3A_55 : vector<16xi32> to vector<16xi32>
    %get3A_57 = arith.constant 0 : i32
    %get3A_58 = arith.index_cast %get3A_57 : i32 to index
    %get3A_59 = arith.constant 48 : index
    %get3A_60 = tpu.vector_load %arg8[%get3A_58, %get3A_59] {strides = array<i32>} : memref<1x144xi32, #tpu.memory_space<vmem>>, vector<1x16xi32>,
    %get3A_61 = vector.shape_cast %get3A_60 : vector<1x16xi32> to vector<16xi32>
    %add3A_62 = arith.addi %get3A_56, %get3A_61 : vector<16xi32>
    %swap3A_63 = arith.constant 0 : i32
    %swap3A_64 = arith.index_cast %swap3A_63 : i32 to index
    %swap3A_65 = arith.constant 48 : index
    %swap3A_66 = tpu.vector_load %arg9[%swap3A_64, %swap3A_65] {strides = array<i32>} : memref<3x96xi32, #tpu.memory_space<vmem>>, vector<1x16xi32>,
    %swap3A_67 = vector.shape_cast %swap3A_66 : vector<1x16xi32> to vector<16xi32>
    %swap3A_68 = vector.shape_cast %add3A_62 : vector<16xi32> to vector<1x16xi32>
    tpu.vector_store %arg9[%swap3A_64, %swap3A_65], %swap3A_68 {strides = array<i32>} : memref<3x96xi32, #tpu.memory_space<vmem>>, vector<1x16xi32>,
    %get3A_69 = arith.constant 64 : index
    %get3A_70 = tpu.vector_load %arg6[%get3A_69] {strides = array<i32>} : memref<288xi32, #tpu.memory_space<vmem>>, vector<16xi32>,
    %get3A_71 = vector.shape_cast %get3A_70 : vector<16xi32> to vector<16xi32>
    %get3A_72 = arith.constant 0 : i32
    %get3A_73 = arith.index_cast %get3A_72 : i32 to index
    %get3A_74 = arith.constant 64 : index
    %get3A_75 = tpu.vector_load %arg8[%get3A_73, %get3A_74] {strides = array<i32>} : memref<1x144xi32, #tpu.memory_space<vmem>>, vector<1x16xi32>,
    %get3A_76 = vector.shape_cast %get3A_75 : vector<1x16xi32> to vector<16xi32>
    %add3A_77 = arith.addi %get3A_71, %get3A_76 : vector<16xi32>
    %swap3A_78 = arith.constant 0 : i32
    %swap3A_79 = arith.index_cast %swap3A_78 : i32 to index
    %swap3A_80 = arith.constant 64 : index
    %swap3A_81 = tpu.vector_load %arg9[%swap3A_79, %swap3A_80] {strides = array<i32>} : memref<3x96xi32, #tpu.memory_space<vmem>>, vector<1x16xi32>,
    %swap3A_82 = vector.shape_cast %swap3A_81 : vector<1x16xi32> to vector<16xi32>
    %swap3A_83 = vector.shape_cast %add3A_77 : vector<16xi32> to vector<1x16xi32>
    tpu.vector_store %arg9[%swap3A_79, %swap3A_80], %swap3A_83 {strides = array<i32>} : memref<3x96xi32, #tpu.memory_space<vmem>>, vector<1x16xi32>,
    %get3A_84 = arith.constant 80 : index
    %get3A_85 = tpu.vector_load %arg6[%get3A_84] {strides = array<i32>} : memref<288xi32, #tpu.memory_space<vmem>>, vector<16xi32>,
    %get3A_86 = vector.shape_cast %get3A_85 : vector<16xi32> to vector<16xi32>
    %get3A_87 = arith.constant 0 : i32
    %get3A_88 = arith.index_cast %get3A_87 : i32 to index
    %get3A_89 = arith.constant 80 : index
    %get3A_90 = tpu.vector_load %arg8[%get3A_88, %get3A_89] {strides = array<i32>} : memref<1x144xi32, #tpu.memory_space<vmem>>, vector<1x16xi32>,
    %get3A_91 = vector.shape_cast %get3A_90 : vector<1x16xi32> to vector<16xi32>
    %add3A_92 = arith.addi %get3A_86, %get3A_91 : vector<16xi32>
    %swap3A_93 = arith.constant 0 : i32
    %swap3A_94 = arith.index_cast %swap3A_93 : i32 to index
    %swap3A_95 = arith.constant 80 : index
    %swap3A_96 = tpu.vector_load %arg9[%swap3A_94, %swap3A_95] {strides = array<i32>} : memref<3x96xi32, #tpu.memory_space<vmem>>, vector<1x16xi32>,
    %swap3A_97 = vector.shape_cast %swap3A_96 : vector<1x16xi32> to vector<16xi32>
    %swap3A_98 = vector.shape_cast %add3A_92 : vector<16xi32> to vector<1x16xi32>
    tpu.vector_store %arg9[%swap3A_94, %swap3A_95], %swap3A_98 {strides = array<i32>} : memref<3x96xi32, #tpu.memory_space<vmem>>, vector<1x16xi32>,
    %get3A_99 = arith.constant 96 : index
    %get3A_100 = tpu.vector_load %arg6[%get3A_99] {strides = array<i32>} : memref<288xi32, #tpu.memory_space<vmem>>, vector<16xi32>,
    %get3A_101 = vector.shape_cast %get3A_100 : vector<16xi32> to vector<16xi32>
    %get3A_102 = arith.constant 0 : i32
    %get3A_103 = arith.index_cast %get3A_102 : i32 to index
    %get3A_104 = arith.constant 96 : index
    %get3A_105 = tpu.vector_load %arg8[%get3A_103, %get3A_104] {strides = array<i32>} : memref<1x144xi32, #tpu.memory_space<vmem>>, vector<1x16xi32>,
    %get3A_106 = vector.shape_cast %get3A_105 : vector<1x16xi32> to vector<16xi32>
    %add3A_107 = arith.addi %get3A_101, %get3A_106 : vector<16xi32>
    %swap3A_108 = arith.constant 1 : i32
    %swap3A_109 = arith.index_cast %swap3A_108 : i32 to index
    %swap3A_110 = arith.constant 0 : index
    %swap3A_111 = tpu.vector_load %arg9[%swap3A_109, %swap3A_110] {strides = array<i32>} : memref<3x96xi32, #tpu.memory_space<vmem>>, vector<1x16xi32>,
    %swap3A_112 = vector.shape_cast %swap3A_111 : vector<1x16xi32> to vector<16xi32>
    %swap3A_113 = vector.shape_cast %add3A_107 : vector<16xi32> to vector<1x16xi32>
    tpu.vector_store %arg9[%swap3A_109, %swap3A_110], %swap3A_113 {strides = array<i32>} : memref<3x96xi32, #tpu.memory_space<vmem>>, vector<1x16xi32>,
    %get3A_114 = arith.constant 112 : index
    %get3A_115 = tpu.vector_load %arg6[%get3A_114] {strides = array<i32>} : memref<288xi32, #tpu.memory_space<vmem>>, vector<16xi32>,
    %get3A_116 = vector.shape_cast %get3A_115 : vector<16xi32> to vector<16xi32>
    %get3A_117 = arith.constant 0 : i32
    %get3A_118 = arith.index_cast %get3A_117 : i32 to index
    %get3A_119 = arith.constant 112 : index
    %get3A_120 = tpu.vector_load %arg8[%get3A_118, %get3A_119] {strides = array<i32>} : memref<1x144xi32, #tpu.memory_space<vmem>>, vector<1x16xi32>,
    %get3A_121 = vector.shape_cast %get3A_120 : vector<1x16xi32> to vector<16xi32>
    %add3A_122 = arith.addi %get3A_116, %get3A_121 : vector<16xi32>
    %swap3A_123 = arith.constant 1 : i32
    %swap3A_124 = arith.index_cast %swap3A_123 : i32 to index
    %swap3A_125 = arith.constant 16 : index
    %swap3A_126 = tpu.vector_load %arg9[%swap3A_124, %swap3A_125] {strides = array<i32>} : memref<3x96xi32, #tpu.memory_space<vmem>>, vector<1x16xi32>,
    %swap3A_127 = vector.shape_cast %swap3A_126 : vector<1x16xi32> to vector<16xi32>
    %swap3A_128 = vector.shape_cast %add3A_122 : vector<16xi32> to vector<1x16xi32>
    tpu.vector_store %arg9[%swap3A_124, %swap3A_125], %swap3A_128 {strides = array<i32>} : memref<3x96xi32, #tpu.memory_space<vmem>>, vector<1x16xi32>,
    %get3A_129 = arith.constant 128 : index
    %get3A_130 = tpu.vector_load %arg6[%get3A_129] {strides = array<i32>} : memref<288xi32, #tpu.memory_space<vmem>>, vector<16xi32>,
    %get3A_131 = vector.shape_cast %get3A_130 : vector<16xi32> to vector<16xi32>
    %get3A_132 = arith.constant 0 : i32
    %get3A_133 = arith.index_cast %get3A_132 : i32 to index
    %get3A_134 = arith.constant 128 : index
    %get3A_135 = tpu.vector_load %arg8[%get3A_133, %get3A_134] {strides = array<i32>} : memref<1x144xi32, #tpu.memory_space<vmem>>, vector<1x16xi32>,
    %get3A_136 = vector.shape_cast %get3A_135 : vector<1x16xi32> to vector<16xi32>
    %add3A_137 = arith.addi %get3A_131, %get3A_136 : vector<16xi32>
    %swap3A_138 = arith.constant 1 : i32
    %swap3A_139 = arith.index_cast %swap3A_138 : i32 to index
    %swap3A_140 = arith.constant 32 : index
    %swap3A_141 = tpu.vector_load %arg9[%swap3A_139, %swap3A_140] {strides = array<i32>} : memref<3x96xi32, #tpu.memory_space<vmem>>, vector<1x16xi32>,
    %swap3A_142 = vector.shape_cast %swap3A_141 : vector<1x16xi32> to vector<16xi32>
    %swap3A_143 = vector.shape_cast %add3A_137 : vector<16xi32> to vector<1x16xi32>
    tpu.vector_store %arg9[%swap3A_139, %swap3A_140], %swap3A_143 {strides = array<i32>} : memref<3x96xi32, #tpu.memory_space<vmem>>, vector<1x16xi32>,
    %get3A_144 = arith.constant 144 : index
    %get3A_145 = tpu.vector_load %arg6[%get3A_144] {strides = array<i32>} : memref<288xi32, #tpu.memory_space<vmem>>, vector<16xi32>,
    %get3A_146 = vector.shape_cast %get3A_145 : vector<16xi32> to vector<16xi32>
    %get3A_147 = arith.constant 0 : i32
    %get3A_148 = arith.index_cast %get3A_147 : i32 to index
    %get3A_149 = arith.constant 0 : index
    %get3A_150 = tpu.vector_load %arg8[%get3A_148, %get3A_149] {strides = array<i32>} : memref<1x144xi32, #tpu.memory_space<vmem>>, vector<1x16xi32>,
    %get3A_151 = vector.shape_cast %get3A_150 : vector<1x16xi32> to vector<16xi32>
    %add3A_152 = arith.addi %get3A_146, %get3A_151 : vector<16xi32>
    %swap3A_153 = arith.constant 1 : i32
    %swap3A_154 = arith.index_cast %swap3A_153 : i32 to index
    %swap3A_155 = arith.constant 48 : index
    %swap3A_156 = tpu.vector_load %arg9[%swap3A_154, %swap3A_155] {strides = array<i32>} : memref<3x96xi32, #tpu.memory_space<vmem>>, vector<1x16xi32>,
    %swap3A_157 = vector.shape_cast %swap3A_156 : vector<1x16xi32> to vector<16xi32>
    %swap3A_158 = vector.shape_cast %add3A_152 : vector<16xi32> to vector<1x16xi32>
    tpu.vector_store %arg9[%swap3A_154, %swap3A_155], %swap3A_158 {strides = array<i32>} : memref<3x96xi32, #tpu.memory_space<vmem>>, vector<1x16xi32>,
    %get3A_159 = arith.constant 160 : index
    %get3A_160 = tpu.vector_load %arg6[%get3A_159] {strides = array<i32>} : memref<288xi32, #tpu.memory_space<vmem>>, vector<16xi32>,
    %get3A_161 = vector.shape_cast %get3A_160 : vector<16xi32> to vector<16xi32>
    %get3A_162 = arith.constant 0 : i32
    %get3A_163 = arith.index_cast %get3A_162 : i32 to index
    %get3A_164 = arith.constant 16 : index
    %get3A_165 = tpu.vector_load %arg8[%get3A_163, %get3A_164] {strides = array<i32>} : memref<1x144xi32, #tpu.memory_space<vmem>>, vector<1x16xi32>,
    %get3A_166 = vector.shape_cast %get3A_165 : vector<1x16xi32> to vector<16xi32>
    %add3A_167 = arith.addi %get3A_161, %get3A_166 : vector<16xi32>
    %swap3A_168 = arith.constant 1 : i32
    %swap3A_169 = arith.index_cast %swap3A_168 : i32 to index
    %swap3A_170 = arith.constant 64 : index
    %swap3A_171 = tpu.vector_load %arg9[%swap3A_169, %swap3A_170] {strides = array<i32>} : memref<3x96xi32, #tpu.memory_space<vmem>>, vector<1x16xi32>,
    %swap3A_172 = vector.shape_cast %swap3A_171 : vector<1x16xi32> to vector<16xi32>
    %swap3A_173 = vector.shape_cast %add3A_167 : vector<16xi32> to vector<1x16xi32>
    tpu.vector_store %arg9[%swap3A_169, %swap3A_170], %swap3A_173 {strides = array<i32>} : memref<3x96xi32, #tpu.memory_space<vmem>>, vector<1x16xi32>,
    %get3A_174 = arith.constant 176 : index
    %get3A_175 = tpu.vector_load %arg6[%get3A_174] {strides = array<i32>} : memref<288xi32, #tpu.memory_space<vmem>>, vector<16xi32>,
    %get3A_176 = vector.shape_cast %get3A_175 : vector<16xi32> to vector<16xi32>
    %get3A_177 = arith.constant 0 : i32
    %get3A_178 = arith.index_cast %get3A_177 : i32 to index
    %get3A_179 = arith.constant 32 : index
    %get3A_180 = tpu.vector_load %arg8[%get3A_178, %get3A_179] {strides = array<i32>} : memref<1x144xi32, #tpu.memory_space<vmem>>, vector<1x16xi32>,
    %get3A_181 = vector.shape_cast %get3A_180 : vector<1x16xi32> to vector<16xi32>
    %add3A_182 = arith.addi %get3A_176, %get3A_181 : vector<16xi32>
    %swap3A_183 = arith.constant 1 : i32
    %swap3A_184 = arith.index_cast %swap3A_183 : i32 to index
    %swap3A_185 = arith.constant 80 : index
    %swap3A_186 = tpu.vector_load %arg9[%swap3A_184, %swap3A_185] {strides = array<i32>} : memref<3x96xi32, #tpu.memory_space<vmem>>, vector<1x16xi32>,
    %swap3A_187 = vector.shape_cast %swap3A_186 : vector<1x16xi32> to vector<16xi32>
    %swap3A_188 = vector.shape_cast %add3A_182 : vector<16xi32> to vector<1x16xi32>
    tpu.vector_store %arg9[%swap3A_184, %swap3A_185], %swap3A_188 {strides = array<i32>} : memref<3x96xi32, #tpu.memory_space<vmem>>, vector<1x16xi32>,
    %get3A_189 = arith.constant 192 : index
    %get3A_190 = tpu.vector_load %arg6[%get3A_189] {strides = array<i32>} : memref<288xi32, #tpu.memory_space<vmem>>, vector<16xi32>,
    %get3A_191 = vector.shape_cast %get3A_190 : vector<16xi32> to vector<16xi32>
    %get3A_192 = arith.constant 0 : i32
    %get3A_193 = arith.index_cast %get3A_192 : i32 to index
    %get3A_194 = arith.constant 48 : index
    %get3A_195 = tpu.vector_load %arg8[%get3A_193, %get3A_194] {strides = array<i32>} : memref<1x144xi32, #tpu.memory_space<vmem>>, vector<1x16xi32>,
    %get3A_196 = vector.shape_cast %get3A_195 : vector<1x16xi32> to vector<16xi32>
    %add3A_197 = arith.addi %get3A_191, %get3A_196 : vector<16xi32>
    %swap3A_198 = arith.constant 2 : i32
    %swap3A_199 = arith.index_cast %swap3A_198 : i32 to index
    %swap3A_200 = arith.constant 0 : index
    %swap3A_201 = tpu.vector_load %arg9[%swap3A_199, %swap3A_200] {strides = array<i32>} : memref<3x96xi32, #tpu.memory_space<vmem>>, vector<1x16xi32>,
    %swap3A_202 = vector.shape_cast %swap3A_201 : vector<1x16xi32> to vector<16xi32>
    %swap3A_203 = vector.shape_cast %add3A_197 : vector<16xi32> to vector<1x16xi32>
    tpu.vector_store %arg9[%swap3A_199, %swap3A_200], %swap3A_203 {strides = array<i32>} : memref<3x96xi32, #tpu.memory_space<vmem>>, vector<1x16xi32>,
    %get3A_204 = arith.constant 208 : index
    %get3A_205 = tpu.vector_load %arg6[%get3A_204] {strides = array<i32>} : memref<288xi32, #tpu.memory_space<vmem>>, vector<16xi32>,
    %get3A_206 = vector.shape_cast %get3A_205 : vector<16xi32> to vector<16xi32>
    %get3A_207 = arith.constant 0 : i32
    %get3A_208 = arith.index_cast %get3A_207 : i32 to index
    %get3A_209 = arith.constant 64 : index
    %get3A_210 = tpu.vector_load %arg8[%get3A_208, %get3A_209] {strides = array<i32>} : memref<1x144xi32, #tpu.memory_space<vmem>>, vector<1x16xi32>,
    %get3A_211 = vector.shape_cast %get3A_210 : vector<1x16xi32> to vector<16xi32>
    %add3A_212 = arith.addi %get3A_206, %get3A_211 : vector<16xi32>
    %swap3A_213 = arith.constant 2 : i32
    %swap3A_214 = arith.index_cast %swap3A_213 : i32 to index
    %swap3A_215 = arith.constant 16 : index
    %swap3A_216 = tpu.vector_load %arg9[%swap3A_214, %swap3A_215] {strides = array<i32>} : memref<3x96xi32, #tpu.memory_space<vmem>>, vector<1x16xi32>,
    %swap3A_217 = vector.shape_cast %swap3A_216 : vector<1x16xi32> to vector<16xi32>
    %swap3A_218 = vector.shape_cast %add3A_212 : vector<16xi32> to vector<1x16xi32>
    tpu.vector_store %arg9[%swap3A_214, %swap3A_215], %swap3A_218 {strides = array<i32>} : memref<3x96xi32, #tpu.memory_space<vmem>>, vector<1x16xi32>,
    %get3A_219 = arith.constant 224 : index
    %get3A_220 = tpu.vector_load %arg6[%get3A_219] {strides = array<i32>} : memref<288xi32, #tpu.memory_space<vmem>>, vector<16xi32>,
    %get3A_221 = vector.shape_cast %get3A_220 : vector<16xi32> to vector<16xi32>
    %get3A_222 = arith.constant 0 : i32
    %get3A_223 = arith.index_cast %get3A_222 : i32 to index
    %get3A_224 = arith.constant 80 : index
    %get3A_225 = tpu.vector_load %arg8[%get3A_223, %get3A_224] {strides = array<i32>} : memref<1x144xi32, #tpu.memory_space<vmem>>, vector<1x16xi32>,
    %get3A_226 = vector.shape_cast %get3A_225 : vector<1x16xi32> to vector<16xi32>
    %add3A_227 = arith.addi %get3A_221, %get3A_226 : vector<16xi32>
    %swap3A_228 = arith.constant 2 : i32
    %swap3A_229 = arith.index_cast %swap3A_228 : i32 to index
    %swap3A_230 = arith.constant 32 : index
    %swap3A_231 = tpu.vector_load %arg9[%swap3A_229, %swap3A_230] {strides = array<i32>} : memref<3x96xi32, #tpu.memory_space<vmem>>, vector<1x16xi32>,
    %swap3A_232 = vector.shape_cast %swap3A_231 : vector<1x16xi32> to vector<16xi32>
    %swap3A_233 = vector.shape_cast %add3A_227 : vector<16xi32> to vector<1x16xi32>
    tpu.vector_store %arg9[%swap3A_229, %swap3A_230], %swap3A_233 {strides = array<i32>} : memref<3x96xi32, #tpu.memory_space<vmem>>, vector<1x16xi32>,
    %get3A_234 = arith.constant 240 : index
    %get3A_235 = tpu.vector_load %arg6[%get3A_234] {strides = array<i32>} : memref<288xi32, #tpu.memory_space<vmem>>, vector<16xi32>,
    %get3A_236 = vector.shape_cast %get3A_235 : vector<16xi32> to vector<16xi32>
    %get3A_237 = arith.constant 0 : i32
    %get3A_238 = arith.index_cast %get3A_237 : i32 to index
    %get3A_239 = arith.constant 96 : index
    %get3A_240 = tpu.vector_load %arg8[%get3A_238, %get3A_239] {strides = array<i32>} : memref<1x144xi32, #tpu.memory_space<vmem>>, vector<1x16xi32>,
    %get3A_241 = vector.shape_cast %get3A_240 : vector<1x16xi32> to vector<16xi32>
    %add3A_242 = arith.addi %get3A_236, %get3A_241 : vector<16xi32>
    %swap3A_243 = arith.constant 2 : i32
    %swap3A_244 = arith.index_cast %swap3A_243 : i32 to index
    %swap3A_245 = arith.constant 48 : index
    %swap3A_246 = tpu.vector_load %arg9[%swap3A_244, %swap3A_245] {strides = array<i32>} : memref<3x96xi32, #tpu.memory_space<vmem>>, vector<1x16xi32>,
    %swap3A_247 = vector.shape_cast %swap3A_246 : vector<1x16xi32> to vector<16xi32>
    %swap3A_248 = vector.shape_cast %add3A_242 : vector<16xi32> to vector<1x16xi32>
    tpu.vector_store %arg9[%swap3A_244, %swap3A_245], %swap3A_248 {strides = array<i32>} : memref<3x96xi32, #tpu.memory_space<vmem>>, vector<1x16xi32>,
    %get3A_249 = arith.constant 256 : index
    %get3A_250 = tpu.vector_load %arg6[%get3A_249] {strides = array<i32>} : memref<288xi32, #tpu.memory_space<vmem>>, vector<16xi32>,
    %get3A_251 = vector.shape_cast %get3A_250 : vector<16xi32> to vector<16xi32>
    %get3A_252 = arith.constant 0 : i32
    %get3A_253 = arith.index_cast %get3A_252 : i32 to index
    %get3A_254 = arith.constant 112 : index
    %get3A_255 = tpu.vector_load %arg8[%get3A_253, %get3A_254] {strides = array<i32>} : memref<1x144xi32, #tpu.memory_space<vmem>>, vector<1x16xi32>,
    %get3A_256 = vector.shape_cast %get3A_255 : vector<1x16xi32> to vector<16xi32>
    %add3A_257 = arith.addi %get3A_251, %get3A_256 : vector<16xi32>
    %swap3A_258 = arith.constant 2 : i32
    %swap3A_259 = arith.index_cast %swap3A_258 : i32 to index
    %swap3A_260 = arith.constant 64 : index
    %swap3A_261 = tpu.vector_load %arg9[%swap3A_259, %swap3A_260] {strides = array<i32>} : memref<3x96xi32, #tpu.memory_space<vmem>>, vector<1x16xi32>,
    %swap3A_262 = vector.shape_cast %swap3A_261 : vector<1x16xi32> to vector<16xi32>
    %swap3A_263 = vector.shape_cast %add3A_257 : vector<16xi32> to vector<1x16xi32>
    tpu.vector_store %arg9[%swap3A_259, %swap3A_260], %swap3A_263 {strides = array<i32>} : memref<3x96xi32, #tpu.memory_space<vmem>>, vector<1x16xi32>,
    %get3A_264 = arith.constant 272 : index
    %get3A_265 = tpu.vector_load %arg6[%get3A_264] {strides = array<i32>} : memref<288xi32, #tpu.memory_space<vmem>>, vector<16xi32>,
    %get3A_266 = vector.shape_cast %get3A_265 : vector<16xi32> to vector<16xi32>
    %get3A_267 = arith.constant 0 : i32
    %get3A_268 = arith.index_cast %get3A_267 : i32 to index
    %get3A_269 = arith.constant 128 : index
    %get3A_270 = tpu.vector_load %arg8[%get3A_268, %get3A_269] {strides = array<i32>} : memref<1x144xi32, #tpu.memory_space<vmem>>, vector<1x16xi32>,
    %get3A_271 = vector.shape_cast %get3A_270 : vector<1x16xi32> to vector<16xi32>
    %add3A_272 = arith.addi %get3A_266, %get3A_271 : vector<16xi32>
    %swap3A_273 = arith.constant 2 : i32
    %swap3A_274 = arith.index_cast %swap3A_273 : i32 to index
    %swap3A_275 = arith.constant 80 : index
    %swap3A_276 = tpu.vector_load %arg9[%swap3A_274, %swap3A_275] {strides = array<i32>} : memref<3x96xi32, #tpu.memory_space<vmem>>, vector<1x16xi32>,
    %swap3A_277 = vector.shape_cast %swap3A_276 : vector<1x16xi32> to vector<16xi32>
    %swap3A_278 = vector.shape_cast %add3A_272 : vector<16xi32> to vector<1x16xi32>
    tpu.vector_store %arg9[%swap3A_274, %swap3A_275], %swap3A_278 {strides = array<i32>} : memref<3x96xi32, #tpu.memory_space<vmem>>, vector<1x16xi32>,
    %dma_start3A_279 = arith.constant 0 : i32
    %dma_start3A_280 = arith.constant 0 : i32
    %dma_start3A_281 = arith.constant 0 : i32
    %dma_start3A_282 = tpu.memref_slice %arg11[%dma_start3A_280, %dma_start3A_281] : memref<288x128xf32, #tpu.memory_space<vmem>> -> memref<96x128xf32, #tpu.memory_space<vmem>>
    %dma_start3A_283 = arith.constant 0 : i32
    %dma_start3A_284 = tpu.memref_slice %arg9[%dma_start3A_279, %dma_start3A_283] : memref<3x96xi32, #tpu.memory_space<vmem>> -> memref<1x96xi32, #tpu.memory_space<vmem>>
    %dma_start3A_285 = tpu.memref_squeeze %dma_start3A_284 : memref<1x96xi32, #tpu.memory_space<vmem>> -> memref<96xi32, #tpu.memory_space<vmem>>
    %dma_start3A_286 = arith.constant 0 : i32
    %dma_start3A_287 = arith.constant 0 : i32
    %dma_start3A_288 = tpu.memref_slice %arg4[%dma_start3A_286, %dma_start3A_287] : memref<9000x128xf32, #tpu.memory_space<hbm>> -> memref<9000x128xf32, #tpu.memory_space<hbm>>
    tpu.enqueue_indirect_dma source(%dma_start3A_288 : memref<9000x128xf32, #tpu.memory_space<hbm>>) target(%dma_start3A_282 : memref<96x128xf32, #tpu.memory_space<vmem>>) offsets(%dma_start3A_285 : memref<96xi32, #tpu.memory_space<vmem>>) semaphore(%arg15 : memref<!tpu.dma_semaphore, #tpu.memory_space<semaphore_mem>>)
    %dma_start3A_289 = arith.constant 1 : i32
    %dma_start3A_290 = arith.constant 96 : i32
    %dma_start3A_291 = arith.constant 0 : i32
    %dma_start3A_292 = tpu.memref_slice %arg11[%dma_start3A_290, %dma_start3A_291] : memref<288x128xf32, #tpu.memory_space<vmem>> -> memref<96x128xf32, #tpu.memory_space<vmem>>
    %dma_start3A_293 = arith.constant 0 : i32
    %dma_start3A_294 = tpu.memref_slice %arg9[%dma_start3A_289, %dma_start3A_293] : memref<3x96xi32, #tpu.memory_space<vmem>> -> memref<1x96xi32, #tpu.memory_space<vmem>>
    %dma_start3A_295 = tpu.memref_squeeze %dma_start3A_294 : memref<1x96xi32, #tpu.memory_space<vmem>> -> memref<96xi32, #tpu.memory_space<vmem>>
    %dma_start3A_296 = arith.constant 0 : i32
    %dma_start3A_297 = arith.constant 0 : i32
    %dma_start3A_298 = tpu.memref_slice %arg4[%dma_start3A_296, %dma_start3A_297] : memref<9000x128xf32, #tpu.memory_space<hbm>> -> memref<9000x128xf32, #tpu.memory_space<hbm>>
    tpu.enqueue_indirect_dma source(%dma_start3A_298 : memref<9000x128xf32, #tpu.memory_space<hbm>>) target(%dma_start3A_292 : memref<96x128xf32, #tpu.memory_space<vmem>>) offsets(%dma_start3A_295 : memref<96xi32, #tpu.memory_space<vmem>>) semaphore(%arg15 : memref<!tpu.dma_semaphore, #tpu.memory_space<semaphore_mem>>)
    %dma_start3A_299 = arith.constant 2 : i32
    %dma_start3A_300 = arith.constant 192 : i32
    %dma_start3A_301 = arith.constant 0 : i32
    %dma_start3A_302 = tpu.memref_slice %arg11[%dma_start3A_300, %dma_start3A_301] : memref<288x128xf32, #tpu.memory_space<vmem>> -> memref<96x128xf32, #tpu.memory_space<vmem>>
    %dma_start3A_303 = arith.constant 0 : i32
    %dma_start3A_304 = tpu.memref_slice %arg9[%dma_start3A_299, %dma_start3A_303] : memref<3x96xi32, #tpu.memory_space<vmem>> -> memref<1x96xi32, #tpu.memory_space<vmem>>
    %dma_start3A_305 = tpu.memref_squeeze %dma_start3A_304 : memref<1x96xi32, #tpu.memory_space<vmem>> -> memref<96xi32, #tpu.memory_space<vmem>>
    %dma_start3A_306 = arith.constant 0 : i32
    %dma_start3A_307 = arith.constant 0 : i32
    %dma_start3A_308 = tpu.memref_slice %arg4[%dma_start3A_306, %dma_start3A_307] : memref<9000x128xf32, #tpu.memory_space<hbm>> -> memref<9000x128xf32, #tpu.memory_space<hbm>>
    tpu.enqueue_indirect_dma source(%dma_start3A_308 : memref<9000x128xf32, #tpu.memory_space<hbm>>) target(%dma_start3A_302 : memref<96x128xf32, #tpu.memory_space<vmem>>) offsets(%dma_start3A_305 : memref<96xi32, #tpu.memory_space<vmem>>) semaphore(%arg15 : memref<!tpu.dma_semaphore, #tpu.memory_space<semaphore_mem>>)
    %scan3A = arith.constant 0 : i32
    %scan3A_309 = arith.constant 0 : i32
    %scan3A_310 = arith.constant 49 : i32
    %scan3A_311 = arith.addi %scan3A_309, %scan3A_310 : i32
    %scan3A_312 = arith.constant 1 : i32
    %scan3A_313 = scf.for %scan3A_379 = %scan3A_309 to %scan3A_311 step %scan3A_312 iter_args(%scan3A_380 = %scan3A) -> (i32)  : i32 {
      %mul3A_381 = arith.constant 2 : i32
      %mul3A_382 = arith.muli %mul3A_381, %scan3A_379 : i32
      %add3A_383 = arith.constant 2 : i32
      %add3A_384 = arith.addi %mul3A_382, %add3A_383 : i32
      %mul3A_385 = arith.constant 32 : i32
      %mul3A_386 = arith.muli %mul3A_385, %add3A_384 : i32
      %add3A_387 = arith.addi %add3A, %mul3A_386 : i32
      %lt3A_388 = arith.constant 3125 : i32
      %lt3A_389 = arith.cmpi slt, %add3A_387, %lt3A_388 : i32
      %convert_element_type3A_390 = arith.extui %lt3A_389 : i1 to i32
      %cond3A_391 = arith.constant 0 : i32
      %cond3A_392 = arith.cmpi ne, %convert_element_type3A_390, %cond3A_391 : i32
      scf.if %cond3A_392 {
        %mul3A_444 = arith.constant 288 : i32
        %mul3A_445 = arith.muli %add3A_387, %mul3A_444 : i32
        %dma_start3A_446 = tpu.memref_slice %arg2[%mul3A_445] : memref<900000xi32, #tpu.memory_space<hbm>> -> memref<288xi32, #tpu.memory_space<hbm>>
        %dma_start3A_447 = tpu.memref_slice %arg2[%mul3A_445] : memref<900000xi32, #tpu.memory_space<hbm>> -> memref<288xi32, #tpu.memory_space<hbm>>
        tpu.enqueue_dma source(%dma_start3A_447 : memref<288xi32, #tpu.memory_space<hbm>>) target(%arg6 : memref<288xi32, #tpu.memory_space<vmem>>) target_semaphore(%arg19 : memref<!tpu.dma_semaphore, #tpu.memory_space<semaphore_mem>>)
      } else {
      }
      %add3A_393 = arith.constant 1 : i32
      %add3A_394 = arith.addi %mul3A_382, %add3A_393 : i32
      %mul3A_395 = arith.constant 32 : i32
      %mul3A_396 = arith.muli %mul3A_395, %add3A_394 : i32
      %add3A_397 = arith.addi %add3A, %mul3A_396 : i32
      %lt3A_398 = arith.constant 3125 : i32
      %lt3A_399 = arith.cmpi slt, %add3A_397, %lt3A_398 : i32
      %convert_element_type3A_400 = arith.extui %lt3A_399 : i1 to i32
      %cond3A_401 = arith.constant 0 : i32
      %cond3A_402 = arith.cmpi ne, %convert_element_type3A_400, %cond3A_401 : i32
      scf.if %cond3A_402 {
        %dma_wait3A_444 = arith.constant 0 : i32
        %dma_wait3A_445 = tpu.memref_slice %arg2[%dma_wait3A_444] : memref<900000xi32, #tpu.memory_space<hbm>> -> memref<288xi32, #tpu.memory_space<hbm>>
        %dma_wait3A_446 = arith.constant 0 : i32
        %dma_wait3A_447 = tpu.memref_slice %arg2[%dma_wait3A_446] : memref<900000xi32, #tpu.memory_space<hbm>> -> memref<288xi32, #tpu.memory_space<hbm>>
        tpu.wait_dma2 semaphore(%arg20 : memref<!tpu.dma_semaphore, #tpu.memory_space<semaphore_mem>>) src(%dma_wait3A_447 : memref<288xi32, #tpu.memory_space<hbm>>) dst(%arg7 : memref<288xi32, #tpu.memory_space<vmem>>)
        %get3A_448 = arith.constant 0 : index
        %get3A_449 = tpu.vector_load %arg7[%get3A_448] {strides = array<i32>} : memref<288xi32, #tpu.memory_space<vmem>>, vector<16xi32>,
        %get3A_450 = vector.shape_cast %get3A_449 : vector<16xi32> to vector<16xi32>
        %get3A_451 = arith.constant 0 : i32
        %get3A_452 = arith.index_cast %get3A_451 : i32 to index
        %get3A_453 = arith.constant 0 : index
        %get3A_454 = tpu.vector_load %arg8[%get3A_452, %get3A_453] {strides = array<i32>} : memref<1x144xi32, #tpu.memory_space<vmem>>, vector<1x16xi32>,
        %get3A_455 = vector.shape_cast %get3A_454 : vector<1x16xi32> to vector<16xi32>
        %add3A_456 = arith.addi %get3A_450, %get3A_455 : vector<16xi32>
        %swap3A_457 = arith.constant 0 : i32
        %swap3A_458 = arith.index_cast %swap3A_457 : i32 to index
        %swap3A_459 = arith.constant 0 : index
        %swap3A_460 = tpu.vector_load %arg10[%swap3A_458, %swap3A_459] {strides = array<i32>} : memref<3x96xi32, #tpu.memory_space<vmem>>, vector<1x16xi32>,
        %swap3A_461 = vector.shape_cast %swap3A_460 : vector<1x16xi32> to vector<16xi32>
        %swap3A_462 = vector.shape_cast %add3A_456 : vector<16xi32> to vector<1x16xi32>
        tpu.vector_store %arg10[%swap3A_458, %swap3A_459], %swap3A_462 {strides = array<i32>} : memref<3x96xi32, #tpu.memory_space<vmem>>, vector<1x16xi32>,
        %get3A_463 = arith.constant 16 : index
        %get3A_464 = tpu.vector_load %arg7[%get3A_463] {strides = array<i32>} : memref<288xi32, #tpu.memory_space<vmem>>, vector<16xi32>,
        %get3A_465 = vector.shape_cast %get3A_464 : vector<16xi32> to vector<16xi32>
        %get3A_466 = arith.constant 0 : i32
        %get3A_467 = arith.index_cast %get3A_466 : i32 to index
        %get3A_468 = arith.constant 16 : index
        %get3A_469 = tpu.vector_load %arg8[%get3A_467, %get3A_468] {strides = array<i32>} : memref<1x144xi32, #tpu.memory_space<vmem>>, vector<1x16xi32>,
        %get3A_470 = vector.shape_cast %get3A_469 : vector<1x16xi32> to vector<16xi32>
        %add3A_471 = arith.addi %get3A_465, %get3A_470 : vector<16xi32>
        %swap3A_472 = arith.constant 0 : i32
        %swap3A_473 = arith.index_cast %swap3A_472 : i32 to index
        %swap3A_474 = arith.constant 16 : index
        %swap3A_475 = tpu.vector_load %arg10[%swap3A_473, %swap3A_474] {strides = array<i32>} : memref<3x96xi32, #tpu.memory_space<vmem>>, vector<1x16xi32>,
        %swap3A_476 = vector.shape_cast %swap3A_475 : vector<1x16xi32> to vector<16xi32>
        %swap3A_477 = vector.shape_cast %add3A_471 : vector<16xi32> to vector<1x16xi32>
        tpu.vector_store %arg10[%swap3A_473, %swap3A_474], %swap3A_477 {strides = array<i32>} : memref<3x96xi32, #tpu.memory_space<vmem>>, vector<1x16xi32>,
        %get3A_478 = arith.constant 32 : index
        %get3A_479 = tpu.vector_load %arg7[%get3A_478] {strides = array<i32>} : memref<288xi32, #tpu.memory_space<vmem>>, vector<16xi32>,
        %get3A_480 = vector.shape_cast %get3A_479 : vector<16xi32> to vector<16xi32>
        %get3A_481 = arith.constant 0 : i32
        %get3A_482 = arith.index_cast %get3A_481 : i32 to index
        %get3A_483 = arith.constant 32 : index
        %get3A_484 = tpu.vector_load %arg8[%get3A_482, %get3A_483] {strides = array<i32>} : memref<1x144xi32, #tpu.memory_space<vmem>>, vector<1x16xi32>,
        %get3A_485 = vector.shape_cast %get3A_484 : vector<1x16xi32> to vector<16xi32>
        %add3A_486 = arith.addi %get3A_480, %get3A_485 : vector<16xi32>
        %swap3A_487 = arith.constant 0 : i32
        %swap3A_488 = arith.index_cast %swap3A_487 : i32 to index
        %swap3A_489 = arith.constant 32 : index
        %swap3A_490 = tpu.vector_load %arg10[%swap3A_488, %swap3A_489] {strides = array<i32>} : memref<3x96xi32, #tpu.memory_space<vmem>>, vector<1x16xi32>,
        %swap3A_491 = vector.shape_cast %swap3A_490 : vector<1x16xi32> to vector<16xi32>
        %swap3A_492 = vector.shape_cast %add3A_486 : vector<16xi32> to vector<1x16xi32>
        tpu.vector_store %arg10[%swap3A_488, %swap3A_489], %swap3A_492 {strides = array<i32>} : memref<3x96xi32, #tpu.memory_space<vmem>>, vector<1x16xi32>,
        %get3A_493 = arith.constant 48 : index
        %get3A_494 = tpu.vector_load %arg7[%get3A_493] {strides = array<i32>} : memref<288xi32, #tpu.memory_space<vmem>>, vector<16xi32>,
        %get3A_495 = vector.shape_cast %get3A_494 : vector<16xi32> to vector<16xi32>
        %get3A_496 = arith.constant 0 : i32
        %get3A_497 = arith.index_cast %get3A_496 : i32 to index
        %get3A_498 = arith.constant 48 : index
        %get3A_499 = tpu.vector_load %arg8[%get3A_497, %get3A_498] {strides = array<i32>} : memref<1x144xi32, #tpu.memory_space<vmem>>, vector<1x16xi32>,
        %get3A_500 = vector.shape_cast %get3A_499 : vector<1x16xi32> to vector<16xi32>
        %add3A_501 = arith.addi %get3A_495, %get3A_500 : vector<16xi32>
        %swap3A_502 = arith.constant 0 : i32
        %swap3A_503 = arith.index_cast %swap3A_502 : i32 to index
        %swap3A_504 = arith.constant 48 : index
        %swap3A_505 = tpu.vector_load %arg10[%swap3A_503, %swap3A_504] {strides = array<i32>} : memref<3x96xi32, #tpu.memory_space<vmem>>, vector<1x16xi32>,
        %swap3A_506 = vector.shape_cast %swap3A_505 : vector<1x16xi32> to vector<16xi32>
        %swap3A_507 = vector.shape_cast %add3A_501 : vector<16xi32> to vector<1x16xi32>
        tpu.vector_store %arg10[%swap3A_503, %swap3A_504], %swap3A_507 {strides = array<i32>} : memref<3x96xi32, #tpu.memory_space<vmem>>, vector<1x16xi32>,
        %get3A_508 = arith.constant 64 : index
        %get3A_509 = tpu.vector_load %arg7[%get3A_508] {strides = array<i32>} : memref<288xi32, #tpu.memory_space<vmem>>, vector<16xi32>,
        %get3A_510 = vector.shape_cast %get3A_509 : vector<16xi32> to vector<16xi32>
        %get3A_511 = arith.constant 0 : i32
        %get3A_512 = arith.index_cast %get3A_511 : i32 to index
        %get3A_513 = arith.constant 64 : index
        %get3A_514 = tpu.vector_load %arg8[%get3A_512, %get3A_513] {strides = array<i32>} : memref<1x144xi32, #tpu.memory_space<vmem>>, vector<1x16xi32>,
        %get3A_515 = vector.shape_cast %get3A_514 : vector<1x16xi32> to vector<16xi32>
        %add3A_516 = arith.addi %get3A_510, %get3A_515 : vector<16xi32>
        %swap3A_517 = arith.constant 0 : i32
        %swap3A_518 = arith.index_cast %swap3A_517 : i32 to index
        %swap3A_519 = arith.constant 64 : index
        %swap3A_520 = tpu.vector_load %arg10[%swap3A_518, %swap3A_519] {strides = array<i32>} : memref<3x96xi32, #tpu.memory_space<vmem>>, vector<1x16xi32>,
        %swap3A_521 = vector.shape_cast %swap3A_520 : vector<1x16xi32> to vector<16xi32>
        %swap3A_522 = vector.shape_cast %add3A_516 : vector<16xi32> to vector<1x16xi32>
        tpu.vector_store %arg10[%swap3A_518, %swap3A_519], %swap3A_522 {strides = array<i32>} : memref<3x96xi32, #tpu.memory_space<vmem>>, vector<1x16xi32>,
        %get3A_523 = arith.constant 80 : index
        %get3A_524 = tpu.vector_load %arg7[%get3A_523] {strides = array<i32>} : memref<288xi32, #tpu.memory_space<vmem>>, vector<16xi32>,
        %get3A_525 = vector.shape_cast %get3A_524 : vector<16xi32> to vector<16xi32>
        %get3A_526 = arith.constant 0 : i32
        %get3A_527 = arith.index_cast %get3A_526 : i32 to index
        %get3A_528 = arith.constant 80 : index
        %get3A_529 = tpu.vector_load %arg8[%get3A_527, %get3A_528] {strides = array<i32>} : memref<1x144xi32, #tpu.memory_space<vmem>>, vector<1x16xi32>,
        %get3A_530 = vector.shape_cast %get3A_529 : vector<1x16xi32> to vector<16xi32>
        %add3A_531 = arith.addi %get3A_525, %get3A_530 : vector<16xi32>
        %swap3A_532 = arith.constant 0 : i32
        %swap3A_533 = arith.index_cast %swap3A_532 : i32 to index
        %swap3A_534 = arith.constant 80 : index
        %swap3A_535 = tpu.vector_load %arg10[%swap3A_533, %swap3A_534] {strides = array<i32>} : memref<3x96xi32, #tpu.memory_space<vmem>>, vector<1x16xi32>,
        %swap3A_536 = vector.shape_cast %swap3A_535 : vector<1x16xi32> to vector<16xi32>
        %swap3A_537 = vector.shape_cast %add3A_531 : vector<16xi32> to vector<1x16xi32>
        tpu.vector_store %arg10[%swap3A_533, %swap3A_534], %swap3A_537 {strides = array<i32>} : memref<3x96xi32, #tpu.memory_space<vmem>>, vector<1x16xi32>,
        %get3A_538 = arith.constant 96 : index
        %get3A_539 = tpu.vector_load %arg7[%get3A_538] {strides = array<i32>} : memref<288xi32, #tpu.memory_space<vmem>>, vector<16xi32>,
        %get3A_540 = vector.shape_cast %get3A_539 : vector<16xi32> to vector<16xi32>
        %get3A_541 = arith.constant 0 : i32
        %get3A_542 = arith.index_cast %get3A_541 : i32 to index
        %get3A_543 = arith.constant 96 : index
        %get3A_544 = tpu.vector_load %arg8[%get3A_542, %get3A_543] {strides = array<i32>} : memref<1x144xi32, #tpu.memory_space<vmem>>, vector<1x16xi32>,
        %get3A_545 = vector.shape_cast %get3A_544 : vector<1x16xi32> to vector<16xi32>
        %add3A_546 = arith.addi %get3A_540, %get3A_545 : vector<16xi32>
        %swap3A_547 = arith.constant 1 : i32
        %swap3A_548 = arith.index_cast %swap3A_547 : i32 to index
        %swap3A_549 = arith.constant 0 : index
        %swap3A_550 = tpu.vector_load %arg10[%swap3A_548, %swap3A_549] {strides = array<i32>} : memref<3x96xi32, #tpu.memory_space<vmem>>, vector<1x16xi32>,
        %swap3A_551 = vector.shape_cast %swap3A_550 : vector<1x16xi32> to vector<16xi32>
        %swap3A_552 = vector.shape_cast %add3A_546 : vector<16xi32> to vector<1x16xi32>
        tpu.vector_store %arg10[%swap3A_548, %swap3A_549], %swap3A_552 {strides = array<i32>} : memref<3x96xi32, #tpu.memory_space<vmem>>, vector<1x16xi32>,
        %get3A_553 = arith.constant 112 : index
        %get3A_554 = tpu.vector_load %arg7[%get3A_553] {strides = array<i32>} : memref<288xi32, #tpu.memory_space<vmem>>, vector<16xi32>,
        %get3A_555 = vector.shape_cast %get3A_554 : vector<16xi32> to vector<16xi32>
        %get3A_556 = arith.constant 0 : i32
        %get3A_557 = arith.index_cast %get3A_556 : i32 to index
        %get3A_558 = arith.constant 112 : index
        %get3A_559 = tpu.vector_load %arg8[%get3A_557, %get3A_558] {strides = array<i32>} : memref<1x144xi32, #tpu.memory_space<vmem>>, vector<1x16xi32>,
        %get3A_560 = vector.shape_cast %get3A_559 : vector<1x16xi32> to vector<16xi32>
        %add3A_561 = arith.addi %get3A_555, %get3A_560 : vector<16xi32>
        %swap3A_562 = arith.constant 1 : i32
        %swap3A_563 = arith.index_cast %swap3A_562 : i32 to index
        %swap3A_564 = arith.constant 16 : index
        %swap3A_565 = tpu.vector_load %arg10[%swap3A_563, %swap3A_564] {strides = array<i32>} : memref<3x96xi32, #tpu.memory_space<vmem>>, vector<1x16xi32>,
        %swap3A_566 = vector.shape_cast %swap3A_565 : vector<1x16xi32> to vector<16xi32>
        %swap3A_567 = vector.shape_cast %add3A_561 : vector<16xi32> to vector<1x16xi32>
        tpu.vector_store %arg10[%swap3A_563, %swap3A_564], %swap3A_567 {strides = array<i32>} : memref<3x96xi32, #tpu.memory_space<vmem>>, vector<1x16xi32>,
        %get3A_568 = arith.constant 128 : index
        %get3A_569 = tpu.vector_load %arg7[%get3A_568] {strides = array<i32>} : memref<288xi32, #tpu.memory_space<vmem>>, vector<16xi32>,
        %get3A_570 = vector.shape_cast %get3A_569 : vector<16xi32> to vector<16xi32>
        %get3A_571 = arith.constant 0 : i32
        %get3A_572 = arith.index_cast %get3A_571 : i32 to index
        %get3A_573 = arith.constant 128 : index
        %get3A_574 = tpu.vector_load %arg8[%get3A_572, %get3A_573] {strides = array<i32>} : memref<1x144xi32, #tpu.memory_space<vmem>>, vector<1x16xi32>,
        %get3A_575 = vector.shape_cast %get3A_574 : vector<1x16xi32> to vector<16xi32>
        %add3A_576 = arith.addi %get3A_570, %get3A_575 : vector<16xi32>
        %swap3A_577 = arith.constant 1 : i32
        %swap3A_578 = arith.index_cast %swap3A_577 : i32 to index
        %swap3A_579 = arith.constant 32 : index
        %swap3A_580 = tpu.vector_load %arg10[%swap3A_578, %swap3A_579] {strides = array<i32>} : memref<3x96xi32, #tpu.memory_space<vmem>>, vector<1x16xi32>,
        %swap3A_581 = vector.shape_cast %swap3A_580 : vector<1x16xi32> to vector<16xi32>
        %swap3A_582 = vector.shape_cast %add3A_576 : vector<16xi32> to vector<1x16xi32>
        tpu.vector_store %arg10[%swap3A_578, %swap3A_579], %swap3A_582 {strides = array<i32>} : memref<3x96xi32, #tpu.memory_space<vmem>>, vector<1x16xi32>,
        %get3A_583 = arith.constant 144 : index
        %get3A_584 = tpu.vector_load %arg7[%get3A_583] {strides = array<i32>} : memref<288xi32, #tpu.memory_space<vmem>>, vector<16xi32>,
        %get3A_585 = vector.shape_cast %get3A_584 : vector<16xi32> to vector<16xi32>
        %get3A_586 = arith.constant 0 : i32
        %get3A_587 = arith.index_cast %get3A_586 : i32 to index
        %get3A_588 = arith.constant 0 : index
        %get3A_589 = tpu.vector_load %arg8[%get3A_587, %get3A_588] {strides = array<i32>} : memref<1x144xi32, #tpu.memory_space<vmem>>, vector<1x16xi32>,
        %get3A_590 = vector.shape_cast %get3A_589 : vector<1x16xi32> to vector<16xi32>
        %add3A_591 = arith.addi %get3A_585, %get3A_590 : vector<16xi32>
        %swap3A_592 = arith.constant 1 : i32
        %swap3A_593 = arith.index_cast %swap3A_592 : i32 to index
        %swap3A_594 = arith.constant 48 : index
        %swap3A_595 = tpu.vector_load %arg10[%swap3A_593, %swap3A_594] {strides = array<i32>} : memref<3x96xi32, #tpu.memory_space<vmem>>, vector<1x16xi32>,
        %swap3A_596 = vector.shape_cast %swap3A_595 : vector<1x16xi32> to vector<16xi32>
        %swap3A_597 = vector.shape_cast %add3A_591 : vector<16xi32> to vector<1x16xi32>
        tpu.vector_store %arg10[%swap3A_593, %swap3A_594], %swap3A_597 {strides = array<i32>} : memref<3x96xi32, #tpu.memory_space<vmem>>, vector<1x16xi32>,
        %get3A_598 = arith.constant 160 : index
        %get3A_599 = tpu.vector_load %arg7[%get3A_598] {strides = array<i32>} : memref<288xi32, #tpu.memory_space<vmem>>, vector<16xi32>,
        %get3A_600 = vector.shape_cast %get3A_599 : vector<16xi32> to vector<16xi32>
        %get3A_601 = arith.constant 0 : i32
        %get3A_602 = arith.index_cast %get3A_601 : i32 to index
        %get3A_603 = arith.constant 16 : index
        %get3A_604 = tpu.vector_load %arg8[%get3A_602, %get3A_603] {strides = array<i32>} : memref<1x144xi32, #tpu.memory_space<vmem>>, vector<1x16xi32>,
        %get3A_605 = vector.shape_cast %get3A_604 : vector<1x16xi32> to vector<16xi32>
        %add3A_606 = arith.addi %get3A_600, %get3A_605 : vector<16xi32>
        %swap3A_607 = arith.constant 1 : i32
        %swap3A_608 = arith.index_cast %swap3A_607 : i32 to index
        %swap3A_609 = arith.constant 64 : index
        %swap3A_610 = tpu.vector_load %arg10[%swap3A_608, %swap3A_609] {strides = array<i32>} : memref<3x96xi32, #tpu.memory_space<vmem>>, vector<1x16xi32>,
        %swap3A_611 = vector.shape_cast %swap3A_610 : vector<1x16xi32> to vector<16xi32>
        %swap3A_612 = vector.shape_cast %add3A_606 : vector<16xi32> to vector<1x16xi32>
        tpu.vector_store %arg10[%swap3A_608, %swap3A_609], %swap3A_612 {strides = array<i32>} : memref<3x96xi32, #tpu.memory_space<vmem>>, vector<1x16xi32>,
        %get3A_613 = arith.constant 176 : index
        %get3A_614 = tpu.vector_load %arg7[%get3A_613] {strides = array<i32>} : memref<288xi32, #tpu.memory_space<vmem>>, vector<16xi32>,
        %get3A_615 = vector.shape_cast %get3A_614 : vector<16xi32> to vector<16xi32>
        %get3A_616 = arith.constant 0 : i32
        %get3A_617 = arith.index_cast %get3A_616 : i32 to index
        %get3A_618 = arith.constant 32 : index
        %get3A_619 = tpu.vector_load %arg8[%get3A_617, %get3A_618] {strides = array<i32>} : memref<1x144xi32, #tpu.memory_space<vmem>>, vector<1x16xi32>,
        %get3A_620 = vector.shape_cast %get3A_619 : vector<1x16xi32> to vector<16xi32>
        %add3A_621 = arith.addi %get3A_615, %get3A_620 : vector<16xi32>
        %swap3A_622 = arith.constant 1 : i32
        %swap3A_623 = arith.index_cast %swap3A_622 : i32 to index
        %swap3A_624 = arith.constant 80 : index
        %swap3A_625 = tpu.vector_load %arg10[%swap3A_623, %swap3A_624] {strides = array<i32>} : memref<3x96xi32, #tpu.memory_space<vmem>>, vector<1x16xi32>,
        %swap3A_626 = vector.shape_cast %swap3A_625 : vector<1x16xi32> to vector<16xi32>
        %swap3A_627 = vector.shape_cast %add3A_621 : vector<16xi32> to vector<1x16xi32>
        tpu.vector_store %arg10[%swap3A_623, %swap3A_624], %swap3A_627 {strides = array<i32>} : memref<3x96xi32, #tpu.memory_space<vmem>>, vector<1x16xi32>,
        %get3A_628 = arith.constant 192 : index
        %get3A_629 = tpu.vector_load %arg7[%get3A_628] {strides = array<i32>} : memref<288xi32, #tpu.memory_space<vmem>>, vector<16xi32>,
        %get3A_630 = vector.shape_cast %get3A_629 : vector<16xi32> to vector<16xi32>
        %get3A_631 = arith.constant 0 : i32
        %get3A_632 = arith.index_cast %get3A_631 : i32 to index
        %get3A_633 = arith.constant 48 : index
        %get3A_634 = tpu.vector_load %arg8[%get3A_632, %get3A_633] {strides = array<i32>} : memref<1x144xi32, #tpu.memory_space<vmem>>, vector<1x16xi32>,
        %get3A_635 = vector.shape_cast %get3A_634 : vector<1x16xi32> to vector<16xi32>
        %add3A_636 = arith.addi %get3A_630, %get3A_635 : vector<16xi32>
        %swap3A_637 = arith.constant 2 : i32
        %swap3A_638 = arith.index_cast %swap3A_637 : i32 to index
        %swap3A_639 = arith.constant 0 : index
        %swap3A_640 = tpu.vector_load %arg10[%swap3A_638, %swap3A_639] {strides = array<i32>} : memref<3x96xi32, #tpu.memory_space<vmem>>, vector<1x16xi32>,
        %swap3A_641 = vector.shape_cast %swap3A_640 : vector<1x16xi32> to vector<16xi32>
        %swap3A_642 = vector.shape_cast %add3A_636 : vector<16xi32> to vector<1x16xi32>
        tpu.vector_store %arg10[%swap3A_638, %swap3A_639], %swap3A_642 {strides = array<i32>} : memref<3x96xi32, #tpu.memory_space<vmem>>, vector<1x16xi32>,
        %get3A_643 = arith.constant 208 : index
        %get3A_644 = tpu.vector_load %arg7[%get3A_643] {strides = array<i32>} : memref<288xi32, #tpu.memory_space<vmem>>, vector<16xi32>,
        %get3A_645 = vector.shape_cast %get3A_644 : vector<16xi32> to vector<16xi32>
        %get3A_646 = arith.constant 0 : i32
        %get3A_647 = arith.index_cast %get3A_646 : i32 to index
        %get3A_648 = arith.constant 64 : index
        %get3A_649 = tpu.vector_load %arg8[%get3A_647, %get3A_648] {strides = array<i32>} : memref<1x144xi32, #tpu.memory_space<vmem>>, vector<1x16xi32>,
        %get3A_650 = vector.shape_cast %get3A_649 : vector<1x16xi32> to vector<16xi32>
        %add3A_651 = arith.addi %get3A_645, %get3A_650 : vector<16xi32>
        %swap3A_652 = arith.constant 2 : i32
        %swap3A_653 = arith.index_cast %swap3A_652 : i32 to index
        %swap3A_654 = arith.constant 16 : index
        %swap3A_655 = tpu.vector_load %arg10[%swap3A_653, %swap3A_654] {strides = array<i32>} : memref<3x96xi32, #tpu.memory_space<vmem>>, vector<1x16xi32>,
        %swap3A_656 = vector.shape_cast %swap3A_655 : vector<1x16xi32> to vector<16xi32>
        %swap3A_657 = vector.shape_cast %add3A_651 : vector<16xi32> to vector<1x16xi32>
        tpu.vector_store %arg10[%swap3A_653, %swap3A_654], %swap3A_657 {strides = array<i32>} : memref<3x96xi32, #tpu.memory_space<vmem>>, vector<1x16xi32>,
        %get3A_658 = arith.constant 224 : index
        %get3A_659 = tpu.vector_load %arg7[%get3A_658] {strides = array<i32>} : memref<288xi32, #tpu.memory_space<vmem>>, vector<16xi32>,
        %get3A_660 = vector.shape_cast %get3A_659 : vector<16xi32> to vector<16xi32>
        %get3A_661 = arith.constant 0 : i32
        %get3A_662 = arith.index_cast %get3A_661 : i32 to index
        %get3A_663 = arith.constant 80 : index
        %get3A_664 = tpu.vector_load %arg8[%get3A_662, %get3A_663] {strides = array<i32>} : memref<1x144xi32, #tpu.memory_space<vmem>>, vector<1x16xi32>,
        %get3A_665 = vector.shape_cast %get3A_664 : vector<1x16xi32> to vector<16xi32>
        %add3A_666 = arith.addi %get3A_660, %get3A_665 : vector<16xi32>
        %swap3A_667 = arith.constant 2 : i32
        %swap3A_668 = arith.index_cast %swap3A_667 : i32 to index
        %swap3A_669 = arith.constant 32 : index
        %swap3A_670 = tpu.vector_load %arg10[%swap3A_668, %swap3A_669] {strides = array<i32>} : memref<3x96xi32, #tpu.memory_space<vmem>>, vector<1x16xi32>,
        %swap3A_671 = vector.shape_cast %swap3A_670 : vector<1x16xi32> to vector<16xi32>
        %swap3A_672 = vector.shape_cast %add3A_666 : vector<16xi32> to vector<1x16xi32>
        tpu.vector_store %arg10[%swap3A_668, %swap3A_669], %swap3A_672 {strides = array<i32>} : memref<3x96xi32, #tpu.memory_space<vmem>>, vector<1x16xi32>,
        %get3A_673 = arith.constant 240 : index
        %get3A_674 = tpu.vector_load %arg7[%get3A_673] {strides = array<i32>} : memref<288xi32, #tpu.memory_space<vmem>>, vector<16xi32>,
        %get3A_675 = vector.shape_cast %get3A_674 : vector<16xi32> to vector<16xi32>
        %get3A_676 = arith.constant 0 : i32
        %get3A_677 = arith.index_cast %get3A_676 : i32 to index
        %get3A_678 = arith.constant 96 : index
        %get3A_679 = tpu.vector_load %arg8[%get3A_677, %get3A_678] {strides = array<i32>} : memref<1x144xi32, #tpu.memory_space<vmem>>, vector<1x16xi32>,
        %get3A_680 = vector.shape_cast %get3A_679 : vector<1x16xi32> to vector<16xi32>
        %add3A_681 = arith.addi %get3A_675, %get3A_680 : vector<16xi32>
        %swap3A_682 = arith.constant 2 : i32
        %swap3A_683 = arith.index_cast %swap3A_682 : i32 to index
        %swap3A_684 = arith.constant 48 : index
        %swap3A_685 = tpu.vector_load %arg10[%swap3A_683, %swap3A_684] {strides = array<i32>} : memref<3x96xi32, #tpu.memory_space<vmem>>, vector<1x16xi32>,
        %swap3A_686 = vector.shape_cast %swap3A_685 : vector<1x16xi32> to vector<16xi32>
        %swap3A_687 = vector.shape_cast %add3A_681 : vector<16xi32> to vector<1x16xi32>
        tpu.vector_store %arg10[%swap3A_683, %swap3A_684], %swap3A_687 {strides = array<i32>} : memref<3x96xi32, #tpu.memory_space<vmem>>, vector<1x16xi32>,
        %get3A_688 = arith.constant 256 : index
        %get3A_689 = tpu.vector_load %arg7[%get3A_688] {strides = array<i32>} : memref<288xi32, #tpu.memory_space<vmem>>, vector<16xi32>,
        %get3A_690 = vector.shape_cast %get3A_689 : vector<16xi32> to vector<16xi32>
        %get3A_691 = arith.constant 0 : i32
        %get3A_692 = arith.index_cast %get3A_691 : i32 to index
        %get3A_693 = arith.constant 112 : index
        %get3A_694 = tpu.vector_load %arg8[%get3A_692, %get3A_693] {strides = array<i32>} : memref<1x144xi32, #tpu.memory_space<vmem>>, vector<1x16xi32>,
        %get3A_695 = vector.shape_cast %get3A_694 : vector<1x16xi32> to vector<16xi32>
        %add3A_696 = arith.addi %get3A_690, %get3A_695 : vector<16xi32>
        %swap3A_697 = arith.constant 2 : i32
        %swap3A_698 = arith.index_cast %swap3A_697 : i32 to index
        %swap3A_699 = arith.constant 64 : index
        %swap3A_700 = tpu.vector_load %arg10[%swap3A_698, %swap3A_699] {strides = array<i32>} : memref<3x96xi32, #tpu.memory_space<vmem>>, vector<1x16xi32>,
        %swap3A_701 = vector.shape_cast %swap3A_700 : vector<1x16xi32> to vector<16xi32>
        %swap3A_702 = vector.shape_cast %add3A_696 : vector<16xi32> to vector<1x16xi32>
        tpu.vector_store %arg10[%swap3A_698, %swap3A_699], %swap3A_702 {strides = array<i32>} : memref<3x96xi32, #tpu.memory_space<vmem>>, vector<1x16xi32>,
        %get3A_703 = arith.constant 272 : index
        %get3A_704 = tpu.vector_load %arg7[%get3A_703] {strides = array<i32>} : memref<288xi32, #tpu.memory_space<vmem>>, vector<16xi32>,
        %get3A_705 = vector.shape_cast %get3A_704 : vector<16xi32> to vector<16xi32>
        %get3A_706 = arith.constant 0 : i32
        %get3A_707 = arith.index_cast %get3A_706 : i32 to index
        %get3A_708 = arith.constant 128 : index
        %get3A_709 = tpu.vector_load %arg8[%get3A_707, %get3A_708] {strides = array<i32>} : memref<1x144xi32, #tpu.memory_space<vmem>>, vector<1x16xi32>,
        %get3A_710 = vector.shape_cast %get3A_709 : vector<1x16xi32> to vector<16xi32>
        %add3A_711 = arith.addi %get3A_705, %get3A_710 : vector<16xi32>
        %swap3A_712 = arith.constant 2 : i32
        %swap3A_713 = arith.index_cast %swap3A_712 : i32 to index
        %swap3A_714 = arith.constant 80 : index
        %swap3A_715 = tpu.vector_load %arg10[%swap3A_713, %swap3A_714] {strides = array<i32>} : memref<3x96xi32, #tpu.memory_space<vmem>>, vector<1x16xi32>,
        %swap3A_716 = vector.shape_cast %swap3A_715 : vector<1x16xi32> to vector<16xi32>
        %swap3A_717 = vector.shape_cast %add3A_711 : vector<16xi32> to vector<1x16xi32>
        tpu.vector_store %arg10[%swap3A_713, %swap3A_714], %swap3A_717 {strides = array<i32>} : memref<3x96xi32, #tpu.memory_space<vmem>>, vector<1x16xi32>,
        %dma_start3A_718 = arith.constant 0 : i32
        %dma_start3A_719 = arith.constant 0 : i32
        %dma_start3A_720 = arith.constant 0 : i32
        %dma_start3A_721 = tpu.memref_slice %arg12[%dma_start3A_719, %dma_start3A_720] : memref<288x128xf32, #tpu.memory_space<vmem>> -> memref<96x128xf32, #tpu.memory_space<vmem>>
        %dma_start3A_722 = arith.constant 0 : i32
        %dma_start3A_723 = tpu.memref_slice %arg10[%dma_start3A_718, %dma_start3A_722] : memref<3x96xi32, #tpu.memory_space<vmem>> -> memref<1x96xi32, #tpu.memory_space<vmem>>
        %dma_start3A_724 = tpu.memref_squeeze %dma_start3A_723 : memref<1x96xi32, #tpu.memory_space<vmem>> -> memref<96xi32, #tpu.memory_space<vmem>>
        %dma_start3A_725 = arith.constant 0 : i32
        %dma_start3A_726 = arith.constant 0 : i32
        %dma_start3A_727 = tpu.memref_slice %arg4[%dma_start3A_725, %dma_start3A_726] : memref<9000x128xf32, #tpu.memory_space<hbm>> -> memref<9000x128xf32, #tpu.memory_space<hbm>>
        tpu.enqueue_indirect_dma source(%dma_start3A_727 : memref<9000x128xf32, #tpu.memory_space<hbm>>) target(%dma_start3A_721 : memref<96x128xf32, #tpu.memory_space<vmem>>) offsets(%dma_start3A_724 : memref<96xi32, #tpu.memory_space<vmem>>) semaphore(%arg16 : memref<!tpu.dma_semaphore, #tpu.memory_space<semaphore_mem>>)
        %dma_start3A_728 = arith.constant 1 : i32
        %dma_start3A_729 = arith.constant 96 : i32
        %dma_start3A_730 = arith.constant 0 : i32
        %dma_start3A_731 = tpu.memref_slice %arg12[%dma_start3A_729, %dma_start3A_730] : memref<288x128xf32, #tpu.memory_space<vmem>> -> memref<96x128xf32, #tpu.memory_space<vmem>>
        %dma_start3A_732 = arith.constant 0 : i32
        %dma_start3A_733 = tpu.memref_slice %arg10[%dma_start3A_728, %dma_start3A_732] : memref<3x96xi32, #tpu.memory_space<vmem>> -> memref<1x96xi32, #tpu.memory_space<vmem>>
        %dma_start3A_734 = tpu.memref_squeeze %dma_start3A_733 : memref<1x96xi32, #tpu.memory_space<vmem>> -> memref<96xi32, #tpu.memory_space<vmem>>
        %dma_start3A_735 = arith.constant 0 : i32
        %dma_start3A_736 = arith.constant 0 : i32
        %dma_start3A_737 = tpu.memref_slice %arg4[%dma_start3A_735, %dma_start3A_736] : memref<9000x128xf32, #tpu.memory_space<hbm>> -> memref<9000x128xf32, #tpu.memory_space<hbm>>
        tpu.enqueue_indirect_dma source(%dma_start3A_737 : memref<9000x128xf32, #tpu.memory_space<hbm>>) target(%dma_start3A_731 : memref<96x128xf32, #tpu.memory_space<vmem>>) offsets(%dma_start3A_734 : memref<96xi32, #tpu.memory_space<vmem>>) semaphore(%arg16 : memref<!tpu.dma_semaphore, #tpu.memory_space<semaphore_mem>>)
        %dma_start3A_738 = arith.constant 2 : i32
        %dma_start3A_739 = arith.constant 192 : i32
        %dma_start3A_740 = arith.constant 0 : i32
        %dma_start3A_741 = tpu.memref_slice %arg12[%dma_start3A_739, %dma_start3A_740] : memref<288x128xf32, #tpu.memory_space<vmem>> -> memref<96x128xf32, #tpu.memory_space<vmem>>
        %dma_start3A_742 = arith.constant 0 : i32
        %dma_start3A_743 = tpu.memref_slice %arg10[%dma_start3A_738, %dma_start3A_742] : memref<3x96xi32, #tpu.memory_space<vmem>> -> memref<1x96xi32, #tpu.memory_space<vmem>>
        %dma_start3A_744 = tpu.memref_squeeze %dma_start3A_743 : memref<1x96xi32, #tpu.memory_space<vmem>> -> memref<96xi32, #tpu.memory_space<vmem>>
        %dma_start3A_745 = arith.constant 0 : i32
        %dma_start3A_746 = arith.constant 0 : i32
        %dma_start3A_747 = tpu.memref_slice %arg4[%dma_start3A_745, %dma_start3A_746] : memref<9000x128xf32, #tpu.memory_space<hbm>> -> memref<9000x128xf32, #tpu.memory_space<hbm>>
        tpu.enqueue_indirect_dma source(%dma_start3A_747 : memref<9000x128xf32, #tpu.memory_space<hbm>>) target(%dma_start3A_741 : memref<96x128xf32, #tpu.memory_space<vmem>>) offsets(%dma_start3A_744 : memref<96xi32, #tpu.memory_space<vmem>>) semaphore(%arg16 : memref<!tpu.dma_semaphore, #tpu.memory_space<semaphore_mem>>)
      } else {
      }
      %mul3A_403 = arith.constant 32 : i32
      %mul3A_404 = arith.muli %mul3A_403, %mul3A_382 : i32
      %add3A_405 = arith.addi %add3A, %mul3A_404 : i32
      %lt3A_406 = arith.constant 3125 : i32
      %lt3A_407 = arith.cmpi slt, %add3A_405, %lt3A_406 : i32
      %convert_element_type3A_408 = arith.extui %lt3A_407 : i1 to i32
      %cond3A_409 = arith.constant 0 : i32
      %cond3A_410 = arith.cmpi ne, %convert_element_type3A_408, %cond3A_409 : i32
      scf.if %cond3A_410 {
        %dma_wait3A_444 = arith.constant 0 : i32
        %dma_wait3A_445 = arith.constant 0 : i32
        %dma_wait3A_446 = tpu.memref_slice %arg4[%dma_wait3A_444, %dma_wait3A_445] : memref<9000x128xf32, #tpu.memory_space<hbm>> -> memref<288x128xf32, #tpu.memory_space<hbm>>
        %dma_wait3A_447 = arith.constant 0 : i32
        %dma_wait3A_448 = arith.constant 0 : i32
        %dma_wait3A_449 = tpu.memref_slice %arg4[%dma_wait3A_447, %dma_wait3A_448] : memref<9000x128xf32, #tpu.memory_space<hbm>> -> memref<288x128xf32, #tpu.memory_space<hbm>>
        tpu.wait_dma2 semaphore(%arg15 : memref<!tpu.dma_semaphore, #tpu.memory_space<semaphore_mem>>) src(%dma_wait3A_449 : memref<288x128xf32, #tpu.memory_space<hbm>>) dst(%arg11 : memref<288x128xf32, #tpu.memory_space<vmem>>)
        %ge3A_450 = arith.constant 2 : i32
        %ge3A_451 = arith.cmpi sge, %mul3A_382, %ge3A_450 : i32
        %convert_element_type3A_452 = arith.extui %ge3A_451 : i1 to i32
        %cond3A_453 = arith.constant 0 : i32
        %cond3A_454 = arith.cmpi ne, %convert_element_type3A_452, %cond3A_453 : i32
        scf.if %cond3A_454 {
          %sub3A_468 = arith.constant 64 : i32
          %sub3A_469 = arith.subi %add3A_405, %sub3A_468 : i32
          %mul3A_470 = arith.constant 32 : i32
          %mul3A_471 = arith.muli %sub3A_469, %mul3A_470 : i32
          %dma_wait3A_472 = arith.constant 0 : i32
          %dma_wait3A_473 = tpu.memref_slice %arg5[%mul3A_471, %dma_wait3A_472] : memref<100000x128xf32, #tpu.memory_space<hbm>> -> memref<32x128xf32, #tpu.memory_space<hbm>>
          %dma_wait3A_474 = arith.constant 0 : i32
          %dma_wait3A_475 = tpu.memref_slice %arg5[%mul3A_471, %dma_wait3A_474] : memref<100000x128xf32, #tpu.memory_space<hbm>> -> memref<32x128xf32, #tpu.memory_space<hbm>>
          tpu.wait_dma2 semaphore(%arg17 : memref<!tpu.dma_semaphore, #tpu.memory_space<semaphore_mem>>) src(%arg13 : memref<32x128xf32, #tpu.memory_space<vmem>>) dst(%dma_wait3A_475 : memref<32x128xf32, #tpu.memory_space<hbm>>)
        } else {
        }
        %scan3A_455 = arith.constant 0 : i32
        %scan3A_456 = arith.constant 0 : i32
        %scan3A_457 = arith.constant 32 : i32
        %scan3A_458 = arith.addi %scan3A_456, %scan3A_457 : i32
        %scan3A_459 = arith.constant 1 : i32
        %scan3A_460 = scf.for %scan3A_468 = %scan3A_456 to %scan3A_458 step %scan3A_459 iter_args(%scan3A_469 = %scan3A_455) -> (i32)  : i32 {
          %mul3A_470 = arith.constant 9 : i32
          %mul3A_471 = arith.muli %scan3A_468, %mul3A_470 : i32
          %get3A_472 = arith.index_cast %mul3A_471 : i32 to index
          %get3A_473 = arith.constant 0 : index
          %get3A_474 = tpu.vector_load %arg11[%get3A_472, %get3A_473] {strides = array<i32>} : memref<288x128xf32, #tpu.memory_space<vmem>>, vector<1x16xf32>,
          %get3A_475 = vector.shape_cast %get3A_474 : vector<1x16xf32> to vector<16xf32>
          %mul3A_476 = arith.constant 9 : i32
          %mul3A_477 = arith.muli %scan3A_468, %mul3A_476 : i32
          %add3A_478 = arith.constant 1 : i32
          %add3A_479 = arith.addi %mul3A_477, %add3A_478 : i32
          %get3A_480 = arith.index_cast %add3A_479 : i32 to index
          %get3A_481 = arith.constant 0 : index
          %get3A_482 = tpu.vector_load %arg11[%get3A_480, %get3A_481] {strides = array<i32>} : memref<288x128xf32, #tpu.memory_space<vmem>>, vector<1x16xf32>,
          %get3A_483 = vector.shape_cast %get3A_482 : vector<1x16xf32> to vector<16xf32>
          %add3A_484 = arith.addf %get3A_475, %get3A_483 : vector<16xf32>
          %mul3A_485 = arith.constant 9 : i32
          %mul3A_486 = arith.muli %scan3A_468, %mul3A_485 : i32
          %add3A_487 = arith.constant 2 : i32
          %add3A_488 = arith.addi %mul3A_486, %add3A_487 : i32
          %get3A_489 = arith.index_cast %add3A_488 : i32 to index
          %get3A_490 = arith.constant 0 : index
          %get3A_491 = tpu.vector_load %arg11[%get3A_489, %get3A_490] {strides = array<i32>} : memref<288x128xf32, #tpu.memory_space<vmem>>, vector<1x16xf32>,
          %get3A_492 = vector.shape_cast %get3A_491 : vector<1x16xf32> to vector<16xf32>
          %add3A_493 = arith.addf %add3A_484, %get3A_492 : vector<16xf32>
          %mul3A_494 = arith.constant 9 : i32
          %mul3A_495 = arith.muli %scan3A_468, %mul3A_494 : i32
          %add3A_496 = arith.constant 3 : i32
          %add3A_497 = arith.addi %mul3A_495, %add3A_496 : i32
          %get3A_498 = arith.index_cast %add3A_497 : i32 to index
          %get3A_499 = arith.constant 0 : index
          %get3A_500 = tpu.vector_load %arg11[%get3A_498, %get3A_499] {strides = array<i32>} : memref<288x128xf32, #tpu.memory_space<vmem>>, vector<1x16xf32>,
          %get3A_501 = vector.shape_cast %get3A_500 : vector<1x16xf32> to vector<16xf32>
          %add3A_502 = arith.addf %add3A_493, %get3A_501 : vector<16xf32>
          %mul3A_503 = arith.constant 9 : i32
          %mul3A_504 = arith.muli %scan3A_468, %mul3A_503 : i32
          %add3A_505 = arith.constant 4 : i32
          %add3A_506 = arith.addi %mul3A_504, %add3A_505 : i32
          %get3A_507 = arith.index_cast %add3A_506 : i32 to index
          %get3A_508 = arith.constant 0 : index
          %get3A_509 = tpu.vector_load %arg11[%get3A_507, %get3A_508] {strides = array<i32>} : memref<288x128xf32, #tpu.memory_space<vmem>>, vector<1x16xf32>,
          %get3A_510 = vector.shape_cast %get3A_509 : vector<1x16xf32> to vector<16xf32>
          %add3A_511 = arith.addf %add3A_502, %get3A_510 : vector<16xf32>
          %mul3A_512 = arith.constant 9 : i32
          %mul3A_513 = arith.muli %scan3A_468, %mul3A_512 : i32
          %add3A_514 = arith.constant 5 : i32
          %add3A_515 = arith.addi %mul3A_513, %add3A_514 : i32
          %get3A_516 = arith.index_cast %add3A_515 : i32 to index
          %get3A_517 = arith.constant 0 : index
          %get3A_518 = tpu.vector_load %arg11[%get3A_516, %get3A_517] {strides = array<i32>} : memref<288x128xf32, #tpu.memory_space<vmem>>, vector<1x16xf32>,
          %get3A_519 = vector.shape_cast %get3A_518 : vector<1x16xf32> to vector<16xf32>
          %add3A_520 = arith.addf %add3A_511, %get3A_519 : vector<16xf32>
          %mul3A_521 = arith.constant 9 : i32
          %mul3A_522 = arith.muli %scan3A_468, %mul3A_521 : i32
          %add3A_523 = arith.constant 6 : i32
          %add3A_524 = arith.addi %mul3A_522, %add3A_523 : i32
          %get3A_525 = arith.index_cast %add3A_524 : i32 to index
          %get3A_526 = arith.constant 0 : index
          %get3A_527 = tpu.vector_load %arg11[%get3A_525, %get3A_526] {strides = array<i32>} : memref<288x128xf32, #tpu.memory_space<vmem>>, vector<1x16xf32>,
          %get3A_528 = vector.shape_cast %get3A_527 : vector<1x16xf32> to vector<16xf32>
          %add3A_529 = arith.addf %add3A_520, %get3A_528 : vector<16xf32>
          %mul3A_530 = arith.constant 9 : i32
          %mul3A_531 = arith.muli %scan3A_468, %mul3A_530 : i32
          %add3A_532 = arith.constant 7 : i32
          %add3A_533 = arith.addi %mul3A_531, %add3A_532 : i32
          %get3A_534 = arith.index_cast %add3A_533 : i32 to index
          %get3A_535 = arith.constant 0 : index
          %get3A_536 = tpu.vector_load %arg11[%get3A_534, %get3A_535] {strides = array<i32>} : memref<288x128xf32, #tpu.memory_space<vmem>>, vector<1x16xf32>,
          %get3A_537 = vector.shape_cast %get3A_536 : vector<1x16xf32> to vector<16xf32>
          %add3A_538 = arith.addf %add3A_529, %get3A_537 : vector<16xf32>
          %mul3A_539 = arith.constant 9 : i32
          %mul3A_540 = arith.muli %scan3A_468, %mul3A_539 : i32
          %add3A_541 = arith.constant 8 : i32
          %add3A_542 = arith.addi %mul3A_540, %add3A_541 : i32
          %get3A_543 = arith.index_cast %add3A_542 : i32 to index
          %get3A_544 = arith.constant 0 : index
          %get3A_545 = tpu.vector_load %arg11[%get3A_543, %get3A_544] {strides = array<i32>} : memref<288x128xf32, #tpu.memory_space<vmem>>, vector<1x16xf32>,
          %get3A_546 = vector.shape_cast %get3A_545 : vector<1x16xf32> to vector<16xf32>
          %add3A_547 = arith.addf %add3A_538, %get3A_546 : vector<16xf32>
          %swap3A_548 = arith.index_cast %scan3A_468 : i32 to index
          %swap3A_549 = arith.constant 0 : index
          %swap3A_550 = tpu.vector_load %arg13[%swap3A_548, %swap3A_549] {strides = array<i32>} : memref<32x128xf32, #tpu.memory_space<vmem>>, vector<1x16xf32>,
          %swap3A_551 = vector.shape_cast %swap3A_550 : vector<1x16xf32> to vector<16xf32>
          %swap3A_552 = vector.shape_cast %add3A_547 : vector<16xf32> to vector<1x16xf32>
          tpu.vector_store %arg13[%swap3A_548, %swap3A_549], %swap3A_552 {strides = array<i32>} : memref<32x128xf32, #tpu.memory_space<vmem>>, vector<1x16xf32>,
          %mul3A_553 = arith.constant 9 : i32
          %mul3A_554 = arith.muli %scan3A_468, %mul3A_553 : i32
          %get3A_555 = arith.index_cast %mul3A_554 : i32 to index
          %get3A_556 = arith.constant 16 : index
          %get3A_557 = tpu.vector_load %arg11[%get3A_555, %get3A_556] {strides = array<i32>} : memref<288x128xf32, #tpu.memory_space<vmem>>, vector<1x16xf32>,
          %get3A_558 = vector.shape_cast %get3A_557 : vector<1x16xf32> to vector<16xf32>
          %mul3A_559 = arith.constant 9 : i32
          %mul3A_560 = arith.muli %scan3A_468, %mul3A_559 : i32
          %add3A_561 = arith.constant 1 : i32
          %add3A_562 = arith.addi %mul3A_560, %add3A_561 : i32
          %get3A_563 = arith.index_cast %add3A_562 : i32 to index
          %get3A_564 = arith.constant 16 : index
          %get3A_565 = tpu.vector_load %arg11[%get3A_563, %get3A_564] {strides = array<i32>} : memref<288x128xf32, #tpu.memory_space<vmem>>, vector<1x16xf32>,
          %get3A_566 = vector.shape_cast %get3A_565 : vector<1x16xf32> to vector<16xf32>
          %add3A_567 = arith.addf %get3A_558, %get3A_566 : vector<16xf32>
          %mul3A_568 = arith.constant 9 : i32
          %mul3A_569 = arith.muli %scan3A_468, %mul3A_568 : i32
          %add3A_570 = arith.constant 2 : i32
          %add3A_571 = arith.addi %mul3A_569, %add3A_570 : i32
          %get3A_572 = arith.index_cast %add3A_571 : i32 to index
          %get3A_573 = arith.constant 16 : index
          %get3A_574 = tpu.vector_load %arg11[%get3A_572, %get3A_573] {strides = array<i32>} : memref<288x128xf32, #tpu.memory_space<vmem>>, vector<1x16xf32>,
          %get3A_575 = vector.shape_cast %get3A_574 : vector<1x16xf32> to vector<16xf32>
          %add3A_576 = arith.addf %add3A_567, %get3A_575 : vector<16xf32>
          %mul3A_577 = arith.constant 9 : i32
          %mul3A_578 = arith.muli %scan3A_468, %mul3A_577 : i32
          %add3A_579 = arith.constant 3 : i32
          %add3A_580 = arith.addi %mul3A_578, %add3A_579 : i32
          %get3A_581 = arith.index_cast %add3A_580 : i32 to index
          %get3A_582 = arith.constant 16 : index
          %get3A_583 = tpu.vector_load %arg11[%get3A_581, %get3A_582] {strides = array<i32>} : memref<288x128xf32, #tpu.memory_space<vmem>>, vector<1x16xf32>,
          %get3A_584 = vector.shape_cast %get3A_583 : vector<1x16xf32> to vector<16xf32>
          %add3A_585 = arith.addf %add3A_576, %get3A_584 : vector<16xf32>
          %mul3A_586 = arith.constant 9 : i32
          %mul3A_587 = arith.muli %scan3A_468, %mul3A_586 : i32
          %add3A_588 = arith.constant 4 : i32
          %add3A_589 = arith.addi %mul3A_587, %add3A_588 : i32
          %get3A_590 = arith.index_cast %add3A_589 : i32 to index
          %get3A_591 = arith.constant 16 : index
          %get3A_592 = tpu.vector_load %arg11[%get3A_590, %get3A_591] {strides = array<i32>} : memref<288x128xf32, #tpu.memory_space<vmem>>, vector<1x16xf32>,
          %get3A_593 = vector.shape_cast %get3A_592 : vector<1x16xf32> to vector<16xf32>
          %add3A_594 = arith.addf %add3A_585, %get3A_593 : vector<16xf32>
          %mul3A_595 = arith.constant 9 : i32
          %mul3A_596 = arith.muli %scan3A_468, %mul3A_595 : i32
          %add3A_597 = arith.constant 5 : i32
          %add3A_598 = arith.addi %mul3A_596, %add3A_597 : i32
          %get3A_599 = arith.index_cast %add3A_598 : i32 to index
          %get3A_600 = arith.constant 16 : index
          %get3A_601 = tpu.vector_load %arg11[%get3A_599, %get3A_600] {strides = array<i32>} : memref<288x128xf32, #tpu.memory_space<vmem>>, vector<1x16xf32>,
          %get3A_602 = vector.shape_cast %get3A_601 : vector<1x16xf32> to vector<16xf32>
          %add3A_603 = arith.addf %add3A_594, %get3A_602 : vector<16xf32>
          %mul3A_604 = arith.constant 9 : i32
          %mul3A_605 = arith.muli %scan3A_468, %mul3A_604 : i32
          %add3A_606 = arith.constant 6 : i32
          %add3A_607 = arith.addi %mul3A_605, %add3A_606 : i32
          %get3A_608 = arith.index_cast %add3A_607 : i32 to index
          %get3A_609 = arith.constant 16 : index
          %get3A_610 = tpu.vector_load %arg11[%get3A_608, %get3A_609] {strides = array<i32>} : memref<288x128xf32, #tpu.memory_space<vmem>>, vector<1x16xf32>,
          %get3A_611 = vector.shape_cast %get3A_610 : vector<1x16xf32> to vector<16xf32>
          %add3A_612 = arith.addf %add3A_603, %get3A_611 : vector<16xf32>
          %mul3A_613 = arith.constant 9 : i32
          %mul3A_614 = arith.muli %scan3A_468, %mul3A_613 : i32
          %add3A_615 = arith.constant 7 : i32
          %add3A_616 = arith.addi %mul3A_614, %add3A_615 : i32
          %get3A_617 = arith.index_cast %add3A_616 : i32 to index
          %get3A_618 = arith.constant 16 : index
          %get3A_619 = tpu.vector_load %arg11[%get3A_617, %get3A_618] {strides = array<i32>} : memref<288x128xf32, #tpu.memory_space<vmem>>, vector<1x16xf32>,
          %get3A_620 = vector.shape_cast %get3A_619 : vector<1x16xf32> to vector<16xf32>
          %add3A_621 = arith.addf %add3A_612, %get3A_620 : vector<16xf32>
          %mul3A_622 = arith.constant 9 : i32
          %mul3A_623 = arith.muli %scan3A_468, %mul3A_622 : i32
          %add3A_624 = arith.constant 8 : i32
          %add3A_625 = arith.addi %mul3A_623, %add3A_624 : i32
          %get3A_626 = arith.index_cast %add3A_625 : i32 to index
          %get3A_627 = arith.constant 16 : index
          %get3A_628 = tpu.vector_load %arg11[%get3A_626, %get3A_627] {strides = array<i32>} : memref<288x128xf32, #tpu.memory_space<vmem>>, vector<1x16xf32>,
          %get3A_629 = vector.shape_cast %get3A_628 : vector<1x16xf32> to vector<16xf32>
          %add3A_630 = arith.addf %add3A_621, %get3A_629 : vector<16xf32>
          %swap3A_631 = arith.index_cast %scan3A_468 : i32 to index
          %swap3A_632 = arith.constant 16 : index
          %swap3A_633 = tpu.vector_load %arg13[%swap3A_631, %swap3A_632] {strides = array<i32>} : memref<32x128xf32, #tpu.memory_space<vmem>>, vector<1x16xf32>,
          %swap3A_634 = vector.shape_cast %swap3A_633 : vector<1x16xf32> to vector<16xf32>
          %swap3A_635 = vector.shape_cast %add3A_630 : vector<16xf32> to vector<1x16xf32>
          tpu.vector_store %arg13[%swap3A_631, %swap3A_632], %swap3A_635 {strides = array<i32>} : memref<32x128xf32, #tpu.memory_space<vmem>>, vector<1x16xf32>,
          %mul3A_636 = arith.constant 9 : i32
          %mul3A_637 = arith.muli %scan3A_468, %mul3A_636 : i32
          %get3A_638 = arith.index_cast %mul3A_637 : i32 to index
          %get3A_639 = arith.constant 32 : index
          %get3A_640 = tpu.vector_load %arg11[%get3A_638, %get3A_639] {strides = array<i32>} : memref<288x128xf32, #tpu.memory_space<vmem>>, vector<1x16xf32>,
          %get3A_641 = vector.shape_cast %get3A_640 : vector<1x16xf32> to vector<16xf32>
          %mul3A_642 = arith.constant 9 : i32
          %mul3A_643 = arith.muli %scan3A_468, %mul3A_642 : i32
          %add3A_644 = arith.constant 1 : i32
          %add3A_645 = arith.addi %mul3A_643, %add3A_644 : i32
          %get3A_646 = arith.index_cast %add3A_645 : i32 to index
          %get3A_647 = arith.constant 32 : index
          %get3A_648 = tpu.vector_load %arg11[%get3A_646, %get3A_647] {strides = array<i32>} : memref<288x128xf32, #tpu.memory_space<vmem>>, vector<1x16xf32>,
          %get3A_649 = vector.shape_cast %get3A_648 : vector<1x16xf32> to vector<16xf32>
          %add3A_650 = arith.addf %get3A_641, %get3A_649 : vector<16xf32>
          %mul3A_651 = arith.constant 9 : i32
          %mul3A_652 = arith.muli %scan3A_468, %mul3A_651 : i32
          %add3A_653 = arith.constant 2 : i32
          %add3A_654 = arith.addi %mul3A_652, %add3A_653 : i32
          %get3A_655 = arith.index_cast %add3A_654 : i32 to index
          %get3A_656 = arith.constant 32 : index
          %get3A_657 = tpu.vector_load %arg11[%get3A_655, %get3A_656] {strides = array<i32>} : memref<288x128xf32, #tpu.memory_space<vmem>>, vector<1x16xf32>,
          %get3A_658 = vector.shape_cast %get3A_657 : vector<1x16xf32> to vector<16xf32>
          %add3A_659 = arith.addf %add3A_650, %get3A_658 : vector<16xf32>
          %mul3A_660 = arith.constant 9 : i32
          %mul3A_661 = arith.muli %scan3A_468, %mul3A_660 : i32
          %add3A_662 = arith.constant 3 : i32
          %add3A_663 = arith.addi %mul3A_661, %add3A_662 : i32
          %get3A_664 = arith.index_cast %add3A_663 : i32 to index
          %get3A_665 = arith.constant 32 : index
          %get3A_666 = tpu.vector_load %arg11[%get3A_664, %get3A_665] {strides = array<i32>} : memref<288x128xf32, #tpu.memory_space<vmem>>, vector<1x16xf32>,
          %get3A_667 = vector.shape_cast %get3A_666 : vector<1x16xf32> to vector<16xf32>
          %add3A_668 = arith.addf %add3A_659, %get3A_667 : vector<16xf32>
          %mul3A_669 = arith.constant 9 : i32
          %mul3A_670 = arith.muli %scan3A_468, %mul3A_669 : i32
          %add3A_671 = arith.constant 4 : i32
          %add3A_672 = arith.addi %mul3A_670, %add3A_671 : i32
          %get3A_673 = arith.index_cast %add3A_672 : i32 to index
          %get3A_674 = arith.constant 32 : index
          %get3A_675 = tpu.vector_load %arg11[%get3A_673, %get3A_674] {strides = array<i32>} : memref<288x128xf32, #tpu.memory_space<vmem>>, vector<1x16xf32>,
          %get3A_676 = vector.shape_cast %get3A_675 : vector<1x16xf32> to vector<16xf32>
          %add3A_677 = arith.addf %add3A_668, %get3A_676 : vector<16xf32>
          %mul3A_678 = arith.constant 9 : i32
          %mul3A_679 = arith.muli %scan3A_468, %mul3A_678 : i32
          %add3A_680 = arith.constant 5 : i32
          %add3A_681 = arith.addi %mul3A_679, %add3A_680 : i32
          %get3A_682 = arith.index_cast %add3A_681 : i32 to index
          %get3A_683 = arith.constant 32 : index
          %get3A_684 = tpu.vector_load %arg11[%get3A_682, %get3A_683] {strides = array<i32>} : memref<288x128xf32, #tpu.memory_space<vmem>>, vector<1x16xf32>,
          %get3A_685 = vector.shape_cast %get3A_684 : vector<1x16xf32> to vector<16xf32>
          %add3A_686 = arith.addf %add3A_677, %get3A_685 : vector<16xf32>
          %mul3A_687 = arith.constant 9 : i32
          %mul3A_688 = arith.muli %scan3A_468, %mul3A_687 : i32
          %add3A_689 = arith.constant 6 : i32
          %add3A_690 = arith.addi %mul3A_688, %add3A_689 : i32
          %get3A_691 = arith.index_cast %add3A_690 : i32 to index
          %get3A_692 = arith.constant 32 : index
          %get3A_693 = tpu.vector_load %arg11[%get3A_691, %get3A_692] {strides = array<i32>} : memref<288x128xf32, #tpu.memory_space<vmem>>, vector<1x16xf32>,
          %get3A_694 = vector.shape_cast %get3A_693 : vector<1x16xf32> to vector<16xf32>
          %add3A_695 = arith.addf %add3A_686, %get3A_694 : vector<16xf32>
          %mul3A_696 = arith.constant 9 : i32
          %mul3A_697 = arith.muli %scan3A_468, %mul3A_696 : i32
          %add3A_698 = arith.constant 7 : i32
          %add3A_699 = arith.addi %mul3A_697, %add3A_698 : i32
          %get3A_700 = arith.index_cast %add3A_699 : i32 to index
          %get3A_701 = arith.constant 32 : index
          %get3A_702 = tpu.vector_load %arg11[%get3A_700, %get3A_701] {strides = array<i32>} : memref<288x128xf32, #tpu.memory_space<vmem>>, vector<1x16xf32>,
          %get3A_703 = vector.shape_cast %get3A_702 : vector<1x16xf32> to vector<16xf32>
          %add3A_704 = arith.addf %add3A_695, %get3A_703 : vector<16xf32>
          %mul3A_705 = arith.constant 9 : i32
          %mul3A_706 = arith.muli %scan3A_468, %mul3A_705 : i32
          %add3A_707 = arith.constant 8 : i32
          %add3A_708 = arith.addi %mul3A_706, %add3A_707 : i32
          %get3A_709 = arith.index_cast %add3A_708 : i32 to index
          %get3A_710 = arith.constant 32 : index
          %get3A_711 = tpu.vector_load %arg11[%get3A_709, %get3A_710] {strides = array<i32>} : memref<288x128xf32, #tpu.memory_space<vmem>>, vector<1x16xf32>,
          %get3A_712 = vector.shape_cast %get3A_711 : vector<1x16xf32> to vector<16xf32>
          %add3A_713 = arith.addf %add3A_704, %get3A_712 : vector<16xf32>
          %swap3A_714 = arith.index_cast %scan3A_468 : i32 to index
          %swap3A_715 = arith.constant 32 : index
          %swap3A_716 = tpu.vector_load %arg13[%swap3A_714, %swap3A_715] {strides = array<i32>} : memref<32x128xf32, #tpu.memory_space<vmem>>, vector<1x16xf32>,
          %swap3A_717 = vector.shape_cast %swap3A_716 : vector<1x16xf32> to vector<16xf32>
          %swap3A_718 = vector.shape_cast %add3A_713 : vector<16xf32> to vector<1x16xf32>
          tpu.vector_store %arg13[%swap3A_714, %swap3A_715], %swap3A_718 {strides = array<i32>} : memref<32x128xf32, #tpu.memory_space<vmem>>, vector<1x16xf32>,
          %mul3A_719 = arith.constant 9 : i32
          %mul3A_720 = arith.muli %scan3A_468, %mul3A_719 : i32
          %get3A_721 = arith.index_cast %mul3A_720 : i32 to index
          %get3A_722 = arith.constant 48 : index
          %get3A_723 = tpu.vector_load %arg11[%get3A_721, %get3A_722] {strides = array<i32>} : memref<288x128xf32, #tpu.memory_space<vmem>>, vector<1x16xf32>,
          %get3A_724 = vector.shape_cast %get3A_723 : vector<1x16xf32> to vector<16xf32>
          %mul3A_725 = arith.constant 9 : i32
          %mul3A_726 = arith.muli %scan3A_468, %mul3A_725 : i32
          %add3A_727 = arith.constant 1 : i32
          %add3A_728 = arith.addi %mul3A_726, %add3A_727 : i32
          %get3A_729 = arith.index_cast %add3A_728 : i32 to index
          %get3A_730 = arith.constant 48 : index
          %get3A_731 = tpu.vector_load %arg11[%get3A_729, %get3A_730] {strides = array<i32>} : memref<288x128xf32, #tpu.memory_space<vmem>>, vector<1x16xf32>,
          %get3A_732 = vector.shape_cast %get3A_731 : vector<1x16xf32> to vector<16xf32>
          %add3A_733 = arith.addf %get3A_724, %get3A_732 : vector<16xf32>
          %mul3A_734 = arith.constant 9 : i32
          %mul3A_735 = arith.muli %scan3A_468, %mul3A_734 : i32
          %add3A_736 = arith.constant 2 : i32
          %add3A_737 = arith.addi %mul3A_735, %add3A_736 : i32
          %get3A_738 = arith.index_cast %add3A_737 : i32 to index
          %get3A_739 = arith.constant 48 : index
          %get3A_740 = tpu.vector_load %arg11[%get3A_738, %get3A_739] {strides = array<i32>} : memref<288x128xf32, #tpu.memory_space<vmem>>, vector<1x16xf32>,
          %get3A_741 = vector.shape_cast %get3A_740 : vector<1x16xf32> to vector<16xf32>
          %add3A_742 = arith.addf %add3A_733, %get3A_741 : vector<16xf32>
          %mul3A_743 = arith.constant 9 : i32
          %mul3A_744 = arith.muli %scan3A_468, %mul3A_743 : i32
          %add3A_745 = arith.constant 3 : i32
          %add3A_746 = arith.addi %mul3A_744, %add3A_745 : i32
          %get3A_747 = arith.index_cast %add3A_746 : i32 to index
          %get3A_748 = arith.constant 48 : index
          %get3A_749 = tpu.vector_load %arg11[%get3A_747, %get3A_748] {strides = array<i32>} : memref<288x128xf32, #tpu.memory_space<vmem>>, vector<1x16xf32>,
          %get3A_750 = vector.shape_cast %get3A_749 : vector<1x16xf32> to vector<16xf32>
          %add3A_751 = arith.addf %add3A_742, %get3A_750 : vector<16xf32>
          %mul3A_752 = arith.constant 9 : i32
          %mul3A_753 = arith.muli %scan3A_468, %mul3A_752 : i32
          %add3A_754 = arith.constant 4 : i32
          %add3A_755 = arith.addi %mul3A_753, %add3A_754 : i32
          %get3A_756 = arith.index_cast %add3A_755 : i32 to index
          %get3A_757 = arith.constant 48 : index
          %get3A_758 = tpu.vector_load %arg11[%get3A_756, %get3A_757] {strides = array<i32>} : memref<288x128xf32, #tpu.memory_space<vmem>>, vector<1x16xf32>,
          %get3A_759 = vector.shape_cast %get3A_758 : vector<1x16xf32> to vector<16xf32>
          %add3A_760 = arith.addf %add3A_751, %get3A_759 : vector<16xf32>
          %mul3A_761 = arith.constant 9 : i32
          %mul3A_762 = arith.muli %scan3A_468, %mul3A_761 : i32
          %add3A_763 = arith.constant 5 : i32
          %add3A_764 = arith.addi %mul3A_762, %add3A_763 : i32
          %get3A_765 = arith.index_cast %add3A_764 : i32 to index
          %get3A_766 = arith.constant 48 : index
          %get3A_767 = tpu.vector_load %arg11[%get3A_765, %get3A_766] {strides = array<i32>} : memref<288x128xf32, #tpu.memory_space<vmem>>, vector<1x16xf32>,
          %get3A_768 = vector.shape_cast %get3A_767 : vector<1x16xf32> to vector<16xf32>
          %add3A_769 = arith.addf %add3A_760, %get3A_768 : vector<16xf32>
          %mul3A_770 = arith.constant 9 : i32
          %mul3A_771 = arith.muli %scan3A_468, %mul3A_770 : i32
          %add3A_772 = arith.constant 6 : i32
          %add3A_773 = arith.addi %mul3A_771, %add3A_772 : i32
          %get3A_774 = arith.index_cast %add3A_773 : i32 to index
          %get3A_775 = arith.constant 48 : index
          %get3A_776 = tpu.vector_load %arg11[%get3A_774, %get3A_775] {strides = array<i32>} : memref<288x128xf32, #tpu.memory_space<vmem>>, vector<1x16xf32>,
          %get3A_777 = vector.shape_cast %get3A_776 : vector<1x16xf32> to vector<16xf32>
          %add3A_778 = arith.addf %add3A_769, %get3A_777 : vector<16xf32>
          %mul3A_779 = arith.constant 9 : i32
          %mul3A_780 = arith.muli %scan3A_468, %mul3A_779 : i32
          %add3A_781 = arith.constant 7 : i32
          %add3A_782 = arith.addi %mul3A_780, %add3A_781 : i32
          %get3A_783 = arith.index_cast %add3A_782 : i32 to index
          %get3A_784 = arith.constant 48 : index
          %get3A_785 = tpu.vector_load %arg11[%get3A_783, %get3A_784] {strides = array<i32>} : memref<288x128xf32, #tpu.memory_space<vmem>>, vector<1x16xf32>,
          %get3A_786 = vector.shape_cast %get3A_785 : vector<1x16xf32> to vector<16xf32>
          %add3A_787 = arith.addf %add3A_778, %get3A_786 : vector<16xf32>
          %mul3A_788 = arith.constant 9 : i32
          %mul3A_789 = arith.muli %scan3A_468, %mul3A_788 : i32
          %add3A_790 = arith.constant 8 : i32
          %add3A_791 = arith.addi %mul3A_789, %add3A_790 : i32
          %get3A_792 = arith.index_cast %add3A_791 : i32 to index
          %get3A_793 = arith.constant 48 : index
          %get3A_794 = tpu.vector_load %arg11[%get3A_792, %get3A_793] {strides = array<i32>} : memref<288x128xf32, #tpu.memory_space<vmem>>, vector<1x16xf32>,
          %get3A_795 = vector.shape_cast %get3A_794 : vector<1x16xf32> to vector<16xf32>
          %add3A_796 = arith.addf %add3A_787, %get3A_795 : vector<16xf32>
          %swap3A_797 = arith.index_cast %scan3A_468 : i32 to index
          %swap3A_798 = arith.constant 48 : index
          %swap3A_799 = tpu.vector_load %arg13[%swap3A_797, %swap3A_798] {strides = array<i32>} : memref<32x128xf32, #tpu.memory_space<vmem>>, vector<1x16xf32>,
          %swap3A_800 = vector.shape_cast %swap3A_799 : vector<1x16xf32> to vector<16xf32>
          %swap3A_801 = vector.shape_cast %add3A_796 : vector<16xf32> to vector<1x16xf32>
          tpu.vector_store %arg13[%swap3A_797, %swap3A_798], %swap3A_801 {strides = array<i32>} : memref<32x128xf32, #tpu.memory_space<vmem>>, vector<1x16xf32>,
          %mul3A_802 = arith.constant 9 : i32
          %mul3A_803 = arith.muli %scan3A_468, %mul3A_802 : i32
          %get3A_804 = arith.index_cast %mul3A_803 : i32 to index
          %get3A_805 = arith.constant 64 : index
          %get3A_806 = tpu.vector_load %arg11[%get3A_804, %get3A_805] {strides = array<i32>} : memref<288x128xf32, #tpu.memory_space<vmem>>, vector<1x16xf32>,
          %get3A_807 = vector.shape_cast %get3A_806 : vector<1x16xf32> to vector<16xf32>
          %mul3A_808 = arith.constant 9 : i32
          %mul3A_809 = arith.muli %scan3A_468, %mul3A_808 : i32
          %add3A_810 = arith.constant 1 : i32
          %add3A_811 = arith.addi %mul3A_809, %add3A_810 : i32
          %get3A_812 = arith.index_cast %add3A_811 : i32 to index
          %get3A_813 = arith.constant 64 : index
          %get3A_814 = tpu.vector_load %arg11[%get3A_812, %get3A_813] {strides = array<i32>} : memref<288x128xf32, #tpu.memory_space<vmem>>, vector<1x16xf32>,
          %get3A_815 = vector.shape_cast %get3A_814 : vector<1x16xf32> to vector<16xf32>
          %add3A_816 = arith.addf %get3A_807, %get3A_815 : vector<16xf32>
          %mul3A_817 = arith.constant 9 : i32
          %mul3A_818 = arith.muli %scan3A_468, %mul3A_817 : i32
          %add3A_819 = arith.constant 2 : i32
          %add3A_820 = arith.addi %mul3A_818, %add3A_819 : i32
          %get3A_821 = arith.index_cast %add3A_820 : i32 to index
          %get3A_822 = arith.constant 64 : index
          %get3A_823 = tpu.vector_load %arg11[%get3A_821, %get3A_822] {strides = array<i32>} : memref<288x128xf32, #tpu.memory_space<vmem>>, vector<1x16xf32>,
          %get3A_824 = vector.shape_cast %get3A_823 : vector<1x16xf32> to vector<16xf32>
          %add3A_825 = arith.addf %add3A_816, %get3A_824 : vector<16xf32>
          %mul3A_826 = arith.constant 9 : i32
          %mul3A_827 = arith.muli %scan3A_468, %mul3A_826 : i32
          %add3A_828 = arith.constant 3 : i32
          %add3A_829 = arith.addi %mul3A_827, %add3A_828 : i32
          %get3A_830 = arith.index_cast %add3A_829 : i32 to index
          %get3A_831 = arith.constant 64 : index
          %get3A_832 = tpu.vector_load %arg11[%get3A_830, %get3A_831] {strides = array<i32>} : memref<288x128xf32, #tpu.memory_space<vmem>>, vector<1x16xf32>,
          %get3A_833 = vector.shape_cast %get3A_832 : vector<1x16xf32> to vector<16xf32>
          %add3A_834 = arith.addf %add3A_825, %get3A_833 : vector<16xf32>
          %mul3A_835 = arith.constant 9 : i32
          %mul3A_836 = arith.muli %scan3A_468, %mul3A_835 : i32
          %add3A_837 = arith.constant 4 : i32
          %add3A_838 = arith.addi %mul3A_836, %add3A_837 : i32
          %get3A_839 = arith.index_cast %add3A_838 : i32 to index
          %get3A_840 = arith.constant 64 : index
          %get3A_841 = tpu.vector_load %arg11[%get3A_839, %get3A_840] {strides = array<i32>} : memref<288x128xf32, #tpu.memory_space<vmem>>, vector<1x16xf32>,
          %get3A_842 = vector.shape_cast %get3A_841 : vector<1x16xf32> to vector<16xf32>
          %add3A_843 = arith.addf %add3A_834, %get3A_842 : vector<16xf32>
          %mul3A_844 = arith.constant 9 : i32
          %mul3A_845 = arith.muli %scan3A_468, %mul3A_844 : i32
          %add3A_846 = arith.constant 5 : i32
          %add3A_847 = arith.addi %mul3A_845, %add3A_846 : i32
          %get3A_848 = arith.index_cast %add3A_847 : i32 to index
          %get3A_849 = arith.constant 64 : index
          %get3A_850 = tpu.vector_load %arg11[%get3A_848, %get3A_849] {strides = array<i32>} : memref<288x128xf32, #tpu.memory_space<vmem>>, vector<1x16xf32>,
          %get3A_851 = vector.shape_cast %get3A_850 : vector<1x16xf32> to vector<16xf32>
          %add3A_852 = arith.addf %add3A_843, %get3A_851 : vector<16xf32>
          %mul3A_853 = arith.constant 9 : i32
          %mul3A_854 = arith.muli %scan3A_468, %mul3A_853 : i32
          %add3A_855 = arith.constant 6 : i32
          %add3A_856 = arith.addi %mul3A_854, %add3A_855 : i32
          %get3A_857 = arith.index_cast %add3A_856 : i32 to index
          %get3A_858 = arith.constant 64 : index
          %get3A_859 = tpu.vector_load %arg11[%get3A_857, %get3A_858] {strides = array<i32>} : memref<288x128xf32, #tpu.memory_space<vmem>>, vector<1x16xf32>,
          %get3A_860 = vector.shape_cast %get3A_859 : vector<1x16xf32> to vector<16xf32>
          %add3A_861 = arith.addf %add3A_852, %get3A_860 : vector<16xf32>
          %mul3A_862 = arith.constant 9 : i32
          %mul3A_863 = arith.muli %scan3A_468, %mul3A_862 : i32
          %add3A_864 = arith.constant 7 : i32
          %add3A_865 = arith.addi %mul3A_863, %add3A_864 : i32
          %get3A_866 = arith.index_cast %add3A_865 : i32 to index
          %get3A_867 = arith.constant 64 : index
          %get3A_868 = tpu.vector_load %arg11[%get3A_866, %get3A_867] {strides = array<i32>} : memref<288x128xf32, #tpu.memory_space<vmem>>, vector<1x16xf32>,
          %get3A_869 = vector.shape_cast %get3A_868 : vector<1x16xf32> to vector<16xf32>
          %add3A_870 = arith.addf %add3A_861, %get3A_869 : vector<16xf32>
          %mul3A_871 = arith.constant 9 : i32
          %mul3A_872 = arith.muli %scan3A_468, %mul3A_871 : i32
          %add3A_873 = arith.constant 8 : i32
          %add3A_874 = arith.addi %mul3A_872, %add3A_873 : i32
          %get3A_875 = arith.index_cast %add3A_874 : i32 to index
          %get3A_876 = arith.constant 64 : index
          %get3A_877 = tpu.vector_load %arg11[%get3A_875, %get3A_876] {strides = array<i32>} : memref<288x128xf32, #tpu.memory_space<vmem>>, vector<1x16xf32>,
          %get3A_878 = vector.shape_cast %get3A_877 : vector<1x16xf32> to vector<16xf32>
          %add3A_879 = arith.addf %add3A_870, %get3A_878 : vector<16xf32>
          %swap3A_880 = arith.index_cast %scan3A_468 : i32 to index
          %swap3A_881 = arith.constant 64 : index
          %swap3A_882 = tpu.vector_load %arg13[%swap3A_880, %swap3A_881] {strides = array<i32>} : memref<32x128xf32, #tpu.memory_space<vmem>>, vector<1x16xf32>,
          %swap3A_883 = vector.shape_cast %swap3A_882 : vector<1x16xf32> to vector<16xf32>
          %swap3A_884 = vector.shape_cast %add3A_879 : vector<16xf32> to vector<1x16xf32>
          tpu.vector_store %arg13[%swap3A_880, %swap3A_881], %swap3A_884 {strides = array<i32>} : memref<32x128xf32, #tpu.memory_space<vmem>>, vector<1x16xf32>,
          %mul3A_885 = arith.constant 9 : i32
          %mul3A_886 = arith.muli %scan3A_468, %mul3A_885 : i32
          %get3A_887 = arith.index_cast %mul3A_886 : i32 to index
          %get3A_888 = arith.constant 80 : index
          %get3A_889 = tpu.vector_load %arg11[%get3A_887, %get3A_888] {strides = array<i32>} : memref<288x128xf32, #tpu.memory_space<vmem>>, vector<1x16xf32>,
          %get3A_890 = vector.shape_cast %get3A_889 : vector<1x16xf32> to vector<16xf32>
          %mul3A_891 = arith.constant 9 : i32
          %mul3A_892 = arith.muli %scan3A_468, %mul3A_891 : i32
          %add3A_893 = arith.constant 1 : i32
          %add3A_894 = arith.addi %mul3A_892, %add3A_893 : i32
          %get3A_895 = arith.index_cast %add3A_894 : i32 to index
          %get3A_896 = arith.constant 80 : index
          %get3A_897 = tpu.vector_load %arg11[%get3A_895, %get3A_896] {strides = array<i32>} : memref<288x128xf32, #tpu.memory_space<vmem>>, vector<1x16xf32>,
          %get3A_898 = vector.shape_cast %get3A_897 : vector<1x16xf32> to vector<16xf32>
          %add3A_899 = arith.addf %get3A_890, %get3A_898 : vector<16xf32>
          %mul3A_900 = arith.constant 9 : i32
          %mul3A_901 = arith.muli %scan3A_468, %mul3A_900 : i32
          %add3A_902 = arith.constant 2 : i32
          %add3A_903 = arith.addi %mul3A_901, %add3A_902 : i32
          %get3A_904 = arith.index_cast %add3A_903 : i32 to index
          %get3A_905 = arith.constant 80 : index
          %get3A_906 = tpu.vector_load %arg11[%get3A_904, %get3A_905] {strides = array<i32>} : memref<288x128xf32, #tpu.memory_space<vmem>>, vector<1x16xf32>,
          %get3A_907 = vector.shape_cast %get3A_906 : vector<1x16xf32> to vector<16xf32>
          %add3A_908 = arith.addf %add3A_899, %get3A_907 : vector<16xf32>
          %mul3A_909 = arith.constant 9 : i32
          %mul3A_910 = arith.muli %scan3A_468, %mul3A_909 : i32
          %add3A_911 = arith.constant 3 : i32
          %add3A_912 = arith.addi %mul3A_910, %add3A_911 : i32
          %get3A_913 = arith.index_cast %add3A_912 : i32 to index
          %get3A_914 = arith.constant 80 : index
          %get3A_915 = tpu.vector_load %arg11[%get3A_913, %get3A_914] {strides = array<i32>} : memref<288x128xf32, #tpu.memory_space<vmem>>, vector<1x16xf32>,
          %get3A_916 = vector.shape_cast %get3A_915 : vector<1x16xf32> to vector<16xf32>
          %add3A_917 = arith.addf %add3A_908, %get3A_916 : vector<16xf32>
          %mul3A_918 = arith.constant 9 : i32
          %mul3A_919 = arith.muli %scan3A_468, %mul3A_918 : i32
          %add3A_920 = arith.constant 4 : i32
          %add3A_921 = arith.addi %mul3A_919, %add3A_920 : i32
          %get3A_922 = arith.index_cast %add3A_921 : i32 to index
          %get3A_923 = arith.constant 80 : index
          %get3A_924 = tpu.vector_load %arg11[%get3A_922, %get3A_923] {strides = array<i32>} : memref<288x128xf32, #tpu.memory_space<vmem>>, vector<1x16xf32>,
          %get3A_925 = vector.shape_cast %get3A_924 : vector<1x16xf32> to vector<16xf32>
          %add3A_926 = arith.addf %add3A_917, %get3A_925 : vector<16xf32>
          %mul3A_927 = arith.constant 9 : i32
          %mul3A_928 = arith.muli %scan3A_468, %mul3A_927 : i32
          %add3A_929 = arith.constant 5 : i32
          %add3A_930 = arith.addi %mul3A_928, %add3A_929 : i32
          %get3A_931 = arith.index_cast %add3A_930 : i32 to index
          %get3A_932 = arith.constant 80 : index
          %get3A_933 = tpu.vector_load %arg11[%get3A_931, %get3A_932] {strides = array<i32>} : memref<288x128xf32, #tpu.memory_space<vmem>>, vector<1x16xf32>,
          %get3A_934 = vector.shape_cast %get3A_933 : vector<1x16xf32> to vector<16xf32>
          %add3A_935 = arith.addf %add3A_926, %get3A_934 : vector<16xf32>
          %mul3A_936 = arith.constant 9 : i32
          %mul3A_937 = arith.muli %scan3A_468, %mul3A_936 : i32
          %add3A_938 = arith.constant 6 : i32
          %add3A_939 = arith.addi %mul3A_937, %add3A_938 : i32
          %get3A_940 = arith.index_cast %add3A_939 : i32 to index
          %get3A_941 = arith.constant 80 : index
          %get3A_942 = tpu.vector_load %arg11[%get3A_940, %get3A_941] {strides = array<i32>} : memref<288x128xf32, #tpu.memory_space<vmem>>, vector<1x16xf32>,
          %get3A_943 = vector.shape_cast %get3A_942 : vector<1x16xf32> to vector<16xf32>
          %add3A_944 = arith.addf %add3A_935, %get3A_943 : vector<16xf32>
          %mul3A_945 = arith.constant 9 : i32
          %mul3A_946 = arith.muli %scan3A_468, %mul3A_945 : i32
          %add3A_947 = arith.constant 7 : i32
          %add3A_948 = arith.addi %mul3A_946, %add3A_947 : i32
          %get3A_949 = arith.index_cast %add3A_948 : i32 to index
          %get3A_950 = arith.constant 80 : index
          %get3A_951 = tpu.vector_load %arg11[%get3A_949, %get3A_950] {strides = array<i32>} : memref<288x128xf32, #tpu.memory_space<vmem>>, vector<1x16xf32>,
          %get3A_952 = vector.shape_cast %get3A_951 : vector<1x16xf32> to vector<16xf32>
          %add3A_953 = arith.addf %add3A_944, %get3A_952 : vector<16xf32>
          %mul3A_954 = arith.constant 9 : i32
          %mul3A_955 = arith.muli %scan3A_468, %mul3A_954 : i32
          %add3A_956 = arith.constant 8 : i32
          %add3A_957 = arith.addi %mul3A_955, %add3A_956 : i32
          %get3A_958 = arith.index_cast %add3A_957 : i32 to index
          %get3A_959 = arith.constant 80 : index
          %get3A_960 = tpu.vector_load %arg11[%get3A_958, %get3A_959] {strides = array<i32>} : memref<288x128xf32, #tpu.memory_space<vmem>>, vector<1x16xf32>,
          %get3A_961 = vector.shape_cast %get3A_960 : vector<1x16xf32> to vector<16xf32>
          %add3A_962 = arith.addf %add3A_953, %get3A_961 : vector<16xf32>
          %swap3A_963 = arith.index_cast %scan3A_468 : i32 to index
          %swap3A_964 = arith.constant 80 : index
          %swap3A_965 = tpu.vector_load %arg13[%swap3A_963, %swap3A_964] {strides = array<i32>} : memref<32x128xf32, #tpu.memory_space<vmem>>, vector<1x16xf32>,
          %swap3A_966 = vector.shape_cast %swap3A_965 : vector<1x16xf32> to vector<16xf32>
          %swap3A_967 = vector.shape_cast %add3A_962 : vector<16xf32> to vector<1x16xf32>
          tpu.vector_store %arg13[%swap3A_963, %swap3A_964], %swap3A_967 {strides = array<i32>} : memref<32x128xf32, #tpu.memory_space<vmem>>, vector<1x16xf32>,
          %mul3A_968 = arith.constant 9 : i32
          %mul3A_969 = arith.muli %scan3A_468, %mul3A_968 : i32
          %get3A_970 = arith.index_cast %mul3A_969 : i32 to index
          %get3A_971 = arith.constant 96 : index
          %get3A_972 = tpu.vector_load %arg11[%get3A_970, %get3A_971] {strides = array<i32>} : memref<288x128xf32, #tpu.memory_space<vmem>>, vector<1x16xf32>,
          %get3A_973 = vector.shape_cast %get3A_972 : vector<1x16xf32> to vector<16xf32>
          %mul3A_974 = arith.constant 9 : i32
          %mul3A_975 = arith.muli %scan3A_468, %mul3A_974 : i32
          %add3A_976 = arith.constant 1 : i32
          %add3A_977 = arith.addi %mul3A_975, %add3A_976 : i32
          %get3A_978 = arith.index_cast %add3A_977 : i32 to index
          %get3A_979 = arith.constant 96 : index
          %get3A_980 = tpu.vector_load %arg11[%get3A_978, %get3A_979] {strides = array<i32>} : memref<288x128xf32, #tpu.memory_space<vmem>>, vector<1x16xf32>,
          %get3A_981 = vector.shape_cast %get3A_980 : vector<1x16xf32> to vector<16xf32>
          %add3A_982 = arith.addf %get3A_973, %get3A_981 : vector<16xf32>
          %mul3A_983 = arith.constant 9 : i32
          %mul3A_984 = arith.muli %scan3A_468, %mul3A_983 : i32
          %add3A_985 = arith.constant 2 : i32
          %add3A_986 = arith.addi %mul3A_984, %add3A_985 : i32
          %get3A_987 = arith.index_cast %add3A_986 : i32 to index
          %get3A_988 = arith.constant 96 : index
          %get3A_989 = tpu.vector_load %arg11[%get3A_987, %get3A_988] {strides = array<i32>} : memref<288x128xf32, #tpu.memory_space<vmem>>, vector<1x16xf32>,
          %get3A_990 = vector.shape_cast %get3A_989 : vector<1x16xf32> to vector<16xf32>
          %add3A_991 = arith.addf %add3A_982, %get3A_990 : vector<16xf32>
          %mul3A_992 = arith.constant 9 : i32
          %mul3A_993 = arith.muli %scan3A_468, %mul3A_992 : i32
          %add3A_994 = arith.constant 3 : i32
          %add3A_995 = arith.addi %mul3A_993, %add3A_994 : i32
          %get3A_996 = arith.index_cast %add3A_995 : i32 to index
          %get3A_997 = arith.constant 96 : index
          %get3A_998 = tpu.vector_load %arg11[%get3A_996, %get3A_997] {strides = array<i32>} : memref<288x128xf32, #tpu.memory_space<vmem>>, vector<1x16xf32>,
          %get3A_999 = vector.shape_cast %get3A_998 : vector<1x16xf32> to vector<16xf32>
          %add3A_1000 = arith.addf %add3A_991, %get3A_999 : vector<16xf32>
          %mul3A_1001 = arith.constant 9 : i32
          %mul3A_1002 = arith.muli %scan3A_468, %mul3A_1001 : i32
          %add3A_1003 = arith.constant 4 : i32
          %add3A_1004 = arith.addi %mul3A_1002, %add3A_1003 : i32
          %get3A_1005 = arith.index_cast %add3A_1004 : i32 to index
          %get3A_1006 = arith.constant 96 : index
          %get3A_1007 = tpu.vector_load %arg11[%get3A_1005, %get3A_1006] {strides = array<i32>} : memref<288x128xf32, #tpu.memory_space<vmem>>, vector<1x16xf32>,
          %get3A_1008 = vector.shape_cast %get3A_1007 : vector<1x16xf32> to vector<16xf32>
          %add3A_1009 = arith.addf %add3A_1000, %get3A_1008 : vector<16xf32>
          %mul3A_1010 = arith.constant 9 : i32
          %mul3A_1011 = arith.muli %scan3A_468, %mul3A_1010 : i32
          %add3A_1012 = arith.constant 5 : i32
          %add3A_1013 = arith.addi %mul3A_1011, %add3A_1012 : i32
          %get3A_1014 = arith.index_cast %add3A_1013 : i32 to index
          %get3A_1015 = arith.constant 96 : index
          %get3A_1016 = tpu.vector_load %arg11[%get3A_1014, %get3A_1015] {strides = array<i32>} : memref<288x128xf32, #tpu.memory_space<vmem>>, vector<1x16xf32>,
          %get3A_1017 = vector.shape_cast %get3A_1016 : vector<1x16xf32> to vector<16xf32>
          %add3A_1018 = arith.addf %add3A_1009, %get3A_1017 : vector<16xf32>
          %mul3A_1019 = arith.constant 9 : i32
          %mul3A_1020 = arith.muli %scan3A_468, %mul3A_1019 : i32
          %add3A_1021 = arith.constant 6 : i32
          %add3A_1022 = arith.addi %mul3A_1020, %add3A_1021 : i32
          %get3A_1023 = arith.index_cast %add3A_1022 : i32 to index
          %get3A_1024 = arith.constant 96 : index
          %get3A_1025 = tpu.vector_load %arg11[%get3A_1023, %get3A_1024] {strides = array<i32>} : memref<288x128xf32, #tpu.memory_space<vmem>>, vector<1x16xf32>,
          %get3A_1026 = vector.shape_cast %get3A_1025 : vector<1x16xf32> to vector<16xf32>
          %add3A_1027 = arith.addf %add3A_1018, %get3A_1026 : vector<16xf32>
          %mul3A_1028 = arith.constant 9 : i32
          %mul3A_1029 = arith.muli %scan3A_468, %mul3A_1028 : i32
          %add3A_1030 = arith.constant 7 : i32
          %add3A_1031 = arith.addi %mul3A_1029, %add3A_1030 : i32
          %get3A_1032 = arith.index_cast %add3A_1031 : i32 to index
          %get3A_1033 = arith.constant 96 : index
          %get3A_1034 = tpu.vector_load %arg11[%get3A_1032, %get3A_1033] {strides = array<i32>} : memref<288x128xf32, #tpu.memory_space<vmem>>, vector<1x16xf32>,
          %get3A_1035 = vector.shape_cast %get3A_1034 : vector<1x16xf32> to vector<16xf32>
          %add3A_1036 = arith.addf %add3A_1027, %get3A_1035 : vector<16xf32>
          %mul3A_1037 = arith.constant 9 : i32
          %mul3A_1038 = arith.muli %scan3A_468, %mul3A_1037 : i32
          %add3A_1039 = arith.constant 8 : i32
          %add3A_1040 = arith.addi %mul3A_1038, %add3A_1039 : i32
          %get3A_1041 = arith.index_cast %add3A_1040 : i32 to index
          %get3A_1042 = arith.constant 96 : index
          %get3A_1043 = tpu.vector_load %arg11[%get3A_1041, %get3A_1042] {strides = array<i32>} : memref<288x128xf32, #tpu.memory_space<vmem>>, vector<1x16xf32>,
          %get3A_1044 = vector.shape_cast %get3A_1043 : vector<1x16xf32> to vector<16xf32>
          %add3A_1045 = arith.addf %add3A_1036, %get3A_1044 : vector<16xf32>
          %swap3A_1046 = arith.index_cast %scan3A_468 : i32 to index
          %swap3A_1047 = arith.constant 96 : index
          %swap3A_1048 = tpu.vector_load %arg13[%swap3A_1046, %swap3A_1047] {strides = array<i32>} : memref<32x128xf32, #tpu.memory_space<vmem>>, vector<1x16xf32>,
          %swap3A_1049 = vector.shape_cast %swap3A_1048 : vector<1x16xf32> to vector<16xf32>
          %swap3A_1050 = vector.shape_cast %add3A_1045 : vector<16xf32> to vector<1x16xf32>
          tpu.vector_store %arg13[%swap3A_1046, %swap3A_1047], %swap3A_1050 {strides = array<i32>} : memref<32x128xf32, #tpu.memory_space<vmem>>, vector<1x16xf32>,
          %mul3A_1051 = arith.constant 9 : i32
          %mul3A_1052 = arith.muli %scan3A_468, %mul3A_1051 : i32
          %get3A_1053 = arith.index_cast %mul3A_1052 : i32 to index
          %get3A_1054 = arith.constant 112 : index
          %get3A_1055 = tpu.vector_load %arg11[%get3A_1053, %get3A_1054] {strides = array<i32>} : memref<288x128xf32, #tpu.memory_space<vmem>>, vector<1x16xf32>,
          %get3A_1056 = vector.shape_cast %get3A_1055 : vector<1x16xf32> to vector<16xf32>
          %mul3A_1057 = arith.constant 9 : i32
          %mul3A_1058 = arith.muli %scan3A_468, %mul3A_1057 : i32
          %add3A_1059 = arith.constant 1 : i32
          %add3A_1060 = arith.addi %mul3A_1058, %add3A_1059 : i32
          %get3A_1061 = arith.index_cast %add3A_1060 : i32 to index
          %get3A_1062 = arith.constant 112 : index
          %get3A_1063 = tpu.vector_load %arg11[%get3A_1061, %get3A_1062] {strides = array<i32>} : memref<288x128xf32, #tpu.memory_space<vmem>>, vector<1x16xf32>,
          %get3A_1064 = vector.shape_cast %get3A_1063 : vector<1x16xf32> to vector<16xf32>
          %add3A_1065 = arith.addf %get3A_1056, %get3A_1064 : vector<16xf32>
          %mul3A_1066 = arith.constant 9 : i32
          %mul3A_1067 = arith.muli %scan3A_468, %mul3A_1066 : i32
          %add3A_1068 = arith.constant 2 : i32
          %add3A_1069 = arith.addi %mul3A_1067, %add3A_1068 : i32
          %get3A_1070 = arith.index_cast %add3A_1069 : i32 to index
          %get3A_1071 = arith.constant 112 : index
          %get3A_1072 = tpu.vector_load %arg11[%get3A_1070, %get3A_1071] {strides = array<i32>} : memref<288x128xf32, #tpu.memory_space<vmem>>, vector<1x16xf32>,
          %get3A_1073 = vector.shape_cast %get3A_1072 : vector<1x16xf32> to vector<16xf32>
          %add3A_1074 = arith.addf %add3A_1065, %get3A_1073 : vector<16xf32>
          %mul3A_1075 = arith.constant 9 : i32
          %mul3A_1076 = arith.muli %scan3A_468, %mul3A_1075 : i32
          %add3A_1077 = arith.constant 3 : i32
          %add3A_1078 = arith.addi %mul3A_1076, %add3A_1077 : i32
          %get3A_1079 = arith.index_cast %add3A_1078 : i32 to index
          %get3A_1080 = arith.constant 112 : index
          %get3A_1081 = tpu.vector_load %arg11[%get3A_1079, %get3A_1080] {strides = array<i32>} : memref<288x128xf32, #tpu.memory_space<vmem>>, vector<1x16xf32>,
          %get3A_1082 = vector.shape_cast %get3A_1081 : vector<1x16xf32> to vector<16xf32>
          %add3A_1083 = arith.addf %add3A_1074, %get3A_1082 : vector<16xf32>
          %mul3A_1084 = arith.constant 9 : i32
          %mul3A_1085 = arith.muli %scan3A_468, %mul3A_1084 : i32
          %add3A_1086 = arith.constant 4 : i32
          %add3A_1087 = arith.addi %mul3A_1085, %add3A_1086 : i32
          %get3A_1088 = arith.index_cast %add3A_1087 : i32 to index
          %get3A_1089 = arith.constant 112 : index
          %get3A_1090 = tpu.vector_load %arg11[%get3A_1088, %get3A_1089] {strides = array<i32>} : memref<288x128xf32, #tpu.memory_space<vmem>>, vector<1x16xf32>,
          %get3A_1091 = vector.shape_cast %get3A_1090 : vector<1x16xf32> to vector<16xf32>
          %add3A_1092 = arith.addf %add3A_1083, %get3A_1091 : vector<16xf32>
          %mul3A_1093 = arith.constant 9 : i32
          %mul3A_1094 = arith.muli %scan3A_468, %mul3A_1093 : i32
          %add3A_1095 = arith.constant 5 : i32
          %add3A_1096 = arith.addi %mul3A_1094, %add3A_1095 : i32
          %get3A_1097 = arith.index_cast %add3A_1096 : i32 to index
          %get3A_1098 = arith.constant 112 : index
          %get3A_1099 = tpu.vector_load %arg11[%get3A_1097, %get3A_1098] {strides = array<i32>} : memref<288x128xf32, #tpu.memory_space<vmem>>, vector<1x16xf32>,
          %get3A_1100 = vector.shape_cast %get3A_1099 : vector<1x16xf32> to vector<16xf32>
          %add3A_1101 = arith.addf %add3A_1092, %get3A_1100 : vector<16xf32>
          %mul3A_1102 = arith.constant 9 : i32
          %mul3A_1103 = arith.muli %scan3A_468, %mul3A_1102 : i32
          %add3A_1104 = arith.constant 6 : i32
          %add3A_1105 = arith.addi %mul3A_1103, %add3A_1104 : i32
          %get3A_1106 = arith.index_cast %add3A_1105 : i32 to index
          %get3A_1107 = arith.constant 112 : index
          %get3A_1108 = tpu.vector_load %arg11[%get3A_1106, %get3A_1107] {strides = array<i32>} : memref<288x128xf32, #tpu.memory_space<vmem>>, vector<1x16xf32>,
          %get3A_1109 = vector.shape_cast %get3A_1108 : vector<1x16xf32> to vector<16xf32>
          %add3A_1110 = arith.addf %add3A_1101, %get3A_1109 : vector<16xf32>
          %mul3A_1111 = arith.constant 9 : i32
          %mul3A_1112 = arith.muli %scan3A_468, %mul3A_1111 : i32
          %add3A_1113 = arith.constant 7 : i32
          %add3A_1114 = arith.addi %mul3A_1112, %add3A_1113 : i32
          %get3A_1115 = arith.index_cast %add3A_1114 : i32 to index
          %get3A_1116 = arith.constant 112 : index
          %get3A_1117 = tpu.vector_load %arg11[%get3A_1115, %get3A_1116] {strides = array<i32>} : memref<288x128xf32, #tpu.memory_space<vmem>>, vector<1x16xf32>,
          %get3A_1118 = vector.shape_cast %get3A_1117 : vector<1x16xf32> to vector<16xf32>
          %add3A_1119 = arith.addf %add3A_1110, %get3A_1118 : vector<16xf32>
          %mul3A_1120 = arith.constant 9 : i32
          %mul3A_1121 = arith.muli %scan3A_468, %mul3A_1120 : i32
          %add3A_1122 = arith.constant 8 : i32
          %add3A_1123 = arith.addi %mul3A_1121, %add3A_1122 : i32
          %get3A_1124 = arith.index_cast %add3A_1123 : i32 to index
          %get3A_1125 = arith.constant 112 : index
          %get3A_1126 = tpu.vector_load %arg11[%get3A_1124, %get3A_1125] {strides = array<i32>} : memref<288x128xf32, #tpu.memory_space<vmem>>, vector<1x16xf32>,
          %get3A_1127 = vector.shape_cast %get3A_1126 : vector<1x16xf32> to vector<16xf32>
          %add3A_1128 = arith.addf %add3A_1119, %get3A_1127 : vector<16xf32>
          %swap3A_1129 = arith.index_cast %scan3A_468 : i32 to index
          %swap3A_1130 = arith.constant 112 : index
          %swap3A_1131 = tpu.vector_load %arg13[%swap3A_1129, %swap3A_1130] {strides = array<i32>} : memref<32x128xf32, #tpu.memory_space<vmem>>, vector<1x16xf32>,
          %swap3A_1132 = vector.shape_cast %swap3A_1131 : vector<1x16xf32> to vector<16xf32>
          %swap3A_1133 = vector.shape_cast %add3A_1128 : vector<16xf32> to vector<1x16xf32>
          tpu.vector_store %arg13[%swap3A_1129, %swap3A_1130], %swap3A_1133 {strides = array<i32>} : memref<32x128xf32, #tpu.memory_space<vmem>>, vector<1x16xf32>,
          %scan3A_1134 = arith.constant 0 : i32
          scf.yield %scan3A_1134 : i32
        }
        %scan3A_461 = arith.constant 32 : i32
        %mul3A_462 = arith.constant 32 : i32
        %mul3A_463 = arith.muli %add3A_405, %mul3A_462 : i32
        %dma_start3A_464 = arith.constant 0 : i32
        %dma_start3A_465 = tpu.memref_slice %arg5[%mul3A_463, %dma_start3A_464] : memref<100000x128xf32, #tpu.memory_space<hbm>> -> memref<32x128xf32, #tpu.memory_space<hbm>>
        %dma_start3A_466 = arith.constant 0 : i32
        %dma_start3A_467 = tpu.memref_slice %arg5[%mul3A_463, %dma_start3A_466] : memref<100000x128xf32, #tpu.memory_space<hbm>> -> memref<32x128xf32, #tpu.memory_space<hbm>>
        tpu.enqueue_dma source(%arg13 : memref<32x128xf32, #tpu.memory_space<vmem>>) target(%dma_start3A_467 : memref<32x128xf32, #tpu.memory_space<hbm>>) target_semaphore(%arg17 : memref<!tpu.dma_semaphore, #tpu.memory_space<semaphore_mem>>)
      } else {
      }
      %mul3A_411 = arith.constant 2 : i32
      %mul3A_412 = arith.muli %mul3A_411, %scan3A_379 : i32
      %add3A_413 = arith.constant 1 : i32
      %add3A_414 = arith.addi %mul3A_412, %add3A_413 : i32
      %add3A_415 = arith.constant 2 : i32
      %add3A_416 = arith.addi %add3A_414, %add3A_415 : i32
      %mul3A_417 = arith.constant 32 : i32
      %mul3A_418 = arith.muli %mul3A_417, %add3A_416 : i32
      %add3A_419 = arith.addi %add3A, %mul3A_418 : i32
      %lt3A_420 = arith.constant 3125 : i32
      %lt3A_421 = arith.cmpi slt, %add3A_419, %lt3A_420 : i32
      %convert_element_type3A_422 = arith.extui %lt3A_421 : i1 to i32
      %cond3A_423 = arith.constant 0 : i32
      %cond3A_424 = arith.cmpi ne, %convert_element_type3A_422, %cond3A_423 : i32
      scf.if %cond3A_424 {
        %mul3A_444 = arith.constant 288 : i32
        %mul3A_445 = arith.muli %add3A_419, %mul3A_444 : i32
        %dma_start3A_446 = tpu.memref_slice %arg2[%mul3A_445] : memref<900000xi32, #tpu.memory_space<hbm>> -> memref<288xi32, #tpu.memory_space<hbm>>
        %dma_start3A_447 = tpu.memref_slice %arg2[%mul3A_445] : memref<900000xi32, #tpu.memory_space<hbm>> -> memref<288xi32, #tpu.memory_space<hbm>>
        tpu.enqueue_dma source(%dma_start3A_447 : memref<288xi32, #tpu.memory_space<hbm>>) target(%arg7 : memref<288xi32, #tpu.memory_space<vmem>>) target_semaphore(%arg20 : memref<!tpu.dma_semaphore, #tpu.memory_space<semaphore_mem>>)
      } else {
      }
      %add3A_425 = arith.constant 1 : i32
      %add3A_426 = arith.addi %add3A_414, %add3A_425 : i32
      %mul3A_427 = arith.constant 32 : i32
      %mul3A_428 = arith.muli %mul3A_427, %add3A_426 : i32
      %add3A_429 = arith.addi %add3A, %mul3A_428 : i32
      %lt3A_430 = arith.constant 3125 : i32
      %lt3A_431 = arith.cmpi slt, %add3A_429, %lt3A_430 : i32
      %convert_element_type3A_432 = arith.extui %lt3A_431 : i1 to i32
      %cond3A_433 = arith.constant 0 : i32
      %cond3A_434 = arith.cmpi ne, %convert_element_type3A_432, %cond3A_433 : i32
      scf.if %cond3A_434 {
        %dma_wait3A_444 = arith.constant 0 : i32
        %dma_wait3A_445 = tpu.memref_slice %arg2[%dma_wait3A_444] : memref<900000xi32, #tpu.memory_space<hbm>> -> memref<288xi32, #tpu.memory_space<hbm>>
        %dma_wait3A_446 = arith.constant 0 : i32
        %dma_wait3A_447 = tpu.memref_slice %arg2[%dma_wait3A_446] : memref<900000xi32, #tpu.memory_space<hbm>> -> memref<288xi32, #tpu.memory_space<hbm>>
        tpu.wait_dma2 semaphore(%arg19 : memref<!tpu.dma_semaphore, #tpu.memory_space<semaphore_mem>>) src(%dma_wait3A_447 : memref<288xi32, #tpu.memory_space<hbm>>) dst(%arg6 : memref<288xi32, #tpu.memory_space<vmem>>)
        %get3A_448 = arith.constant 0 : index
        %get3A_449 = tpu.vector_load %arg6[%get3A_448] {strides = array<i32>} : memref<288xi32, #tpu.memory_space<vmem>>, vector<16xi32>,
        %get3A_450 = vector.shape_cast %get3A_449 : vector<16xi32> to vector<16xi32>
        %get3A_451 = arith.constant 0 : i32
        %get3A_452 = arith.index_cast %get3A_451 : i32 to index
        %get3A_453 = arith.constant 0 : index
        %get3A_454 = tpu.vector_load %arg8[%get3A_452, %get3A_453] {strides = array<i32>} : memref<1x144xi32, #tpu.memory_space<vmem>>, vector<1x16xi32>,
        %get3A_455 = vector.shape_cast %get3A_454 : vector<1x16xi32> to vector<16xi32>
        %add3A_456 = arith.addi %get3A_450, %get3A_455 : vector<16xi32>
        %swap3A_457 = arith.constant 0 : i32
        %swap3A_458 = arith.index_cast %swap3A_457 : i32 to index
        %swap3A_459 = arith.constant 0 : index
        %swap3A_460 = tpu.vector_load %arg9[%swap3A_458, %swap3A_459] {strides = array<i32>} : memref<3x96xi32, #tpu.memory_space<vmem>>, vector<1x16xi32>,
        %swap3A_461 = vector.shape_cast %swap3A_460 : vector<1x16xi32> to vector<16xi32>
        %swap3A_462 = vector.shape_cast %add3A_456 : vector<16xi32> to vector<1x16xi32>
        tpu.vector_store %arg9[%swap3A_458, %swap3A_459], %swap3A_462 {strides = array<i32>} : memref<3x96xi32, #tpu.memory_space<vmem>>, vector<1x16xi32>,
        %get3A_463 = arith.constant 16 : index
        %get3A_464 = tpu.vector_load %arg6[%get3A_463] {strides = array<i32>} : memref<288xi32, #tpu.memory_space<vmem>>, vector<16xi32>,
        %get3A_465 = vector.shape_cast %get3A_464 : vector<16xi32> to vector<16xi32>
        %get3A_466 = arith.constant 0 : i32
        %get3A_467 = arith.index_cast %get3A_466 : i32 to index
        %get3A_468 = arith.constant 16 : index
        %get3A_469 = tpu.vector_load %arg8[%get3A_467, %get3A_468] {strides = array<i32>} : memref<1x144xi32, #tpu.memory_space<vmem>>, vector<1x16xi32>,
        %get3A_470 = vector.shape_cast %get3A_469 : vector<1x16xi32> to vector<16xi32>
        %add3A_471 = arith.addi %get3A_465, %get3A_470 : vector<16xi32>
        %swap3A_472 = arith.constant 0 : i32
        %swap3A_473 = arith.index_cast %swap3A_472 : i32 to index
        %swap3A_474 = arith.constant 16 : index
        %swap3A_475 = tpu.vector_load %arg9[%swap3A_473, %swap3A_474] {strides = array<i32>} : memref<3x96xi32, #tpu.memory_space<vmem>>, vector<1x16xi32>,
        %swap3A_476 = vector.shape_cast %swap3A_475 : vector<1x16xi32> to vector<16xi32>
        %swap3A_477 = vector.shape_cast %add3A_471 : vector<16xi32> to vector<1x16xi32>
        tpu.vector_store %arg9[%swap3A_473, %swap3A_474], %swap3A_477 {strides = array<i32>} : memref<3x96xi32, #tpu.memory_space<vmem>>, vector<1x16xi32>,
        %get3A_478 = arith.constant 32 : index
        %get3A_479 = tpu.vector_load %arg6[%get3A_478] {strides = array<i32>} : memref<288xi32, #tpu.memory_space<vmem>>, vector<16xi32>,
        %get3A_480 = vector.shape_cast %get3A_479 : vector<16xi32> to vector<16xi32>
        %get3A_481 = arith.constant 0 : i32
        %get3A_482 = arith.index_cast %get3A_481 : i32 to index
        %get3A_483 = arith.constant 32 : index
        %get3A_484 = tpu.vector_load %arg8[%get3A_482, %get3A_483] {strides = array<i32>} : memref<1x144xi32, #tpu.memory_space<vmem>>, vector<1x16xi32>,
        %get3A_485 = vector.shape_cast %get3A_484 : vector<1x16xi32> to vector<16xi32>
        %add3A_486 = arith.addi %get3A_480, %get3A_485 : vector<16xi32>
        %swap3A_487 = arith.constant 0 : i32
        %swap3A_488 = arith.index_cast %swap3A_487 : i32 to index
        %swap3A_489 = arith.constant 32 : index
        %swap3A_490 = tpu.vector_load %arg9[%swap3A_488, %swap3A_489] {strides = array<i32>} : memref<3x96xi32, #tpu.memory_space<vmem>>, vector<1x16xi32>,
        %swap3A_491 = vector.shape_cast %swap3A_490 : vector<1x16xi32> to vector<16xi32>
        %swap3A_492 = vector.shape_cast %add3A_486 : vector<16xi32> to vector<1x16xi32>
        tpu.vector_store %arg9[%swap3A_488, %swap3A_489], %swap3A_492 {strides = array<i32>} : memref<3x96xi32, #tpu.memory_space<vmem>>, vector<1x16xi32>,
        %get3A_493 = arith.constant 48 : index
        %get3A_494 = tpu.vector_load %arg6[%get3A_493] {strides = array<i32>} : memref<288xi32, #tpu.memory_space<vmem>>, vector<16xi32>,
        %get3A_495 = vector.shape_cast %get3A_494 : vector<16xi32> to vector<16xi32>
        %get3A_496 = arith.constant 0 : i32
        %get3A_497 = arith.index_cast %get3A_496 : i32 to index
        %get3A_498 = arith.constant 48 : index
        %get3A_499 = tpu.vector_load %arg8[%get3A_497, %get3A_498] {strides = array<i32>} : memref<1x144xi32, #tpu.memory_space<vmem>>, vector<1x16xi32>,
        %get3A_500 = vector.shape_cast %get3A_499 : vector<1x16xi32> to vector<16xi32>
        %add3A_501 = arith.addi %get3A_495, %get3A_500 : vector<16xi32>
        %swap3A_502 = arith.constant 0 : i32
        %swap3A_503 = arith.index_cast %swap3A_502 : i32 to index
        %swap3A_504 = arith.constant 48 : index
        %swap3A_505 = tpu.vector_load %arg9[%swap3A_503, %swap3A_504] {strides = array<i32>} : memref<3x96xi32, #tpu.memory_space<vmem>>, vector<1x16xi32>,
        %swap3A_506 = vector.shape_cast %swap3A_505 : vector<1x16xi32> to vector<16xi32>
        %swap3A_507 = vector.shape_cast %add3A_501 : vector<16xi32> to vector<1x16xi32>
        tpu.vector_store %arg9[%swap3A_503, %swap3A_504], %swap3A_507 {strides = array<i32>} : memref<3x96xi32, #tpu.memory_space<vmem>>, vector<1x16xi32>,
        %get3A_508 = arith.constant 64 : index
        %get3A_509 = tpu.vector_load %arg6[%get3A_508] {strides = array<i32>} : memref<288xi32, #tpu.memory_space<vmem>>, vector<16xi32>,
        %get3A_510 = vector.shape_cast %get3A_509 : vector<16xi32> to vector<16xi32>
        %get3A_511 = arith.constant 0 : i32
        %get3A_512 = arith.index_cast %get3A_511 : i32 to index
        %get3A_513 = arith.constant 64 : index
        %get3A_514 = tpu.vector_load %arg8[%get3A_512, %get3A_513] {strides = array<i32>} : memref<1x144xi32, #tpu.memory_space<vmem>>, vector<1x16xi32>,
        %get3A_515 = vector.shape_cast %get3A_514 : vector<1x16xi32> to vector<16xi32>
        %add3A_516 = arith.addi %get3A_510, %get3A_515 : vector<16xi32>
        %swap3A_517 = arith.constant 0 : i32
        %swap3A_518 = arith.index_cast %swap3A_517 : i32 to index
        %swap3A_519 = arith.constant 64 : index
        %swap3A_520 = tpu.vector_load %arg9[%swap3A_518, %swap3A_519] {strides = array<i32>} : memref<3x96xi32, #tpu.memory_space<vmem>>, vector<1x16xi32>,
        %swap3A_521 = vector.shape_cast %swap3A_520 : vector<1x16xi32> to vector<16xi32>
        %swap3A_522 = vector.shape_cast %add3A_516 : vector<16xi32> to vector<1x16xi32>
        tpu.vector_store %arg9[%swap3A_518, %swap3A_519], %swap3A_522 {strides = array<i32>} : memref<3x96xi32, #tpu.memory_space<vmem>>, vector<1x16xi32>,
        %get3A_523 = arith.constant 80 : index
        %get3A_524 = tpu.vector_load %arg6[%get3A_523] {strides = array<i32>} : memref<288xi32, #tpu.memory_space<vmem>>, vector<16xi32>,
        %get3A_525 = vector.shape_cast %get3A_524 : vector<16xi32> to vector<16xi32>
        %get3A_526 = arith.constant 0 : i32
        %get3A_527 = arith.index_cast %get3A_526 : i32 to index
        %get3A_528 = arith.constant 80 : index
        %get3A_529 = tpu.vector_load %arg8[%get3A_527, %get3A_528] {strides = array<i32>} : memref<1x144xi32, #tpu.memory_space<vmem>>, vector<1x16xi32>,
        %get3A_530 = vector.shape_cast %get3A_529 : vector<1x16xi32> to vector<16xi32>
        %add3A_531 = arith.addi %get3A_525, %get3A_530 : vector<16xi32>
        %swap3A_532 = arith.constant 0 : i32
        %swap3A_533 = arith.index_cast %swap3A_532 : i32 to index
        %swap3A_534 = arith.constant 80 : index
        %swap3A_535 = tpu.vector_load %arg9[%swap3A_533, %swap3A_534] {strides = array<i32>} : memref<3x96xi32, #tpu.memory_space<vmem>>, vector<1x16xi32>,
        %swap3A_536 = vector.shape_cast %swap3A_535 : vector<1x16xi32> to vector<16xi32>
        %swap3A_537 = vector.shape_cast %add3A_531 : vector<16xi32> to vector<1x16xi32>
        tpu.vector_store %arg9[%swap3A_533, %swap3A_534], %swap3A_537 {strides = array<i32>} : memref<3x96xi32, #tpu.memory_space<vmem>>, vector<1x16xi32>,
        %get3A_538 = arith.constant 96 : index
        %get3A_539 = tpu.vector_load %arg6[%get3A_538] {strides = array<i32>} : memref<288xi32, #tpu.memory_space<vmem>>, vector<16xi32>,
        %get3A_540 = vector.shape_cast %get3A_539 : vector<16xi32> to vector<16xi32>
        %get3A_541 = arith.constant 0 : i32
        %get3A_542 = arith.index_cast %get3A_541 : i32 to index
        %get3A_543 = arith.constant 96 : index
        %get3A_544 = tpu.vector_load %arg8[%get3A_542, %get3A_543] {strides = array<i32>} : memref<1x144xi32, #tpu.memory_space<vmem>>, vector<1x16xi32>,
        %get3A_545 = vector.shape_cast %get3A_544 : vector<1x16xi32> to vector<16xi32>
        %add3A_546 = arith.addi %get3A_540, %get3A_545 : vector<16xi32>
        %swap3A_547 = arith.constant 1 : i32
        %swap3A_548 = arith.index_cast %swap3A_547 : i32 to index
        %swap3A_549 = arith.constant 0 : index
        %swap3A_550 = tpu.vector_load %arg9[%swap3A_548, %swap3A_549] {strides = array<i32>} : memref<3x96xi32, #tpu.memory_space<vmem>>, vector<1x16xi32>,
        %swap3A_551 = vector.shape_cast %swap3A_550 : vector<1x16xi32> to vector<16xi32>
        %swap3A_552 = vector.shape_cast %add3A_546 : vector<16xi32> to vector<1x16xi32>
        tpu.vector_store %arg9[%swap3A_548, %swap3A_549], %swap3A_552 {strides = array<i32>} : memref<3x96xi32, #tpu.memory_space<vmem>>, vector<1x16xi32>,
        %get3A_553 = arith.constant 112 : index
        %get3A_554 = tpu.vector_load %arg6[%get3A_553] {strides = array<i32>} : memref<288xi32, #tpu.memory_space<vmem>>, vector<16xi32>,
        %get3A_555 = vector.shape_cast %get3A_554 : vector<16xi32> to vector<16xi32>
        %get3A_556 = arith.constant 0 : i32
        %get3A_557 = arith.index_cast %get3A_556 : i32 to index
        %get3A_558 = arith.constant 112 : index
        %get3A_559 = tpu.vector_load %arg8[%get3A_557, %get3A_558] {strides = array<i32>} : memref<1x144xi32, #tpu.memory_space<vmem>>, vector<1x16xi32>,
        %get3A_560 = vector.shape_cast %get3A_559 : vector<1x16xi32> to vector<16xi32>
        %add3A_561 = arith.addi %get3A_555, %get3A_560 : vector<16xi32>
        %swap3A_562 = arith.constant 1 : i32
        %swap3A_563 = arith.index_cast %swap3A_562 : i32 to index
        %swap3A_564 = arith.constant 16 : index
        %swap3A_565 = tpu.vector_load %arg9[%swap3A_563, %swap3A_564] {strides = array<i32>} : memref<3x96xi32, #tpu.memory_space<vmem>>, vector<1x16xi32>,
        %swap3A_566 = vector.shape_cast %swap3A_565 : vector<1x16xi32> to vector<16xi32>
        %swap3A_567 = vector.shape_cast %add3A_561 : vector<16xi32> to vector<1x16xi32>
        tpu.vector_store %arg9[%swap3A_563, %swap3A_564], %swap3A_567 {strides = array<i32>} : memref<3x96xi32, #tpu.memory_space<vmem>>, vector<1x16xi32>,
        %get3A_568 = arith.constant 128 : index
        %get3A_569 = tpu.vector_load %arg6[%get3A_568] {strides = array<i32>} : memref<288xi32, #tpu.memory_space<vmem>>, vector<16xi32>,
        %get3A_570 = vector.shape_cast %get3A_569 : vector<16xi32> to vector<16xi32>
        %get3A_571 = arith.constant 0 : i32
        %get3A_572 = arith.index_cast %get3A_571 : i32 to index
        %get3A_573 = arith.constant 128 : index
        %get3A_574 = tpu.vector_load %arg8[%get3A_572, %get3A_573] {strides = array<i32>} : memref<1x144xi32, #tpu.memory_space<vmem>>, vector<1x16xi32>,
        %get3A_575 = vector.shape_cast %get3A_574 : vector<1x16xi32> to vector<16xi32>
        %add3A_576 = arith.addi %get3A_570, %get3A_575 : vector<16xi32>
        %swap3A_577 = arith.constant 1 : i32
        %swap3A_578 = arith.index_cast %swap3A_577 : i32 to index
        %swap3A_579 = arith.constant 32 : index
        %swap3A_580 = tpu.vector_load %arg9[%swap3A_578, %swap3A_579] {strides = array<i32>} : memref<3x96xi32, #tpu.memory_space<vmem>>, vector<1x16xi32>,
        %swap3A_581 = vector.shape_cast %swap3A_580 : vector<1x16xi32> to vector<16xi32>
        %swap3A_582 = vector.shape_cast %add3A_576 : vector<16xi32> to vector<1x16xi32>
        tpu.vector_store %arg9[%swap3A_578, %swap3A_579], %swap3A_582 {strides = array<i32>} : memref<3x96xi32, #tpu.memory_space<vmem>>, vector<1x16xi32>,
        %get3A_583 = arith.constant 144 : index
        %get3A_584 = tpu.vector_load %arg6[%get3A_583] {strides = array<i32>} : memref<288xi32, #tpu.memory_space<vmem>>, vector<16xi32>,
        %get3A_585 = vector.shape_cast %get3A_584 : vector<16xi32> to vector<16xi32>
        %get3A_586 = arith.constant 0 : i32
        %get3A_587 = arith.index_cast %get3A_586 : i32 to index
        %get3A_588 = arith.constant 0 : index
        %get3A_589 = tpu.vector_load %arg8[%get3A_587, %get3A_588] {strides = array<i32>} : memref<1x144xi32, #tpu.memory_space<vmem>>, vector<1x16xi32>,
        %get3A_590 = vector.shape_cast %get3A_589 : vector<1x16xi32> to vector<16xi32>
        %add3A_591 = arith.addi %get3A_585, %get3A_590 : vector<16xi32>
        %swap3A_592 = arith.constant 1 : i32
        %swap3A_593 = arith.index_cast %swap3A_592 : i32 to index
        %swap3A_594 = arith.constant 48 : index
        %swap3A_595 = tpu.vector_load %arg9[%swap3A_593, %swap3A_594] {strides = array<i32>} : memref<3x96xi32, #tpu.memory_space<vmem>>, vector<1x16xi32>,
        %swap3A_596 = vector.shape_cast %swap3A_595 : vector<1x16xi32> to vector<16xi32>
        %swap3A_597 = vector.shape_cast %add3A_591 : vector<16xi32> to vector<1x16xi32>
        tpu.vector_store %arg9[%swap3A_593, %swap3A_594], %swap3A_597 {strides = array<i32>} : memref<3x96xi32, #tpu.memory_space<vmem>>, vector<1x16xi32>,
        %get3A_598 = arith.constant 160 : index
        %get3A_599 = tpu.vector_load %arg6[%get3A_598] {strides = array<i32>} : memref<288xi32, #tpu.memory_space<vmem>>, vector<16xi32>,
        %get3A_600 = vector.shape_cast %get3A_599 : vector<16xi32> to vector<16xi32>
        %get3A_601 = arith.constant 0 : i32
        %get3A_602 = arith.index_cast %get3A_601 : i32 to index
        %get3A_603 = arith.constant 16 : index
        %get3A_604 = tpu.vector_load %arg8[%get3A_602, %get3A_603] {strides = array<i32>} : memref<1x144xi32, #tpu.memory_space<vmem>>, vector<1x16xi32>,
        %get3A_605 = vector.shape_cast %get3A_604 : vector<1x16xi32> to vector<16xi32>
        %add3A_606 = arith.addi %get3A_600, %get3A_605 : vector<16xi32>
        %swap3A_607 = arith.constant 1 : i32
        %swap3A_608 = arith.index_cast %swap3A_607 : i32 to index
        %swap3A_609 = arith.constant 64 : index
        %swap3A_610 = tpu.vector_load %arg9[%swap3A_608, %swap3A_609] {strides = array<i32>} : memref<3x96xi32, #tpu.memory_space<vmem>>, vector<1x16xi32>,
        %swap3A_611 = vector.shape_cast %swap3A_610 : vector<1x16xi32> to vector<16xi32>
        %swap3A_612 = vector.shape_cast %add3A_606 : vector<16xi32> to vector<1x16xi32>
        tpu.vector_store %arg9[%swap3A_608, %swap3A_609], %swap3A_612 {strides = array<i32>} : memref<3x96xi32, #tpu.memory_space<vmem>>, vector<1x16xi32>,
        %get3A_613 = arith.constant 176 : index
        %get3A_614 = tpu.vector_load %arg6[%get3A_613] {strides = array<i32>} : memref<288xi32, #tpu.memory_space<vmem>>, vector<16xi32>,
        %get3A_615 = vector.shape_cast %get3A_614 : vector<16xi32> to vector<16xi32>
        %get3A_616 = arith.constant 0 : i32
        %get3A_617 = arith.index_cast %get3A_616 : i32 to index
        %get3A_618 = arith.constant 32 : index
        %get3A_619 = tpu.vector_load %arg8[%get3A_617, %get3A_618] {strides = array<i32>} : memref<1x144xi32, #tpu.memory_space<vmem>>, vector<1x16xi32>,
        %get3A_620 = vector.shape_cast %get3A_619 : vector<1x16xi32> to vector<16xi32>
        %add3A_621 = arith.addi %get3A_615, %get3A_620 : vector<16xi32>
        %swap3A_622 = arith.constant 1 : i32
        %swap3A_623 = arith.index_cast %swap3A_622 : i32 to index
        %swap3A_624 = arith.constant 80 : index
        %swap3A_625 = tpu.vector_load %arg9[%swap3A_623, %swap3A_624] {strides = array<i32>} : memref<3x96xi32, #tpu.memory_space<vmem>>, vector<1x16xi32>,
        %swap3A_626 = vector.shape_cast %swap3A_625 : vector<1x16xi32> to vector<16xi32>
        %swap3A_627 = vector.shape_cast %add3A_621 : vector<16xi32> to vector<1x16xi32>
        tpu.vector_store %arg9[%swap3A_623, %swap3A_624], %swap3A_627 {strides = array<i32>} : memref<3x96xi32, #tpu.memory_space<vmem>>, vector<1x16xi32>,
        %get3A_628 = arith.constant 192 : index
        %get3A_629 = tpu.vector_load %arg6[%get3A_628] {strides = array<i32>} : memref<288xi32, #tpu.memory_space<vmem>>, vector<16xi32>,
        %get3A_630 = vector.shape_cast %get3A_629 : vector<16xi32> to vector<16xi32>
        %get3A_631 = arith.constant 0 : i32
        %get3A_632 = arith.index_cast %get3A_631 : i32 to index
        %get3A_633 = arith.constant 48 : index
        %get3A_634 = tpu.vector_load %arg8[%get3A_632, %get3A_633] {strides = array<i32>} : memref<1x144xi32, #tpu.memory_space<vmem>>, vector<1x16xi32>,
        %get3A_635 = vector.shape_cast %get3A_634 : vector<1x16xi32> to vector<16xi32>
        %add3A_636 = arith.addi %get3A_630, %get3A_635 : vector<16xi32>
        %swap3A_637 = arith.constant 2 : i32
        %swap3A_638 = arith.index_cast %swap3A_637 : i32 to index
        %swap3A_639 = arith.constant 0 : index
        %swap3A_640 = tpu.vector_load %arg9[%swap3A_638, %swap3A_639] {strides = array<i32>} : memref<3x96xi32, #tpu.memory_space<vmem>>, vector<1x16xi32>,
        %swap3A_641 = vector.shape_cast %swap3A_640 : vector<1x16xi32> to vector<16xi32>
        %swap3A_642 = vector.shape_cast %add3A_636 : vector<16xi32> to vector<1x16xi32>
        tpu.vector_store %arg9[%swap3A_638, %swap3A_639], %swap3A_642 {strides = array<i32>} : memref<3x96xi32, #tpu.memory_space<vmem>>, vector<1x16xi32>,
        %get3A_643 = arith.constant 208 : index
        %get3A_644 = tpu.vector_load %arg6[%get3A_643] {strides = array<i32>} : memref<288xi32, #tpu.memory_space<vmem>>, vector<16xi32>,
        %get3A_645 = vector.shape_cast %get3A_644 : vector<16xi32> to vector<16xi32>
        %get3A_646 = arith.constant 0 : i32
        %get3A_647 = arith.index_cast %get3A_646 : i32 to index
        %get3A_648 = arith.constant 64 : index
        %get3A_649 = tpu.vector_load %arg8[%get3A_647, %get3A_648] {strides = array<i32>} : memref<1x144xi32, #tpu.memory_space<vmem>>, vector<1x16xi32>,
        %get3A_650 = vector.shape_cast %get3A_649 : vector<1x16xi32> to vector<16xi32>
        %add3A_651 = arith.addi %get3A_645, %get3A_650 : vector<16xi32>
        %swap3A_652 = arith.constant 2 : i32
        %swap3A_653 = arith.index_cast %swap3A_652 : i32 to index
        %swap3A_654 = arith.constant 16 : index
        %swap3A_655 = tpu.vector_load %arg9[%swap3A_653, %swap3A_654] {strides = array<i32>} : memref<3x96xi32, #tpu.memory_space<vmem>>, vector<1x16xi32>,
        %swap3A_656 = vector.shape_cast %swap3A_655 : vector<1x16xi32> to vector<16xi32>
        %swap3A_657 = vector.shape_cast %add3A_651 : vector<16xi32> to vector<1x16xi32>
        tpu.vector_store %arg9[%swap3A_653, %swap3A_654], %swap3A_657 {strides = array<i32>} : memref<3x96xi32, #tpu.memory_space<vmem>>, vector<1x16xi32>,
        %get3A_658 = arith.constant 224 : index
        %get3A_659 = tpu.vector_load %arg6[%get3A_658] {strides = array<i32>} : memref<288xi32, #tpu.memory_space<vmem>>, vector<16xi32>,
        %get3A_660 = vector.shape_cast %get3A_659 : vector<16xi32> to vector<16xi32>
        %get3A_661 = arith.constant 0 : i32
        %get3A_662 = arith.index_cast %get3A_661 : i32 to index
        %get3A_663 = arith.constant 80 : index
        %get3A_664 = tpu.vector_load %arg8[%get3A_662, %get3A_663] {strides = array<i32>} : memref<1x144xi32, #tpu.memory_space<vmem>>, vector<1x16xi32>,
        %get3A_665 = vector.shape_cast %get3A_664 : vector<1x16xi32> to vector<16xi32>
        %add3A_666 = arith.addi %get3A_660, %get3A_665 : vector<16xi32>
        %swap3A_667 = arith.constant 2 : i32
        %swap3A_668 = arith.index_cast %swap3A_667 : i32 to index
        %swap3A_669 = arith.constant 32 : index
        %swap3A_670 = tpu.vector_load %arg9[%swap3A_668, %swap3A_669] {strides = array<i32>} : memref<3x96xi32, #tpu.memory_space<vmem>>, vector<1x16xi32>,
        %swap3A_671 = vector.shape_cast %swap3A_670 : vector<1x16xi32> to vector<16xi32>
        %swap3A_672 = vector.shape_cast %add3A_666 : vector<16xi32> to vector<1x16xi32>
        tpu.vector_store %arg9[%swap3A_668, %swap3A_669], %swap3A_672 {strides = array<i32>} : memref<3x96xi32, #tpu.memory_space<vmem>>, vector<1x16xi32>,
        %get3A_673 = arith.constant 240 : index
        %get3A_674 = tpu.vector_load %arg6[%get3A_673] {strides = array<i32>} : memref<288xi32, #tpu.memory_space<vmem>>, vector<16xi32>,
        %get3A_675 = vector.shape_cast %get3A_674 : vector<16xi32> to vector<16xi32>
        %get3A_676 = arith.constant 0 : i32
        %get3A_677 = arith.index_cast %get3A_676 : i32 to index
        %get3A_678 = arith.constant 96 : index
        %get3A_679 = tpu.vector_load %arg8[%get3A_677, %get3A_678] {strides = array<i32>} : memref<1x144xi32, #tpu.memory_space<vmem>>, vector<1x16xi32>,
        %get3A_680 = vector.shape_cast %get3A_679 : vector<1x16xi32> to vector<16xi32>
        %add3A_681 = arith.addi %get3A_675, %get3A_680 : vector<16xi32>
        %swap3A_682 = arith.constant 2 : i32
        %swap3A_683 = arith.index_cast %swap3A_682 : i32 to index
        %swap3A_684 = arith.constant 48 : index
        %swap3A_685 = tpu.vector_load %arg9[%swap3A_683, %swap3A_684] {strides = array<i32>} : memref<3x96xi32, #tpu.memory_space<vmem>>, vector<1x16xi32>,
        %swap3A_686 = vector.shape_cast %swap3A_685 : vector<1x16xi32> to vector<16xi32>
        %swap3A_687 = vector.shape_cast %add3A_681 : vector<16xi32> to vector<1x16xi32>
        tpu.vector_store %arg9[%swap3A_683, %swap3A_684], %swap3A_687 {strides = array<i32>} : memref<3x96xi32, #tpu.memory_space<vmem>>, vector<1x16xi32>,
        %get3A_688 = arith.constant 256 : index
        %get3A_689 = tpu.vector_load %arg6[%get3A_688] {strides = array<i32>} : memref<288xi32, #tpu.memory_space<vmem>>, vector<16xi32>,
        %get3A_690 = vector.shape_cast %get3A_689 : vector<16xi32> to vector<16xi32>
        %get3A_691 = arith.constant 0 : i32
        %get3A_692 = arith.index_cast %get3A_691 : i32 to index
        %get3A_693 = arith.constant 112 : index
        %get3A_694 = tpu.vector_load %arg8[%get3A_692, %get3A_693] {strides = array<i32>} : memref<1x144xi32, #tpu.memory_space<vmem>>, vector<1x16xi32>,
        %get3A_695 = vector.shape_cast %get3A_694 : vector<1x16xi32> to vector<16xi32>
        %add3A_696 = arith.addi %get3A_690, %get3A_695 : vector<16xi32>
        %swap3A_697 = arith.constant 2 : i32
        %swap3A_698 = arith.index_cast %swap3A_697 : i32 to index
        %swap3A_699 = arith.constant 64 : index
        %swap3A_700 = tpu.vector_load %arg9[%swap3A_698, %swap3A_699] {strides = array<i32>} : memref<3x96xi32, #tpu.memory_space<vmem>>, vector<1x16xi32>,
        %swap3A_701 = vector.shape_cast %swap3A_700 : vector<1x16xi32> to vector<16xi32>
        %swap3A_702 = vector.shape_cast %add3A_696 : vector<16xi32> to vector<1x16xi32>
        tpu.vector_store %arg9[%swap3A_698, %swap3A_699], %swap3A_702 {strides = array<i32>} : memref<3x96xi32, #tpu.memory_space<vmem>>, vector<1x16xi32>,
        %get3A_703 = arith.constant 272 : index
        %get3A_704 = tpu.vector_load %arg6[%get3A_703] {strides = array<i32>} : memref<288xi32, #tpu.memory_space<vmem>>, vector<16xi32>,
        %get3A_705 = vector.shape_cast %get3A_704 : vector<16xi32> to vector<16xi32>
        %get3A_706 = arith.constant 0 : i32
        %get3A_707 = arith.index_cast %get3A_706 : i32 to index
        %get3A_708 = arith.constant 128 : index
        %get3A_709 = tpu.vector_load %arg8[%get3A_707, %get3A_708] {strides = array<i32>} : memref<1x144xi32, #tpu.memory_space<vmem>>, vector<1x16xi32>,
        %get3A_710 = vector.shape_cast %get3A_709 : vector<1x16xi32> to vector<16xi32>
        %add3A_711 = arith.addi %get3A_705, %get3A_710 : vector<16xi32>
        %swap3A_712 = arith.constant 2 : i32
        %swap3A_713 = arith.index_cast %swap3A_712 : i32 to index
        %swap3A_714 = arith.constant 80 : index
        %swap3A_715 = tpu.vector_load %arg9[%swap3A_713, %swap3A_714] {strides = array<i32>} : memref<3x96xi32, #tpu.memory_space<vmem>>, vector<1x16xi32>,
        %swap3A_716 = vector.shape_cast %swap3A_715 : vector<1x16xi32> to vector<16xi32>
        %swap3A_717 = vector.shape_cast %add3A_711 : vector<16xi32> to vector<1x16xi32>
        tpu.vector_store %arg9[%swap3A_713, %swap3A_714], %swap3A_717 {strides = array<i32>} : memref<3x96xi32, #tpu.memory_space<vmem>>, vector<1x16xi32>,
        %dma_start3A_718 = arith.constant 0 : i32
        %dma_start3A_719 = arith.constant 0 : i32
        %dma_start3A_720 = arith.constant 0 : i32
        %dma_start3A_721 = tpu.memref_slice %arg11[%dma_start3A_719, %dma_start3A_720] : memref<288x128xf32, #tpu.memory_space<vmem>> -> memref<96x128xf32, #tpu.memory_space<vmem>>
        %dma_start3A_722 = arith.constant 0 : i32
        %dma_start3A_723 = tpu.memref_slice %arg9[%dma_start3A_718, %dma_start3A_722] : memref<3x96xi32, #tpu.memory_space<vmem>> -> memref<1x96xi32, #tpu.memory_space<vmem>>
        %dma_start3A_724 = tpu.memref_squeeze %dma_start3A_723 : memref<1x96xi32, #tpu.memory_space<vmem>> -> memref<96xi32, #tpu.memory_space<vmem>>
        %dma_start3A_725 = arith.constant 0 : i32
        %dma_start3A_726 = arith.constant 0 : i32
        %dma_start3A_727 = tpu.memref_slice %arg4[%dma_start3A_725, %dma_start3A_726] : memref<9000x128xf32, #tpu.memory_space<hbm>> -> memref<9000x128xf32, #tpu.memory_space<hbm>>
        tpu.enqueue_indirect_dma source(%dma_start3A_727 : memref<9000x128xf32, #tpu.memory_space<hbm>>) target(%dma_start3A_721 : memref<96x128xf32, #tpu.memory_space<vmem>>) offsets(%dma_start3A_724 : memref<96xi32, #tpu.memory_space<vmem>>) semaphore(%arg15 : memref<!tpu.dma_semaphore, #tpu.memory_space<semaphore_mem>>)
        %dma_start3A_728 = arith.constant 1 : i32
        %dma_start3A_729 = arith.constant 96 : i32
        %dma_start3A_730 = arith.constant 0 : i32
        %dma_start3A_731 = tpu.memref_slice %arg11[%dma_start3A_729, %dma_start3A_730] : memref<288x128xf32, #tpu.memory_space<vmem>> -> memref<96x128xf32, #tpu.memory_space<vmem>>
        %dma_start3A_732 = arith.constant 0 : i32
        %dma_start3A_733 = tpu.memref_slice %arg9[%dma_start3A_728, %dma_start3A_732] : memref<3x96xi32, #tpu.memory_space<vmem>> -> memref<1x96xi32, #tpu.memory_space<vmem>>
        %dma_start3A_734 = tpu.memref_squeeze %dma_start3A_733 : memref<1x96xi32, #tpu.memory_space<vmem>> -> memref<96xi32, #tpu.memory_space<vmem>>
        %dma_start3A_735 = arith.constant 0 : i32
        %dma_start3A_736 = arith.constant 0 : i32
        %dma_start3A_737 = tpu.memref_slice %arg4[%dma_start3A_735, %dma_start3A_736] : memref<9000x128xf32, #tpu.memory_space<hbm>> -> memref<9000x128xf32, #tpu.memory_space<hbm>>
        tpu.enqueue_indirect_dma source(%dma_start3A_737 : memref<9000x128xf32, #tpu.memory_space<hbm>>) target(%dma_start3A_731 : memref<96x128xf32, #tpu.memory_space<vmem>>) offsets(%dma_start3A_734 : memref<96xi32, #tpu.memory_space<vmem>>) semaphore(%arg15 : memref<!tpu.dma_semaphore, #tpu.memory_space<semaphore_mem>>)
        %dma_start3A_738 = arith.constant 2 : i32
        %dma_start3A_739 = arith.constant 192 : i32
        %dma_start3A_740 = arith.constant 0 : i32
        %dma_start3A_741 = tpu.memref_slice %arg11[%dma_start3A_739, %dma_start3A_740] : memref<288x128xf32, #tpu.memory_space<vmem>> -> memref<96x128xf32, #tpu.memory_space<vmem>>
        %dma_start3A_742 = arith.constant 0 : i32
        %dma_start3A_743 = tpu.memref_slice %arg9[%dma_start3A_738, %dma_start3A_742] : memref<3x96xi32, #tpu.memory_space<vmem>> -> memref<1x96xi32, #tpu.memory_space<vmem>>
        %dma_start3A_744 = tpu.memref_squeeze %dma_start3A_743 : memref<1x96xi32, #tpu.memory_space<vmem>> -> memref<96xi32, #tpu.memory_space<vmem>>
        %dma_start3A_745 = arith.constant 0 : i32
        %dma_start3A_746 = arith.constant 0 : i32
        %dma_start3A_747 = tpu.memref_slice %arg4[%dma_start3A_745, %dma_start3A_746] : memref<9000x128xf32, #tpu.memory_space<hbm>> -> memref<9000x128xf32, #tpu.memory_space<hbm>>
        tpu.enqueue_indirect_dma source(%dma_start3A_747 : memref<9000x128xf32, #tpu.memory_space<hbm>>) target(%dma_start3A_741 : memref<96x128xf32, #tpu.memory_space<vmem>>) offsets(%dma_start3A_744 : memref<96xi32, #tpu.memory_space<vmem>>) semaphore(%arg15 : memref<!tpu.dma_semaphore, #tpu.memory_space<semaphore_mem>>)
      } else {
      }
      %mul3A_435 = arith.constant 32 : i32
      %mul3A_436 = arith.muli %mul3A_435, %add3A_414 : i32
      %add3A_437 = arith.addi %add3A, %mul3A_436 : i32
      %lt3A_438 = arith.constant 3125 : i32
      %lt3A_439 = arith.cmpi slt, %add3A_437, %lt3A_438 : i32
      %convert_element_type3A_440 = arith.extui %lt3A_439 : i1 to i32
      %cond3A_441 = arith.constant 0 : i32
      %cond3A_442 = arith.cmpi ne, %convert_element_type3A_440, %cond3A_441 : i32
      scf.if %cond3A_442 {
        %dma_wait3A_444 = arith.constant 0 : i32
        %dma_wait3A_445 = arith.constant 0 : i32
        %dma_wait3A_446 = tpu.memref_slice %arg4[%dma_wait3A_444, %dma_wait3A_445] : memref<9000x128xf32, #tpu.memory_space<hbm>> -> memref<288x128xf32, #tpu.memory_space<hbm>>
        %dma_wait3A_447 = arith.constant 0 : i32
        %dma_wait3A_448 = arith.constant 0 : i32
        %dma_wait3A_449 = tpu.memref_slice %arg4[%dma_wait3A_447, %dma_wait3A_448] : memref<9000x128xf32, #tpu.memory_space<hbm>> -> memref<288x128xf32, #tpu.memory_space<hbm>>
        tpu.wait_dma2 semaphore(%arg16 : memref<!tpu.dma_semaphore, #tpu.memory_space<semaphore_mem>>) src(%dma_wait3A_449 : memref<288x128xf32, #tpu.memory_space<hbm>>) dst(%arg12 : memref<288x128xf32, #tpu.memory_space<vmem>>)
        %ge3A_450 = arith.constant 2 : i32
        %ge3A_451 = arith.cmpi sge, %add3A_414, %ge3A_450 : i32
        %convert_element_type3A_452 = arith.extui %ge3A_451 : i1 to i32
        %cond3A_453 = arith.constant 0 : i32
        %cond3A_454 = arith.cmpi ne, %convert_element_type3A_452, %cond3A_453 : i32
        scf.if %cond3A_454 {
          %sub3A_468 = arith.constant 64 : i32
          %sub3A_469 = arith.subi %add3A_437, %sub3A_468 : i32
          %mul3A_470 = arith.constant 32 : i32
          %mul3A_471 = arith.muli %sub3A_469, %mul3A_470 : i32
          %dma_wait3A_472 = arith.constant 0 : i32
          %dma_wait3A_473 = tpu.memref_slice %arg5[%mul3A_471, %dma_wait3A_472] : memref<100000x128xf32, #tpu.memory_space<hbm>> -> memref<32x128xf32, #tpu.memory_space<hbm>>
          %dma_wait3A_474 = arith.constant 0 : i32
          %dma_wait3A_475 = tpu.memref_slice %arg5[%mul3A_471, %dma_wait3A_474] : memref<100000x128xf32, #tpu.memory_space<hbm>> -> memref<32x128xf32, #tpu.memory_space<hbm>>
          tpu.wait_dma2 semaphore(%arg18 : memref<!tpu.dma_semaphore, #tpu.memory_space<semaphore_mem>>) src(%arg14 : memref<32x128xf32, #tpu.memory_space<vmem>>) dst(%dma_wait3A_475 : memref<32x128xf32, #tpu.memory_space<hbm>>)
        } else {
        }
        %scan3A_455 = arith.constant 0 : i32
        %scan3A_456 = arith.constant 0 : i32
        %scan3A_457 = arith.constant 32 : i32
        %scan3A_458 = arith.addi %scan3A_456, %scan3A_457 : i32
        %scan3A_459 = arith.constant 1 : i32
        %scan3A_460 = scf.for %scan3A_468 = %scan3A_456 to %scan3A_458 step %scan3A_459 iter_args(%scan3A_469 = %scan3A_455) -> (i32)  : i32 {
          %mul3A_470 = arith.constant 9 : i32
          %mul3A_471 = arith.muli %scan3A_468, %mul3A_470 : i32
          %get3A_472 = arith.index_cast %mul3A_471 : i32 to index
          %get3A_473 = arith.constant 0 : index
          %get3A_474 = tpu.vector_load %arg12[%get3A_472, %get3A_473] {strides = array<i32>} : memref<288x128xf32, #tpu.memory_space<vmem>>, vector<1x16xf32>,
          %get3A_475 = vector.shape_cast %get3A_474 : vector<1x16xf32> to vector<16xf32>
          %mul3A_476 = arith.constant 9 : i32
          %mul3A_477 = arith.muli %scan3A_468, %mul3A_476 : i32
          %add3A_478 = arith.constant 1 : i32
          %add3A_479 = arith.addi %mul3A_477, %add3A_478 : i32
          %get3A_480 = arith.index_cast %add3A_479 : i32 to index
          %get3A_481 = arith.constant 0 : index
          %get3A_482 = tpu.vector_load %arg12[%get3A_480, %get3A_481] {strides = array<i32>} : memref<288x128xf32, #tpu.memory_space<vmem>>, vector<1x16xf32>,
          %get3A_483 = vector.shape_cast %get3A_482 : vector<1x16xf32> to vector<16xf32>
          %add3A_484 = arith.addf %get3A_475, %get3A_483 : vector<16xf32>
          %mul3A_485 = arith.constant 9 : i32
          %mul3A_486 = arith.muli %scan3A_468, %mul3A_485 : i32
          %add3A_487 = arith.constant 2 : i32
          %add3A_488 = arith.addi %mul3A_486, %add3A_487 : i32
          %get3A_489 = arith.index_cast %add3A_488 : i32 to index
          %get3A_490 = arith.constant 0 : index
          %get3A_491 = tpu.vector_load %arg12[%get3A_489, %get3A_490] {strides = array<i32>} : memref<288x128xf32, #tpu.memory_space<vmem>>, vector<1x16xf32>,
          %get3A_492 = vector.shape_cast %get3A_491 : vector<1x16xf32> to vector<16xf32>
          %add3A_493 = arith.addf %add3A_484, %get3A_492 : vector<16xf32>
          %mul3A_494 = arith.constant 9 : i32
          %mul3A_495 = arith.muli %scan3A_468, %mul3A_494 : i32
          %add3A_496 = arith.constant 3 : i32
          %add3A_497 = arith.addi %mul3A_495, %add3A_496 : i32
          %get3A_498 = arith.index_cast %add3A_497 : i32 to index
          %get3A_499 = arith.constant 0 : index
          %get3A_500 = tpu.vector_load %arg12[%get3A_498, %get3A_499] {strides = array<i32>} : memref<288x128xf32, #tpu.memory_space<vmem>>, vector<1x16xf32>,
          %get3A_501 = vector.shape_cast %get3A_500 : vector<1x16xf32> to vector<16xf32>
          %add3A_502 = arith.addf %add3A_493, %get3A_501 : vector<16xf32>
          %mul3A_503 = arith.constant 9 : i32
          %mul3A_504 = arith.muli %scan3A_468, %mul3A_503 : i32
          %add3A_505 = arith.constant 4 : i32
          %add3A_506 = arith.addi %mul3A_504, %add3A_505 : i32
          %get3A_507 = arith.index_cast %add3A_506 : i32 to index
          %get3A_508 = arith.constant 0 : index
          %get3A_509 = tpu.vector_load %arg12[%get3A_507, %get3A_508] {strides = array<i32>} : memref<288x128xf32, #tpu.memory_space<vmem>>, vector<1x16xf32>,
          %get3A_510 = vector.shape_cast %get3A_509 : vector<1x16xf32> to vector<16xf32>
          %add3A_511 = arith.addf %add3A_502, %get3A_510 : vector<16xf32>
          %mul3A_512 = arith.constant 9 : i32
          %mul3A_513 = arith.muli %scan3A_468, %mul3A_512 : i32
          %add3A_514 = arith.constant 5 : i32
          %add3A_515 = arith.addi %mul3A_513, %add3A_514 : i32
          %get3A_516 = arith.index_cast %add3A_515 : i32 to index
          %get3A_517 = arith.constant 0 : index
          %get3A_518 = tpu.vector_load %arg12[%get3A_516, %get3A_517] {strides = array<i32>} : memref<288x128xf32, #tpu.memory_space<vmem>>, vector<1x16xf32>,
          %get3A_519 = vector.shape_cast %get3A_518 : vector<1x16xf32> to vector<16xf32>
          %add3A_520 = arith.addf %add3A_511, %get3A_519 : vector<16xf32>
          %mul3A_521 = arith.constant 9 : i32
          %mul3A_522 = arith.muli %scan3A_468, %mul3A_521 : i32
          %add3A_523 = arith.constant 6 : i32
          %add3A_524 = arith.addi %mul3A_522, %add3A_523 : i32
          %get3A_525 = arith.index_cast %add3A_524 : i32 to index
          %get3A_526 = arith.constant 0 : index
          %get3A_527 = tpu.vector_load %arg12[%get3A_525, %get3A_526] {strides = array<i32>} : memref<288x128xf32, #tpu.memory_space<vmem>>, vector<1x16xf32>,
          %get3A_528 = vector.shape_cast %get3A_527 : vector<1x16xf32> to vector<16xf32>
          %add3A_529 = arith.addf %add3A_520, %get3A_528 : vector<16xf32>
          %mul3A_530 = arith.constant 9 : i32
          %mul3A_531 = arith.muli %scan3A_468, %mul3A_530 : i32
          %add3A_532 = arith.constant 7 : i32
          %add3A_533 = arith.addi %mul3A_531, %add3A_532 : i32
          %get3A_534 = arith.index_cast %add3A_533 : i32 to index
          %get3A_535 = arith.constant 0 : index
          %get3A_536 = tpu.vector_load %arg12[%get3A_534, %get3A_535] {strides = array<i32>} : memref<288x128xf32, #tpu.memory_space<vmem>>, vector<1x16xf32>,
          %get3A_537 = vector.shape_cast %get3A_536 : vector<1x16xf32> to vector<16xf32>
          %add3A_538 = arith.addf %add3A_529, %get3A_537 : vector<16xf32>
          %mul3A_539 = arith.constant 9 : i32
          %mul3A_540 = arith.muli %scan3A_468, %mul3A_539 : i32
          %add3A_541 = arith.constant 8 : i32
          %add3A_542 = arith.addi %mul3A_540, %add3A_541 : i32
          %get3A_543 = arith.index_cast %add3A_542 : i32 to index
          %get3A_544 = arith.constant 0 : index
          %get3A_545 = tpu.vector_load %arg12[%get3A_543, %get3A_544] {strides = array<i32>} : memref<288x128xf32, #tpu.memory_space<vmem>>, vector<1x16xf32>,
          %get3A_546 = vector.shape_cast %get3A_545 : vector<1x16xf32> to vector<16xf32>
          %add3A_547 = arith.addf %add3A_538, %get3A_546 : vector<16xf32>
          %swap3A_548 = arith.index_cast %scan3A_468 : i32 to index
          %swap3A_549 = arith.constant 0 : index
          %swap3A_550 = tpu.vector_load %arg14[%swap3A_548, %swap3A_549] {strides = array<i32>} : memref<32x128xf32, #tpu.memory_space<vmem>>, vector<1x16xf32>,
          %swap3A_551 = vector.shape_cast %swap3A_550 : vector<1x16xf32> to vector<16xf32>
          %swap3A_552 = vector.shape_cast %add3A_547 : vector<16xf32> to vector<1x16xf32>
          tpu.vector_store %arg14[%swap3A_548, %swap3A_549], %swap3A_552 {strides = array<i32>} : memref<32x128xf32, #tpu.memory_space<vmem>>, vector<1x16xf32>,
          %mul3A_553 = arith.constant 9 : i32
          %mul3A_554 = arith.muli %scan3A_468, %mul3A_553 : i32
          %get3A_555 = arith.index_cast %mul3A_554 : i32 to index
          %get3A_556 = arith.constant 16 : index
          %get3A_557 = tpu.vector_load %arg12[%get3A_555, %get3A_556] {strides = array<i32>} : memref<288x128xf32, #tpu.memory_space<vmem>>, vector<1x16xf32>,
          %get3A_558 = vector.shape_cast %get3A_557 : vector<1x16xf32> to vector<16xf32>
          %mul3A_559 = arith.constant 9 : i32
          %mul3A_560 = arith.muli %scan3A_468, %mul3A_559 : i32
          %add3A_561 = arith.constant 1 : i32
          %add3A_562 = arith.addi %mul3A_560, %add3A_561 : i32
          %get3A_563 = arith.index_cast %add3A_562 : i32 to index
          %get3A_564 = arith.constant 16 : index
          %get3A_565 = tpu.vector_load %arg12[%get3A_563, %get3A_564] {strides = array<i32>} : memref<288x128xf32, #tpu.memory_space<vmem>>, vector<1x16xf32>,
          %get3A_566 = vector.shape_cast %get3A_565 : vector<1x16xf32> to vector<16xf32>
          %add3A_567 = arith.addf %get3A_558, %get3A_566 : vector<16xf32>
          %mul3A_568 = arith.constant 9 : i32
          %mul3A_569 = arith.muli %scan3A_468, %mul3A_568 : i32
          %add3A_570 = arith.constant 2 : i32
          %add3A_571 = arith.addi %mul3A_569, %add3A_570 : i32
          %get3A_572 = arith.index_cast %add3A_571 : i32 to index
          %get3A_573 = arith.constant 16 : index
          %get3A_574 = tpu.vector_load %arg12[%get3A_572, %get3A_573] {strides = array<i32>} : memref<288x128xf32, #tpu.memory_space<vmem>>, vector<1x16xf32>,
          %get3A_575 = vector.shape_cast %get3A_574 : vector<1x16xf32> to vector<16xf32>
          %add3A_576 = arith.addf %add3A_567, %get3A_575 : vector<16xf32>
          %mul3A_577 = arith.constant 9 : i32
          %mul3A_578 = arith.muli %scan3A_468, %mul3A_577 : i32
          %add3A_579 = arith.constant 3 : i32
          %add3A_580 = arith.addi %mul3A_578, %add3A_579 : i32
          %get3A_581 = arith.index_cast %add3A_580 : i32 to index
          %get3A_582 = arith.constant 16 : index
          %get3A_583 = tpu.vector_load %arg12[%get3A_581, %get3A_582] {strides = array<i32>} : memref<288x128xf32, #tpu.memory_space<vmem>>, vector<1x16xf32>,
          %get3A_584 = vector.shape_cast %get3A_583 : vector<1x16xf32> to vector<16xf32>
          %add3A_585 = arith.addf %add3A_576, %get3A_584 : vector<16xf32>
          %mul3A_586 = arith.constant 9 : i32
          %mul3A_587 = arith.muli %scan3A_468, %mul3A_586 : i32
          %add3A_588 = arith.constant 4 : i32
          %add3A_589 = arith.addi %mul3A_587, %add3A_588 : i32
          %get3A_590 = arith.index_cast %add3A_589 : i32 to index
          %get3A_591 = arith.constant 16 : index
          %get3A_592 = tpu.vector_load %arg12[%get3A_590, %get3A_591] {strides = array<i32>} : memref<288x128xf32, #tpu.memory_space<vmem>>, vector<1x16xf32>,
          %get3A_593 = vector.shape_cast %get3A_592 : vector<1x16xf32> to vector<16xf32>
          %add3A_594 = arith.addf %add3A_585, %get3A_593 : vector<16xf32>
          %mul3A_595 = arith.constant 9 : i32
          %mul3A_596 = arith.muli %scan3A_468, %mul3A_595 : i32
          %add3A_597 = arith.constant 5 : i32
          %add3A_598 = arith.addi %mul3A_596, %add3A_597 : i32
          %get3A_599 = arith.index_cast %add3A_598 : i32 to index
          %get3A_600 = arith.constant 16 : index
          %get3A_601 = tpu.vector_load %arg12[%get3A_599, %get3A_600] {strides = array<i32>} : memref<288x128xf32, #tpu.memory_space<vmem>>, vector<1x16xf32>,
          %get3A_602 = vector.shape_cast %get3A_601 : vector<1x16xf32> to vector<16xf32>
          %add3A_603 = arith.addf %add3A_594, %get3A_602 : vector<16xf32>
          %mul3A_604 = arith.constant 9 : i32
          %mul3A_605 = arith.muli %scan3A_468, %mul3A_604 : i32
          %add3A_606 = arith.constant 6 : i32
          %add3A_607 = arith.addi %mul3A_605, %add3A_606 : i32
          %get3A_608 = arith.index_cast %add3A_607 : i32 to index
          %get3A_609 = arith.constant 16 : index
          %get3A_610 = tpu.vector_load %arg12[%get3A_608, %get3A_609] {strides = array<i32>} : memref<288x128xf32, #tpu.memory_space<vmem>>, vector<1x16xf32>,
          %get3A_611 = vector.shape_cast %get3A_610 : vector<1x16xf32> to vector<16xf32>
          %add3A_612 = arith.addf %add3A_603, %get3A_611 : vector<16xf32>
          %mul3A_613 = arith.constant 9 : i32
          %mul3A_614 = arith.muli %scan3A_468, %mul3A_613 : i32
          %add3A_615 = arith.constant 7 : i32
          %add3A_616 = arith.addi %mul3A_614, %add3A_615 : i32
          %get3A_617 = arith.index_cast %add3A_616 : i32 to index
          %get3A_618 = arith.constant 16 : index
          %get3A_619 = tpu.vector_load %arg12[%get3A_617, %get3A_618] {strides = array<i32>} : memref<288x128xf32, #tpu.memory_space<vmem>>, vector<1x16xf32>,
          %get3A_620 = vector.shape_cast %get3A_619 : vector<1x16xf32> to vector<16xf32>
          %add3A_621 = arith.addf %add3A_612, %get3A_620 : vector<16xf32>
          %mul3A_622 = arith.constant 9 : i32
          %mul3A_623 = arith.muli %scan3A_468, %mul3A_622 : i32
          %add3A_624 = arith.constant 8 : i32
          %add3A_625 = arith.addi %mul3A_623, %add3A_624 : i32
          %get3A_626 = arith.index_cast %add3A_625 : i32 to index
          %get3A_627 = arith.constant 16 : index
          %get3A_628 = tpu.vector_load %arg12[%get3A_626, %get3A_627] {strides = array<i32>} : memref<288x128xf32, #tpu.memory_space<vmem>>, vector<1x16xf32>,
          %get3A_629 = vector.shape_cast %get3A_628 : vector<1x16xf32> to vector<16xf32>
          %add3A_630 = arith.addf %add3A_621, %get3A_629 : vector<16xf32>
          %swap3A_631 = arith.index_cast %scan3A_468 : i32 to index
          %swap3A_632 = arith.constant 16 : index
          %swap3A_633 = tpu.vector_load %arg14[%swap3A_631, %swap3A_632] {strides = array<i32>} : memref<32x128xf32, #tpu.memory_space<vmem>>, vector<1x16xf32>,
          %swap3A_634 = vector.shape_cast %swap3A_633 : vector<1x16xf32> to vector<16xf32>
          %swap3A_635 = vector.shape_cast %add3A_630 : vector<16xf32> to vector<1x16xf32>
          tpu.vector_store %arg14[%swap3A_631, %swap3A_632], %swap3A_635 {strides = array<i32>} : memref<32x128xf32, #tpu.memory_space<vmem>>, vector<1x16xf32>,
          %mul3A_636 = arith.constant 9 : i32
          %mul3A_637 = arith.muli %scan3A_468, %mul3A_636 : i32
          %get3A_638 = arith.index_cast %mul3A_637 : i32 to index
          %get3A_639 = arith.constant 32 : index
          %get3A_640 = tpu.vector_load %arg12[%get3A_638, %get3A_639] {strides = array<i32>} : memref<288x128xf32, #tpu.memory_space<vmem>>, vector<1x16xf32>,
          %get3A_641 = vector.shape_cast %get3A_640 : vector<1x16xf32> to vector<16xf32>
          %mul3A_642 = arith.constant 9 : i32
          %mul3A_643 = arith.muli %scan3A_468, %mul3A_642 : i32
          %add3A_644 = arith.constant 1 : i32
          %add3A_645 = arith.addi %mul3A_643, %add3A_644 : i32
          %get3A_646 = arith.index_cast %add3A_645 : i32 to index
          %get3A_647 = arith.constant 32 : index
          %get3A_648 = tpu.vector_load %arg12[%get3A_646, %get3A_647] {strides = array<i32>} : memref<288x128xf32, #tpu.memory_space<vmem>>, vector<1x16xf32>,
          %get3A_649 = vector.shape_cast %get3A_648 : vector<1x16xf32> to vector<16xf32>
          %add3A_650 = arith.addf %get3A_641, %get3A_649 : vector<16xf32>
          %mul3A_651 = arith.constant 9 : i32
          %mul3A_652 = arith.muli %scan3A_468, %mul3A_651 : i32
          %add3A_653 = arith.constant 2 : i32
          %add3A_654 = arith.addi %mul3A_652, %add3A_653 : i32
          %get3A_655 = arith.index_cast %add3A_654 : i32 to index
          %get3A_656 = arith.constant 32 : index
          %get3A_657 = tpu.vector_load %arg12[%get3A_655, %get3A_656] {strides = array<i32>} : memref<288x128xf32, #tpu.memory_space<vmem>>, vector<1x16xf32>,
          %get3A_658 = vector.shape_cast %get3A_657 : vector<1x16xf32> to vector<16xf32>
          %add3A_659 = arith.addf %add3A_650, %get3A_658 : vector<16xf32>
          %mul3A_660 = arith.constant 9 : i32
          %mul3A_661 = arith.muli %scan3A_468, %mul3A_660 : i32
          %add3A_662 = arith.constant 3 : i32
          %add3A_663 = arith.addi %mul3A_661, %add3A_662 : i32
          %get3A_664 = arith.index_cast %add3A_663 : i32 to index
          %get3A_665 = arith.constant 32 : index
          %get3A_666 = tpu.vector_load %arg12[%get3A_664, %get3A_665] {strides = array<i32>} : memref<288x128xf32, #tpu.memory_space<vmem>>, vector<1x16xf32>,
          %get3A_667 = vector.shape_cast %get3A_666 : vector<1x16xf32> to vector<16xf32>
          %add3A_668 = arith.addf %add3A_659, %get3A_667 : vector<16xf32>
          %mul3A_669 = arith.constant 9 : i32
          %mul3A_670 = arith.muli %scan3A_468, %mul3A_669 : i32
          %add3A_671 = arith.constant 4 : i32
          %add3A_672 = arith.addi %mul3A_670, %add3A_671 : i32
          %get3A_673 = arith.index_cast %add3A_672 : i32 to index
          %get3A_674 = arith.constant 32 : index
          %get3A_675 = tpu.vector_load %arg12[%get3A_673, %get3A_674] {strides = array<i32>} : memref<288x128xf32, #tpu.memory_space<vmem>>, vector<1x16xf32>,
          %get3A_676 = vector.shape_cast %get3A_675 : vector<1x16xf32> to vector<16xf32>
          %add3A_677 = arith.addf %add3A_668, %get3A_676 : vector<16xf32>
          %mul3A_678 = arith.constant 9 : i32
          %mul3A_679 = arith.muli %scan3A_468, %mul3A_678 : i32
          %add3A_680 = arith.constant 5 : i32
          %add3A_681 = arith.addi %mul3A_679, %add3A_680 : i32
          %get3A_682 = arith.index_cast %add3A_681 : i32 to index
          %get3A_683 = arith.constant 32 : index
          %get3A_684 = tpu.vector_load %arg12[%get3A_682, %get3A_683] {strides = array<i32>} : memref<288x128xf32, #tpu.memory_space<vmem>>, vector<1x16xf32>,
          %get3A_685 = vector.shape_cast %get3A_684 : vector<1x16xf32> to vector<16xf32>
          %add3A_686 = arith.addf %add3A_677, %get3A_685 : vector<16xf32>
          %mul3A_687 = arith.constant 9 : i32
          %mul3A_688 = arith.muli %scan3A_468, %mul3A_687 : i32
          %add3A_689 = arith.constant 6 : i32
          %add3A_690 = arith.addi %mul3A_688, %add3A_689 : i32
          %get3A_691 = arith.index_cast %add3A_690 : i32 to index
          %get3A_692 = arith.constant 32 : index
          %get3A_693 = tpu.vector_load %arg12[%get3A_691, %get3A_692] {strides = array<i32>} : memref<288x128xf32, #tpu.memory_space<vmem>>, vector<1x16xf32>,
          %get3A_694 = vector.shape_cast %get3A_693 : vector<1x16xf32> to vector<16xf32>
          %add3A_695 = arith.addf %add3A_686, %get3A_694 : vector<16xf32>
          %mul3A_696 = arith.constant 9 : i32
          %mul3A_697 = arith.muli %scan3A_468, %mul3A_696 : i32
          %add3A_698 = arith.constant 7 : i32
          %add3A_699 = arith.addi %mul3A_697, %add3A_698 : i32
          %get3A_700 = arith.index_cast %add3A_699 : i32 to index
          %get3A_701 = arith.constant 32 : index
          %get3A_702 = tpu.vector_load %arg12[%get3A_700, %get3A_701] {strides = array<i32>} : memref<288x128xf32, #tpu.memory_space<vmem>>, vector<1x16xf32>,
          %get3A_703 = vector.shape_cast %get3A_702 : vector<1x16xf32> to vector<16xf32>
          %add3A_704 = arith.addf %add3A_695, %get3A_703 : vector<16xf32>
          %mul3A_705 = arith.constant 9 : i32
          %mul3A_706 = arith.muli %scan3A_468, %mul3A_705 : i32
          %add3A_707 = arith.constant 8 : i32
          %add3A_708 = arith.addi %mul3A_706, %add3A_707 : i32
          %get3A_709 = arith.index_cast %add3A_708 : i32 to index
          %get3A_710 = arith.constant 32 : index
          %get3A_711 = tpu.vector_load %arg12[%get3A_709, %get3A_710] {strides = array<i32>} : memref<288x128xf32, #tpu.memory_space<vmem>>, vector<1x16xf32>,
          %get3A_712 = vector.shape_cast %get3A_711 : vector<1x16xf32> to vector<16xf32>
          %add3A_713 = arith.addf %add3A_704, %get3A_712 : vector<16xf32>
          %swap3A_714 = arith.index_cast %scan3A_468 : i32 to index
          %swap3A_715 = arith.constant 32 : index
          %swap3A_716 = tpu.vector_load %arg14[%swap3A_714, %swap3A_715] {strides = array<i32>} : memref<32x128xf32, #tpu.memory_space<vmem>>, vector<1x16xf32>,
          %swap3A_717 = vector.shape_cast %swap3A_716 : vector<1x16xf32> to vector<16xf32>
          %swap3A_718 = vector.shape_cast %add3A_713 : vector<16xf32> to vector<1x16xf32>
          tpu.vector_store %arg14[%swap3A_714, %swap3A_715], %swap3A_718 {strides = array<i32>} : memref<32x128xf32, #tpu.memory_space<vmem>>, vector<1x16xf32>,
          %mul3A_719 = arith.constant 9 : i32
          %mul3A_720 = arith.muli %scan3A_468, %mul3A_719 : i32
          %get3A_721 = arith.index_cast %mul3A_720 : i32 to index
          %get3A_722 = arith.constant 48 : index
          %get3A_723 = tpu.vector_load %arg12[%get3A_721, %get3A_722] {strides = array<i32>} : memref<288x128xf32, #tpu.memory_space<vmem>>, vector<1x16xf32>,
          %get3A_724 = vector.shape_cast %get3A_723 : vector<1x16xf32> to vector<16xf32>
          %mul3A_725 = arith.constant 9 : i32
          %mul3A_726 = arith.muli %scan3A_468, %mul3A_725 : i32
          %add3A_727 = arith.constant 1 : i32
          %add3A_728 = arith.addi %mul3A_726, %add3A_727 : i32
          %get3A_729 = arith.index_cast %add3A_728 : i32 to index
          %get3A_730 = arith.constant 48 : index
          %get3A_731 = tpu.vector_load %arg12[%get3A_729, %get3A_730] {strides = array<i32>} : memref<288x128xf32, #tpu.memory_space<vmem>>, vector<1x16xf32>,
          %get3A_732 = vector.shape_cast %get3A_731 : vector<1x16xf32> to vector<16xf32>
          %add3A_733 = arith.addf %get3A_724, %get3A_732 : vector<16xf32>
          %mul3A_734 = arith.constant 9 : i32
          %mul3A_735 = arith.muli %scan3A_468, %mul3A_734 : i32
          %add3A_736 = arith.constant 2 : i32
          %add3A_737 = arith.addi %mul3A_735, %add3A_736 : i32
          %get3A_738 = arith.index_cast %add3A_737 : i32 to index
          %get3A_739 = arith.constant 48 : index
          %get3A_740 = tpu.vector_load %arg12[%get3A_738, %get3A_739] {strides = array<i32>} : memref<288x128xf32, #tpu.memory_space<vmem>>, vector<1x16xf32>,
          %get3A_741 = vector.shape_cast %get3A_740 : vector<1x16xf32> to vector<16xf32>
          %add3A_742 = arith.addf %add3A_733, %get3A_741 : vector<16xf32>
          %mul3A_743 = arith.constant 9 : i32
          %mul3A_744 = arith.muli %scan3A_468, %mul3A_743 : i32
          %add3A_745 = arith.constant 3 : i32
          %add3A_746 = arith.addi %mul3A_744, %add3A_745 : i32
          %get3A_747 = arith.index_cast %add3A_746 : i32 to index
          %get3A_748 = arith.constant 48 : index
          %get3A_749 = tpu.vector_load %arg12[%get3A_747, %get3A_748] {strides = array<i32>} : memref<288x128xf32, #tpu.memory_space<vmem>>, vector<1x16xf32>,
          %get3A_750 = vector.shape_cast %get3A_749 : vector<1x16xf32> to vector<16xf32>
          %add3A_751 = arith.addf %add3A_742, %get3A_750 : vector<16xf32>
          %mul3A_752 = arith.constant 9 : i32
          %mul3A_753 = arith.muli %scan3A_468, %mul3A_752 : i32
          %add3A_754 = arith.constant 4 : i32
          %add3A_755 = arith.addi %mul3A_753, %add3A_754 : i32
          %get3A_756 = arith.index_cast %add3A_755 : i32 to index
          %get3A_757 = arith.constant 48 : index
          %get3A_758 = tpu.vector_load %arg12[%get3A_756, %get3A_757] {strides = array<i32>} : memref<288x128xf32, #tpu.memory_space<vmem>>, vector<1x16xf32>,
          %get3A_759 = vector.shape_cast %get3A_758 : vector<1x16xf32> to vector<16xf32>
          %add3A_760 = arith.addf %add3A_751, %get3A_759 : vector<16xf32>
          %mul3A_761 = arith.constant 9 : i32
          %mul3A_762 = arith.muli %scan3A_468, %mul3A_761 : i32
          %add3A_763 = arith.constant 5 : i32
          %add3A_764 = arith.addi %mul3A_762, %add3A_763 : i32
          %get3A_765 = arith.index_cast %add3A_764 : i32 to index
          %get3A_766 = arith.constant 48 : index
          %get3A_767 = tpu.vector_load %arg12[%get3A_765, %get3A_766] {strides = array<i32>} : memref<288x128xf32, #tpu.memory_space<vmem>>, vector<1x16xf32>,
          %get3A_768 = vector.shape_cast %get3A_767 : vector<1x16xf32> to vector<16xf32>
          %add3A_769 = arith.addf %add3A_760, %get3A_768 : vector<16xf32>
          %mul3A_770 = arith.constant 9 : i32
          %mul3A_771 = arith.muli %scan3A_468, %mul3A_770 : i32
          %add3A_772 = arith.constant 6 : i32
          %add3A_773 = arith.addi %mul3A_771, %add3A_772 : i32
          %get3A_774 = arith.index_cast %add3A_773 : i32 to index
          %get3A_775 = arith.constant 48 : index
          %get3A_776 = tpu.vector_load %arg12[%get3A_774, %get3A_775] {strides = array<i32>} : memref<288x128xf32, #tpu.memory_space<vmem>>, vector<1x16xf32>,
          %get3A_777 = vector.shape_cast %get3A_776 : vector<1x16xf32> to vector<16xf32>
          %add3A_778 = arith.addf %add3A_769, %get3A_777 : vector<16xf32>
          %mul3A_779 = arith.constant 9 : i32
          %mul3A_780 = arith.muli %scan3A_468, %mul3A_779 : i32
          %add3A_781 = arith.constant 7 : i32
          %add3A_782 = arith.addi %mul3A_780, %add3A_781 : i32
          %get3A_783 = arith.index_cast %add3A_782 : i32 to index
          %get3A_784 = arith.constant 48 : index
          %get3A_785 = tpu.vector_load %arg12[%get3A_783, %get3A_784] {strides = array<i32>} : memref<288x128xf32, #tpu.memory_space<vmem>>, vector<1x16xf32>,
          %get3A_786 = vector.shape_cast %get3A_785 : vector<1x16xf32> to vector<16xf32>
          %add3A_787 = arith.addf %add3A_778, %get3A_786 : vector<16xf32>
          %mul3A_788 = arith.constant 9 : i32
          %mul3A_789 = arith.muli %scan3A_468, %mul3A_788 : i32
          %add3A_790 = arith.constant 8 : i32
          %add3A_791 = arith.addi %mul3A_789, %add3A_790 : i32
          %get3A_792 = arith.index_cast %add3A_791 : i32 to index
          %get3A_793 = arith.constant 48 : index
          %get3A_794 = tpu.vector_load %arg12[%get3A_792, %get3A_793] {strides = array<i32>} : memref<288x128xf32, #tpu.memory_space<vmem>>, vector<1x16xf32>,
          %get3A_795 = vector.shape_cast %get3A_794 : vector<1x16xf32> to vector<16xf32>
          %add3A_796 = arith.addf %add3A_787, %get3A_795 : vector<16xf32>
          %swap3A_797 = arith.index_cast %scan3A_468 : i32 to index
          %swap3A_798 = arith.constant 48 : index
          %swap3A_799 = tpu.vector_load %arg14[%swap3A_797, %swap3A_798] {strides = array<i32>} : memref<32x128xf32, #tpu.memory_space<vmem>>, vector<1x16xf32>,
          %swap3A_800 = vector.shape_cast %swap3A_799 : vector<1x16xf32> to vector<16xf32>
          %swap3A_801 = vector.shape_cast %add3A_796 : vector<16xf32> to vector<1x16xf32>
          tpu.vector_store %arg14[%swap3A_797, %swap3A_798], %swap3A_801 {strides = array<i32>} : memref<32x128xf32, #tpu.memory_space<vmem>>, vector<1x16xf32>,
          %mul3A_802 = arith.constant 9 : i32
          %mul3A_803 = arith.muli %scan3A_468, %mul3A_802 : i32
          %get3A_804 = arith.index_cast %mul3A_803 : i32 to index
          %get3A_805 = arith.constant 64 : index
          %get3A_806 = tpu.vector_load %arg12[%get3A_804, %get3A_805] {strides = array<i32>} : memref<288x128xf32, #tpu.memory_space<vmem>>, vector<1x16xf32>,
          %get3A_807 = vector.shape_cast %get3A_806 : vector<1x16xf32> to vector<16xf32>
          %mul3A_808 = arith.constant 9 : i32
          %mul3A_809 = arith.muli %scan3A_468, %mul3A_808 : i32
          %add3A_810 = arith.constant 1 : i32
          %add3A_811 = arith.addi %mul3A_809, %add3A_810 : i32
          %get3A_812 = arith.index_cast %add3A_811 : i32 to index
          %get3A_813 = arith.constant 64 : index
          %get3A_814 = tpu.vector_load %arg12[%get3A_812, %get3A_813] {strides = array<i32>} : memref<288x128xf32, #tpu.memory_space<vmem>>, vector<1x16xf32>,
          %get3A_815 = vector.shape_cast %get3A_814 : vector<1x16xf32> to vector<16xf32>
          %add3A_816 = arith.addf %get3A_807, %get3A_815 : vector<16xf32>
          %mul3A_817 = arith.constant 9 : i32
          %mul3A_818 = arith.muli %scan3A_468, %mul3A_817 : i32
          %add3A_819 = arith.constant 2 : i32
          %add3A_820 = arith.addi %mul3A_818, %add3A_819 : i32
          %get3A_821 = arith.index_cast %add3A_820 : i32 to index
          %get3A_822 = arith.constant 64 : index
          %get3A_823 = tpu.vector_load %arg12[%get3A_821, %get3A_822] {strides = array<i32>} : memref<288x128xf32, #tpu.memory_space<vmem>>, vector<1x16xf32>,
          %get3A_824 = vector.shape_cast %get3A_823 : vector<1x16xf32> to vector<16xf32>
          %add3A_825 = arith.addf %add3A_816, %get3A_824 : vector<16xf32>
          %mul3A_826 = arith.constant 9 : i32
          %mul3A_827 = arith.muli %scan3A_468, %mul3A_826 : i32
          %add3A_828 = arith.constant 3 : i32
          %add3A_829 = arith.addi %mul3A_827, %add3A_828 : i32
          %get3A_830 = arith.index_cast %add3A_829 : i32 to index
          %get3A_831 = arith.constant 64 : index
          %get3A_832 = tpu.vector_load %arg12[%get3A_830, %get3A_831] {strides = array<i32>} : memref<288x128xf32, #tpu.memory_space<vmem>>, vector<1x16xf32>,
          %get3A_833 = vector.shape_cast %get3A_832 : vector<1x16xf32> to vector<16xf32>
          %add3A_834 = arith.addf %add3A_825, %get3A_833 : vector<16xf32>
          %mul3A_835 = arith.constant 9 : i32
          %mul3A_836 = arith.muli %scan3A_468, %mul3A_835 : i32
          %add3A_837 = arith.constant 4 : i32
          %add3A_838 = arith.addi %mul3A_836, %add3A_837 : i32
          %get3A_839 = arith.index_cast %add3A_838 : i32 to index
          %get3A_840 = arith.constant 64 : index
          %get3A_841 = tpu.vector_load %arg12[%get3A_839, %get3A_840] {strides = array<i32>} : memref<288x128xf32, #tpu.memory_space<vmem>>, vector<1x16xf32>,
          %get3A_842 = vector.shape_cast %get3A_841 : vector<1x16xf32> to vector<16xf32>
          %add3A_843 = arith.addf %add3A_834, %get3A_842 : vector<16xf32>
          %mul3A_844 = arith.constant 9 : i32
          %mul3A_845 = arith.muli %scan3A_468, %mul3A_844 : i32
          %add3A_846 = arith.constant 5 : i32
          %add3A_847 = arith.addi %mul3A_845, %add3A_846 : i32
          %get3A_848 = arith.index_cast %add3A_847 : i32 to index
          %get3A_849 = arith.constant 64 : index
          %get3A_850 = tpu.vector_load %arg12[%get3A_848, %get3A_849] {strides = array<i32>} : memref<288x128xf32, #tpu.memory_space<vmem>>, vector<1x16xf32>,
          %get3A_851 = vector.shape_cast %get3A_850 : vector<1x16xf32> to vector<16xf32>
          %add3A_852 = arith.addf %add3A_843, %get3A_851 : vector<16xf32>
          %mul3A_853 = arith.constant 9 : i32
          %mul3A_854 = arith.muli %scan3A_468, %mul3A_853 : i32
          %add3A_855 = arith.constant 6 : i32
          %add3A_856 = arith.addi %mul3A_854, %add3A_855 : i32
          %get3A_857 = arith.index_cast %add3A_856 : i32 to index
          %get3A_858 = arith.constant 64 : index
          %get3A_859 = tpu.vector_load %arg12[%get3A_857, %get3A_858] {strides = array<i32>} : memref<288x128xf32, #tpu.memory_space<vmem>>, vector<1x16xf32>,
          %get3A_860 = vector.shape_cast %get3A_859 : vector<1x16xf32> to vector<16xf32>
          %add3A_861 = arith.addf %add3A_852, %get3A_860 : vector<16xf32>
          %mul3A_862 = arith.constant 9 : i32
          %mul3A_863 = arith.muli %scan3A_468, %mul3A_862 : i32
          %add3A_864 = arith.constant 7 : i32
          %add3A_865 = arith.addi %mul3A_863, %add3A_864 : i32
          %get3A_866 = arith.index_cast %add3A_865 : i32 to index
          %get3A_867 = arith.constant 64 : index
          %get3A_868 = tpu.vector_load %arg12[%get3A_866, %get3A_867] {strides = array<i32>} : memref<288x128xf32, #tpu.memory_space<vmem>>, vector<1x16xf32>,
          %get3A_869 = vector.shape_cast %get3A_868 : vector<1x16xf32> to vector<16xf32>
          %add3A_870 = arith.addf %add3A_861, %get3A_869 : vector<16xf32>
          %mul3A_871 = arith.constant 9 : i32
          %mul3A_872 = arith.muli %scan3A_468, %mul3A_871 : i32
          %add3A_873 = arith.constant 8 : i32
          %add3A_874 = arith.addi %mul3A_872, %add3A_873 : i32
          %get3A_875 = arith.index_cast %add3A_874 : i32 to index
          %get3A_876 = arith.constant 64 : index
          %get3A_877 = tpu.vector_load %arg12[%get3A_875, %get3A_876] {strides = array<i32>} : memref<288x128xf32, #tpu.memory_space<vmem>>, vector<1x16xf32>,
          %get3A_878 = vector.shape_cast %get3A_877 : vector<1x16xf32> to vector<16xf32>
          %add3A_879 = arith.addf %add3A_870, %get3A_878 : vector<16xf32>
          %swap3A_880 = arith.index_cast %scan3A_468 : i32 to index
          %swap3A_881 = arith.constant 64 : index
          %swap3A_882 = tpu.vector_load %arg14[%swap3A_880, %swap3A_881] {strides = array<i32>} : memref<32x128xf32, #tpu.memory_space<vmem>>, vector<1x16xf32>,
          %swap3A_883 = vector.shape_cast %swap3A_882 : vector<1x16xf32> to vector<16xf32>
          %swap3A_884 = vector.shape_cast %add3A_879 : vector<16xf32> to vector<1x16xf32>
          tpu.vector_store %arg14[%swap3A_880, %swap3A_881], %swap3A_884 {strides = array<i32>} : memref<32x128xf32, #tpu.memory_space<vmem>>, vector<1x16xf32>,
          %mul3A_885 = arith.constant 9 : i32
          %mul3A_886 = arith.muli %scan3A_468, %mul3A_885 : i32
          %get3A_887 = arith.index_cast %mul3A_886 : i32 to index
          %get3A_888 = arith.constant 80 : index
          %get3A_889 = tpu.vector_load %arg12[%get3A_887, %get3A_888] {strides = array<i32>} : memref<288x128xf32, #tpu.memory_space<vmem>>, vector<1x16xf32>,
          %get3A_890 = vector.shape_cast %get3A_889 : vector<1x16xf32> to vector<16xf32>
          %mul3A_891 = arith.constant 9 : i32
          %mul3A_892 = arith.muli %scan3A_468, %mul3A_891 : i32
          %add3A_893 = arith.constant 1 : i32
          %add3A_894 = arith.addi %mul3A_892, %add3A_893 : i32
          %get3A_895 = arith.index_cast %add3A_894 : i32 to index
          %get3A_896 = arith.constant 80 : index
          %get3A_897 = tpu.vector_load %arg12[%get3A_895, %get3A_896] {strides = array<i32>} : memref<288x128xf32, #tpu.memory_space<vmem>>, vector<1x16xf32>,
          %get3A_898 = vector.shape_cast %get3A_897 : vector<1x16xf32> to vector<16xf32>
          %add3A_899 = arith.addf %get3A_890, %get3A_898 : vector<16xf32>
          %mul3A_900 = arith.constant 9 : i32
          %mul3A_901 = arith.muli %scan3A_468, %mul3A_900 : i32
          %add3A_902 = arith.constant 2 : i32
          %add3A_903 = arith.addi %mul3A_901, %add3A_902 : i32
          %get3A_904 = arith.index_cast %add3A_903 : i32 to index
          %get3A_905 = arith.constant 80 : index
          %get3A_906 = tpu.vector_load %arg12[%get3A_904, %get3A_905] {strides = array<i32>} : memref<288x128xf32, #tpu.memory_space<vmem>>, vector<1x16xf32>,
          %get3A_907 = vector.shape_cast %get3A_906 : vector<1x16xf32> to vector<16xf32>
          %add3A_908 = arith.addf %add3A_899, %get3A_907 : vector<16xf32>
          %mul3A_909 = arith.constant 9 : i32
          %mul3A_910 = arith.muli %scan3A_468, %mul3A_909 : i32
          %add3A_911 = arith.constant 3 : i32
          %add3A_912 = arith.addi %mul3A_910, %add3A_911 : i32
          %get3A_913 = arith.index_cast %add3A_912 : i32 to index
          %get3A_914 = arith.constant 80 : index
          %get3A_915 = tpu.vector_load %arg12[%get3A_913, %get3A_914] {strides = array<i32>} : memref<288x128xf32, #tpu.memory_space<vmem>>, vector<1x16xf32>,
          %get3A_916 = vector.shape_cast %get3A_915 : vector<1x16xf32> to vector<16xf32>
          %add3A_917 = arith.addf %add3A_908, %get3A_916 : vector<16xf32>
          %mul3A_918 = arith.constant 9 : i32
          %mul3A_919 = arith.muli %scan3A_468, %mul3A_918 : i32
          %add3A_920 = arith.constant 4 : i32
          %add3A_921 = arith.addi %mul3A_919, %add3A_920 : i32
          %get3A_922 = arith.index_cast %add3A_921 : i32 to index
          %get3A_923 = arith.constant 80 : index
          %get3A_924 = tpu.vector_load %arg12[%get3A_922, %get3A_923] {strides = array<i32>} : memref<288x128xf32, #tpu.memory_space<vmem>>, vector<1x16xf32>,
          %get3A_925 = vector.shape_cast %get3A_924 : vector<1x16xf32> to vector<16xf32>
          %add3A_926 = arith.addf %add3A_917, %get3A_925 : vector<16xf32>
          %mul3A_927 = arith.constant 9 : i32
          %mul3A_928 = arith.muli %scan3A_468, %mul3A_927 : i32
          %add3A_929 = arith.constant 5 : i32
          %add3A_930 = arith.addi %mul3A_928, %add3A_929 : i32
          %get3A_931 = arith.index_cast %add3A_930 : i32 to index
          %get3A_932 = arith.constant 80 : index
          %get3A_933 = tpu.vector_load %arg12[%get3A_931, %get3A_932] {strides = array<i32>} : memref<288x128xf32, #tpu.memory_space<vmem>>, vector<1x16xf32>,
          %get3A_934 = vector.shape_cast %get3A_933 : vector<1x16xf32> to vector<16xf32>
          %add3A_935 = arith.addf %add3A_926, %get3A_934 : vector<16xf32>
          %mul3A_936 = arith.constant 9 : i32
          %mul3A_937 = arith.muli %scan3A_468, %mul3A_936 : i32
          %add3A_938 = arith.constant 6 : i32
          %add3A_939 = arith.addi %mul3A_937, %add3A_938 : i32
          %get3A_940 = arith.index_cast %add3A_939 : i32 to index
          %get3A_941 = arith.constant 80 : index
          %get3A_942 = tpu.vector_load %arg12[%get3A_940, %get3A_941] {strides = array<i32>} : memref<288x128xf32, #tpu.memory_space<vmem>>, vector<1x16xf32>,
          %get3A_943 = vector.shape_cast %get3A_942 : vector<1x16xf32> to vector<16xf32>
          %add3A_944 = arith.addf %add3A_935, %get3A_943 : vector<16xf32>
          %mul3A_945 = arith.constant 9 : i32
          %mul3A_946 = arith.muli %scan3A_468, %mul3A_945 : i32
          %add3A_947 = arith.constant 7 : i32
          %add3A_948 = arith.addi %mul3A_946, %add3A_947 : i32
          %get3A_949 = arith.index_cast %add3A_948 : i32 to index
          %get3A_950 = arith.constant 80 : index
          %get3A_951 = tpu.vector_load %arg12[%get3A_949, %get3A_950] {strides = array<i32>} : memref<288x128xf32, #tpu.memory_space<vmem>>, vector<1x16xf32>,
          %get3A_952 = vector.shape_cast %get3A_951 : vector<1x16xf32> to vector<16xf32>
          %add3A_953 = arith.addf %add3A_944, %get3A_952 : vector<16xf32>
          %mul3A_954 = arith.constant 9 : i32
          %mul3A_955 = arith.muli %scan3A_468, %mul3A_954 : i32
          %add3A_956 = arith.constant 8 : i32
          %add3A_957 = arith.addi %mul3A_955, %add3A_956 : i32
          %get3A_958 = arith.index_cast %add3A_957 : i32 to index
          %get3A_959 = arith.constant 80 : index
          %get3A_960 = tpu.vector_load %arg12[%get3A_958, %get3A_959] {strides = array<i32>} : memref<288x128xf32, #tpu.memory_space<vmem>>, vector<1x16xf32>,
          %get3A_961 = vector.shape_cast %get3A_960 : vector<1x16xf32> to vector<16xf32>
          %add3A_962 = arith.addf %add3A_953, %get3A_961 : vector<16xf32>
          %swap3A_963 = arith.index_cast %scan3A_468 : i32 to index
          %swap3A_964 = arith.constant 80 : index
          %swap3A_965 = tpu.vector_load %arg14[%swap3A_963, %swap3A_964] {strides = array<i32>} : memref<32x128xf32, #tpu.memory_space<vmem>>, vector<1x16xf32>,
          %swap3A_966 = vector.shape_cast %swap3A_965 : vector<1x16xf32> to vector<16xf32>
          %swap3A_967 = vector.shape_cast %add3A_962 : vector<16xf32> to vector<1x16xf32>
          tpu.vector_store %arg14[%swap3A_963, %swap3A_964], %swap3A_967 {strides = array<i32>} : memref<32x128xf32, #tpu.memory_space<vmem>>, vector<1x16xf32>,
          %mul3A_968 = arith.constant 9 : i32
          %mul3A_969 = arith.muli %scan3A_468, %mul3A_968 : i32
          %get3A_970 = arith.index_cast %mul3A_969 : i32 to index
          %get3A_971 = arith.constant 96 : index
          %get3A_972 = tpu.vector_load %arg12[%get3A_970, %get3A_971] {strides = array<i32>} : memref<288x128xf32, #tpu.memory_space<vmem>>, vector<1x16xf32>,
          %get3A_973 = vector.shape_cast %get3A_972 : vector<1x16xf32> to vector<16xf32>
          %mul3A_974 = arith.constant 9 : i32
          %mul3A_975 = arith.muli %scan3A_468, %mul3A_974 : i32
          %add3A_976 = arith.constant 1 : i32
          %add3A_977 = arith.addi %mul3A_975, %add3A_976 : i32
          %get3A_978 = arith.index_cast %add3A_977 : i32 to index
          %get3A_979 = arith.constant 96 : index
          %get3A_980 = tpu.vector_load %arg12[%get3A_978, %get3A_979] {strides = array<i32>} : memref<288x128xf32, #tpu.memory_space<vmem>>, vector<1x16xf32>,
          %get3A_981 = vector.shape_cast %get3A_980 : vector<1x16xf32> to vector<16xf32>
          %add3A_982 = arith.addf %get3A_973, %get3A_981 : vector<16xf32>
          %mul3A_983 = arith.constant 9 : i32
          %mul3A_984 = arith.muli %scan3A_468, %mul3A_983 : i32
          %add3A_985 = arith.constant 2 : i32
          %add3A_986 = arith.addi %mul3A_984, %add3A_985 : i32
          %get3A_987 = arith.index_cast %add3A_986 : i32 to index
          %get3A_988 = arith.constant 96 : index
          %get3A_989 = tpu.vector_load %arg12[%get3A_987, %get3A_988] {strides = array<i32>} : memref<288x128xf32, #tpu.memory_space<vmem>>, vector<1x16xf32>,
          %get3A_990 = vector.shape_cast %get3A_989 : vector<1x16xf32> to vector<16xf32>
          %add3A_991 = arith.addf %add3A_982, %get3A_990 : vector<16xf32>
          %mul3A_992 = arith.constant 9 : i32
          %mul3A_993 = arith.muli %scan3A_468, %mul3A_992 : i32
          %add3A_994 = arith.constant 3 : i32
          %add3A_995 = arith.addi %mul3A_993, %add3A_994 : i32
          %get3A_996 = arith.index_cast %add3A_995 : i32 to index
          %get3A_997 = arith.constant 96 : index
          %get3A_998 = tpu.vector_load %arg12[%get3A_996, %get3A_997] {strides = array<i32>} : memref<288x128xf32, #tpu.memory_space<vmem>>, vector<1x16xf32>,
          %get3A_999 = vector.shape_cast %get3A_998 : vector<1x16xf32> to vector<16xf32>
          %add3A_1000 = arith.addf %add3A_991, %get3A_999 : vector<16xf32>
          %mul3A_1001 = arith.constant 9 : i32
          %mul3A_1002 = arith.muli %scan3A_468, %mul3A_1001 : i32
          %add3A_1003 = arith.constant 4 : i32
          %add3A_1004 = arith.addi %mul3A_1002, %add3A_1003 : i32
          %get3A_1005 = arith.index_cast %add3A_1004 : i32 to index
          %get3A_1006 = arith.constant 96 : index
          %get3A_1007 = tpu.vector_load %arg12[%get3A_1005, %get3A_1006] {strides = array<i32>} : memref<288x128xf32, #tpu.memory_space<vmem>>, vector<1x16xf32>,
          %get3A_1008 = vector.shape_cast %get3A_1007 : vector<1x16xf32> to vector<16xf32>
          %add3A_1009 = arith.addf %add3A_1000, %get3A_1008 : vector<16xf32>
          %mul3A_1010 = arith.constant 9 : i32
          %mul3A_1011 = arith.muli %scan3A_468, %mul3A_1010 : i32
          %add3A_1012 = arith.constant 5 : i32
          %add3A_1013 = arith.addi %mul3A_1011, %add3A_1012 : i32
          %get3A_1014 = arith.index_cast %add3A_1013 : i32 to index
          %get3A_1015 = arith.constant 96 : index
          %get3A_1016 = tpu.vector_load %arg12[%get3A_1014, %get3A_1015] {strides = array<i32>} : memref<288x128xf32, #tpu.memory_space<vmem>>, vector<1x16xf32>,
          %get3A_1017 = vector.shape_cast %get3A_1016 : vector<1x16xf32> to vector<16xf32>
          %add3A_1018 = arith.addf %add3A_1009, %get3A_1017 : vector<16xf32>
          %mul3A_1019 = arith.constant 9 : i32
          %mul3A_1020 = arith.muli %scan3A_468, %mul3A_1019 : i32
          %add3A_1021 = arith.constant 6 : i32
          %add3A_1022 = arith.addi %mul3A_1020, %add3A_1021 : i32
          %get3A_1023 = arith.index_cast %add3A_1022 : i32 to index
          %get3A_1024 = arith.constant 96 : index
          %get3A_1025 = tpu.vector_load %arg12[%get3A_1023, %get3A_1024] {strides = array<i32>} : memref<288x128xf32, #tpu.memory_space<vmem>>, vector<1x16xf32>,
          %get3A_1026 = vector.shape_cast %get3A_1025 : vector<1x16xf32> to vector<16xf32>
          %add3A_1027 = arith.addf %add3A_1018, %get3A_1026 : vector<16xf32>
          %mul3A_1028 = arith.constant 9 : i32
          %mul3A_1029 = arith.muli %scan3A_468, %mul3A_1028 : i32
          %add3A_1030 = arith.constant 7 : i32
          %add3A_1031 = arith.addi %mul3A_1029, %add3A_1030 : i32
          %get3A_1032 = arith.index_cast %add3A_1031 : i32 to index
          %get3A_1033 = arith.constant 96 : index
          %get3A_1034 = tpu.vector_load %arg12[%get3A_1032, %get3A_1033] {strides = array<i32>} : memref<288x128xf32, #tpu.memory_space<vmem>>, vector<1x16xf32>,
          %get3A_1035 = vector.shape_cast %get3A_1034 : vector<1x16xf32> to vector<16xf32>
          %add3A_1036 = arith.addf %add3A_1027, %get3A_1035 : vector<16xf32>
          %mul3A_1037 = arith.constant 9 : i32
          %mul3A_1038 = arith.muli %scan3A_468, %mul3A_1037 : i32
          %add3A_1039 = arith.constant 8 : i32
          %add3A_1040 = arith.addi %mul3A_1038, %add3A_1039 : i32
          %get3A_1041 = arith.index_cast %add3A_1040 : i32 to index
          %get3A_1042 = arith.constant 96 : index
          %get3A_1043 = tpu.vector_load %arg12[%get3A_1041, %get3A_1042] {strides = array<i32>} : memref<288x128xf32, #tpu.memory_space<vmem>>, vector<1x16xf32>,
          %get3A_1044 = vector.shape_cast %get3A_1043 : vector<1x16xf32> to vector<16xf32>
          %add3A_1045 = arith.addf %add3A_1036, %get3A_1044 : vector<16xf32>
          %swap3A_1046 = arith.index_cast %scan3A_468 : i32 to index
          %swap3A_1047 = arith.constant 96 : index
          %swap3A_1048 = tpu.vector_load %arg14[%swap3A_1046, %swap3A_1047] {strides = array<i32>} : memref<32x128xf32, #tpu.memory_space<vmem>>, vector<1x16xf32>,
          %swap3A_1049 = vector.shape_cast %swap3A_1048 : vector<1x16xf32> to vector<16xf32>
          %swap3A_1050 = vector.shape_cast %add3A_1045 : vector<16xf32> to vector<1x16xf32>
          tpu.vector_store %arg14[%swap3A_1046, %swap3A_1047], %swap3A_1050 {strides = array<i32>} : memref<32x128xf32, #tpu.memory_space<vmem>>, vector<1x16xf32>,
          %mul3A_1051 = arith.constant 9 : i32
          %mul3A_1052 = arith.muli %scan3A_468, %mul3A_1051 : i32
          %get3A_1053 = arith.index_cast %mul3A_1052 : i32 to index
          %get3A_1054 = arith.constant 112 : index
          %get3A_1055 = tpu.vector_load %arg12[%get3A_1053, %get3A_1054] {strides = array<i32>} : memref<288x128xf32, #tpu.memory_space<vmem>>, vector<1x16xf32>,
          %get3A_1056 = vector.shape_cast %get3A_1055 : vector<1x16xf32> to vector<16xf32>
          %mul3A_1057 = arith.constant 9 : i32
          %mul3A_1058 = arith.muli %scan3A_468, %mul3A_1057 : i32
          %add3A_1059 = arith.constant 1 : i32
          %add3A_1060 = arith.addi %mul3A_1058, %add3A_1059 : i32
          %get3A_1061 = arith.index_cast %add3A_1060 : i32 to index
          %get3A_1062 = arith.constant 112 : index
          %get3A_1063 = tpu.vector_load %arg12[%get3A_1061, %get3A_1062] {strides = array<i32>} : memref<288x128xf32, #tpu.memory_space<vmem>>, vector<1x16xf32>,
          %get3A_1064 = vector.shape_cast %get3A_1063 : vector<1x16xf32> to vector<16xf32>
          %add3A_1065 = arith.addf %get3A_1056, %get3A_1064 : vector<16xf32>
          %mul3A_1066 = arith.constant 9 : i32
          %mul3A_1067 = arith.muli %scan3A_468, %mul3A_1066 : i32
          %add3A_1068 = arith.constant 2 : i32
          %add3A_1069 = arith.addi %mul3A_1067, %add3A_1068 : i32
          %get3A_1070 = arith.index_cast %add3A_1069 : i32 to index
          %get3A_1071 = arith.constant 112 : index
          %get3A_1072 = tpu.vector_load %arg12[%get3A_1070, %get3A_1071] {strides = array<i32>} : memref<288x128xf32, #tpu.memory_space<vmem>>, vector<1x16xf32>,
          %get3A_1073 = vector.shape_cast %get3A_1072 : vector<1x16xf32> to vector<16xf32>
          %add3A_1074 = arith.addf %add3A_1065, %get3A_1073 : vector<16xf32>
          %mul3A_1075 = arith.constant 9 : i32
          %mul3A_1076 = arith.muli %scan3A_468, %mul3A_1075 : i32
          %add3A_1077 = arith.constant 3 : i32
          %add3A_1078 = arith.addi %mul3A_1076, %add3A_1077 : i32
          %get3A_1079 = arith.index_cast %add3A_1078 : i32 to index
          %get3A_1080 = arith.constant 112 : index
          %get3A_1081 = tpu.vector_load %arg12[%get3A_1079, %get3A_1080] {strides = array<i32>} : memref<288x128xf32, #tpu.memory_space<vmem>>, vector<1x16xf32>,
          %get3A_1082 = vector.shape_cast %get3A_1081 : vector<1x16xf32> to vector<16xf32>
          %add3A_1083 = arith.addf %add3A_1074, %get3A_1082 : vector<16xf32>
          %mul3A_1084 = arith.constant 9 : i32
          %mul3A_1085 = arith.muli %scan3A_468, %mul3A_1084 : i32
          %add3A_1086 = arith.constant 4 : i32
          %add3A_1087 = arith.addi %mul3A_1085, %add3A_1086 : i32
          %get3A_1088 = arith.index_cast %add3A_1087 : i32 to index
          %get3A_1089 = arith.constant 112 : index
          %get3A_1090 = tpu.vector_load %arg12[%get3A_1088, %get3A_1089] {strides = array<i32>} : memref<288x128xf32, #tpu.memory_space<vmem>>, vector<1x16xf32>,
          %get3A_1091 = vector.shape_cast %get3A_1090 : vector<1x16xf32> to vector<16xf32>
          %add3A_1092 = arith.addf %add3A_1083, %get3A_1091 : vector<16xf32>
          %mul3A_1093 = arith.constant 9 : i32
          %mul3A_1094 = arith.muli %scan3A_468, %mul3A_1093 : i32
          %add3A_1095 = arith.constant 5 : i32
          %add3A_1096 = arith.addi %mul3A_1094, %add3A_1095 : i32
          %get3A_1097 = arith.index_cast %add3A_1096 : i32 to index
          %get3A_1098 = arith.constant 112 : index
          %get3A_1099 = tpu.vector_load %arg12[%get3A_1097, %get3A_1098] {strides = array<i32>} : memref<288x128xf32, #tpu.memory_space<vmem>>, vector<1x16xf32>,
          %get3A_1100 = vector.shape_cast %get3A_1099 : vector<1x16xf32> to vector<16xf32>
          %add3A_1101 = arith.addf %add3A_1092, %get3A_1100 : vector<16xf32>
          %mul3A_1102 = arith.constant 9 : i32
          %mul3A_1103 = arith.muli %scan3A_468, %mul3A_1102 : i32
          %add3A_1104 = arith.constant 6 : i32
          %add3A_1105 = arith.addi %mul3A_1103, %add3A_1104 : i32
          %get3A_1106 = arith.index_cast %add3A_1105 : i32 to index
          %get3A_1107 = arith.constant 112 : index
          %get3A_1108 = tpu.vector_load %arg12[%get3A_1106, %get3A_1107] {strides = array<i32>} : memref<288x128xf32, #tpu.memory_space<vmem>>, vector<1x16xf32>,
          %get3A_1109 = vector.shape_cast %get3A_1108 : vector<1x16xf32> to vector<16xf32>
          %add3A_1110 = arith.addf %add3A_1101, %get3A_1109 : vector<16xf32>
          %mul3A_1111 = arith.constant 9 : i32
          %mul3A_1112 = arith.muli %scan3A_468, %mul3A_1111 : i32
          %add3A_1113 = arith.constant 7 : i32
          %add3A_1114 = arith.addi %mul3A_1112, %add3A_1113 : i32
          %get3A_1115 = arith.index_cast %add3A_1114 : i32 to index
          %get3A_1116 = arith.constant 112 : index
          %get3A_1117 = tpu.vector_load %arg12[%get3A_1115, %get3A_1116] {strides = array<i32>} : memref<288x128xf32, #tpu.memory_space<vmem>>, vector<1x16xf32>,
          %get3A_1118 = vector.shape_cast %get3A_1117 : vector<1x16xf32> to vector<16xf32>
          %add3A_1119 = arith.addf %add3A_1110, %get3A_1118 : vector<16xf32>
          %mul3A_1120 = arith.constant 9 : i32
          %mul3A_1121 = arith.muli %scan3A_468, %mul3A_1120 : i32
          %add3A_1122 = arith.constant 8 : i32
          %add3A_1123 = arith.addi %mul3A_1121, %add3A_1122 : i32
          %get3A_1124 = arith.index_cast %add3A_1123 : i32 to index
          %get3A_1125 = arith.constant 112 : index
          %get3A_1126 = tpu.vector_load %arg12[%get3A_1124, %get3A_1125] {strides = array<i32>} : memref<288x128xf32, #tpu.memory_space<vmem>>, vector<1x16xf32>,
          %get3A_1127 = vector.shape_cast %get3A_1126 : vector<1x16xf32> to vector<16xf32>
          %add3A_1128 = arith.addf %add3A_1119, %get3A_1127 : vector<16xf32>
          %swap3A_1129 = arith.index_cast %scan3A_468 : i32 to index
          %swap3A_1130 = arith.constant 112 : index
          %swap3A_1131 = tpu.vector_load %arg14[%swap3A_1129, %swap3A_1130] {strides = array<i32>} : memref<32x128xf32, #tpu.memory_space<vmem>>, vector<1x16xf32>,
          %swap3A_1132 = vector.shape_cast %swap3A_1131 : vector<1x16xf32> to vector<16xf32>
          %swap3A_1133 = vector.shape_cast %add3A_1128 : vector<16xf32> to vector<1x16xf32>
          tpu.vector_store %arg14[%swap3A_1129, %swap3A_1130], %swap3A_1133 {strides = array<i32>} : memref<32x128xf32, #tpu.memory_space<vmem>>, vector<1x16xf32>,
          %scan3A_1134 = arith.constant 0 : i32
          scf.yield %scan3A_1134 : i32
        }
        %scan3A_461 = arith.constant 32 : i32
        %mul3A_462 = arith.constant 32 : i32
        %mul3A_463 = arith.muli %add3A_437, %mul3A_462 : i32
        %dma_start3A_464 = arith.constant 0 : i32
        %dma_start3A_465 = tpu.memref_slice %arg5[%mul3A_463, %dma_start3A_464] : memref<100000x128xf32, #tpu.memory_space<hbm>> -> memref<32x128xf32, #tpu.memory_space<hbm>>
        %dma_start3A_466 = arith.constant 0 : i32
        %dma_start3A_467 = tpu.memref_slice %arg5[%mul3A_463, %dma_start3A_466] : memref<100000x128xf32, #tpu.memory_space<hbm>> -> memref<32x128xf32, #tpu.memory_space<hbm>>
        tpu.enqueue_dma source(%arg14 : memref<32x128xf32, #tpu.memory_space<vmem>>) target(%dma_start3A_467 : memref<32x128xf32, #tpu.memory_space<hbm>>) target_semaphore(%arg18 : memref<!tpu.dma_semaphore, #tpu.memory_space<semaphore_mem>>)
      } else {
      }
      %scan3A_443 = arith.constant 0 : i32
      scf.yield %scan3A_443 : i32
    }
    %scan3A_314 = arith.constant 49 : i32
    %sub3A = arith.constant 3124 : i32
    %sub3A_315 = arith.subi %sub3A, %add3A : i32
    %jit3A = arith.constant 32 : i32
    %div3A = arith.divsi %sub3A_315, %jit3A : i32
    %sign3A = arith.constant 0 : i32
    %sign3A_316 = arith.cmpi sgt, %sub3A_315, %sign3A : i32
    %sign3A_317 = arith.extui %sign3A_316 : i1 to i32
    %sign3A_318 = arith.constant 0 : i32
    %sign3A_319 = arith.cmpi slt, %sub3A_315, %sign3A_318 : i32
    %sign3A_320 = arith.extui %sign3A_319 : i1 to i32
    %sign3A_321 = arith.subi %sign3A_317, %sign3A_320 : i32
    %sign3A_322 = arith.constant 0 : i32
    %sign3A_323 = arith.cmpi sgt, %jit3A, %sign3A_322 : i32
    %sign3A_324 = arith.extui %sign3A_323 : i1 to i32
    %sign3A_325 = arith.constant 0 : i32
    %sign3A_326 = arith.cmpi slt, %jit3A, %sign3A_325 : i32
    %sign3A_327 = arith.extui %sign3A_326 : i1 to i32
    %sign3A_328 = arith.subi %sign3A_324, %sign3A_327 : i32
    %ne3A = arith.cmpi ne, %sign3A_321, %sign3A_328 : i32
    %rem3A = arith.remsi %sub3A_315, %jit3A : i32
    %ne3A_329 = arith.constant 0 : i32
    %ne3A_330 = arith.cmpi ne, %rem3A, %ne3A_329 : i32
    %and3A = arith.andi %ne3A, %ne3A_330 : i1
    %sub3A_331 = arith.constant 1 : i32
    %sub3A_332 = arith.subi %div3A, %sub3A_331 : i32
    %select_n3A = arith.select %and3A, %sub3A_332, %div3A : i32
    %sub3A_333 = arith.constant 0 : i32
    %sub3A_334 = arith.subi %select_n3A, %sub3A_333 : i32
    %jit3A_335 = arith.constant 2 : i32
    %eq3A = arith.constant 0 : i32
    %eq3A_336 = arith.cmpi eq, %jit3A_335, %eq3A : i32
    %jit3A_337 = arith.constant 1 : i32
    %select_n3A_338 = arith.select %eq3A_336, %jit3A_337, %jit3A_335 : i32
    %rem3A_339 = arith.remsi %sub3A_334, %select_n3A_338 : i32
    %ne3A_340 = arith.constant 0 : i32
    %ne3A_341 = arith.cmpi ne, %rem3A_339, %ne3A_340 : i32
    %lt3A_342 = arith.constant 0 : i32
    %lt3A_343 = arith.cmpi slt, %rem3A_339, %lt3A_342 : i32
    %lt3A_344 = arith.constant 0 : i32
    %lt3A_345 = arith.cmpi slt, %select_n3A_338, %lt3A_344 : i32
    %ne3A_346 = arith.xori %lt3A_343, %lt3A_345 : i1
    %and3A_347 = arith.andi %ne3A_346, %ne3A_341 : i1
    %add3A_348 = arith.addi %rem3A_339, %select_n3A_338 : i32
    %select_n3A_349 = arith.select %and3A_347, %add3A_348, %rem3A_339 : i32
    %sub3A_350 = arith.subi %select_n3A, %select_n3A_349 : i32
    %ge3A = arith.constant 0 : i32
    %ge3A_351 = arith.cmpi sge, %sub3A_350, %ge3A : i32
    %convert_element_type3A_352 = arith.extui %ge3A_351 : i1 to i32
    %cond3A_353 = arith.constant 0 : i32
    %cond3A_354 = arith.cmpi ne, %convert_element_type3A_352, %cond3A_353 : i32
    scf.if %cond3A_354 {
      %mul3A_379 = arith.constant 32 : i32
      %mul3A_380 = arith.muli %mul3A_379, %sub3A_350 : i32
      %add3A_381 = arith.addi %add3A, %mul3A_380 : i32
      %mul3A_382 = arith.constant 32 : i32
      %mul3A_383 = arith.muli %add3A_381, %mul3A_382 : i32
      %dma_wait3A_384 = arith.constant 0 : i32
      %dma_wait3A_385 = tpu.memref_slice %arg5[%mul3A_383, %dma_wait3A_384] : memref<100000x128xf32, #tpu.memory_space<hbm>> -> memref<32x128xf32, #tpu.memory_space<hbm>>
      %dma_wait3A_386 = arith.constant 0 : i32
      %dma_wait3A_387 = tpu.memref_slice %arg5[%mul3A_383, %dma_wait3A_386] : memref<100000x128xf32, #tpu.memory_space<hbm>> -> memref<32x128xf32, #tpu.memory_space<hbm>>
      tpu.wait_dma2 semaphore(%arg17 : memref<!tpu.dma_semaphore, #tpu.memory_space<semaphore_mem>>) src(%arg13 : memref<32x128xf32, #tpu.memory_space<vmem>>) dst(%dma_wait3A_387 : memref<32x128xf32, #tpu.memory_space<hbm>>)
    } else {
    }
    %sub3A_355 = arith.constant 1 : i32
    %sub3A_356 = arith.subi %select_n3A, %sub3A_355 : i32
    %jit3A_357 = arith.constant 2 : i32
    %eq3A_358 = arith.constant 0 : i32
    %eq3A_359 = arith.cmpi eq, %jit3A_357, %eq3A_358 : i32
    %jit3A_360 = arith.constant 1 : i32
    %select_n3A_361 = arith.select %eq3A_359, %jit3A_360, %jit3A_357 : i32
    %rem3A_362 = arith.remsi %sub3A_356, %select_n3A_361 : i32
    %ne3A_363 = arith.constant 0 : i32
    %ne3A_364 = arith.cmpi ne, %rem3A_362, %ne3A_363 : i32
    %lt3A_365 = arith.constant 0 : i32
    %lt3A_366 = arith.cmpi slt, %rem3A_362, %lt3A_365 : i32
    %lt3A_367 = arith.constant 0 : i32
    %lt3A_368 = arith.cmpi slt, %select_n3A_361, %lt3A_367 : i32
    %ne3A_369 = arith.xori %lt3A_366, %lt3A_368 : i1
    %and3A_370 = arith.andi %ne3A_369, %ne3A_364 : i1
    %add3A_371 = arith.addi %rem3A_362, %select_n3A_361 : i32
    %select_n3A_372 = arith.select %and3A_370, %add3A_371, %rem3A_362 : i32
    %sub3A_373 = arith.subi %select_n3A, %select_n3A_372 : i32
    %ge3A_374 = arith.constant 0 : i32
    %ge3A_375 = arith.cmpi sge, %sub3A_373, %ge3A_374 : i32
    %convert_element_type3A_376 = arith.extui %ge3A_375 : i1 to i32
    %cond3A_377 = arith.constant 0 : i32
    %cond3A_378 = arith.cmpi ne, %convert_element_type3A_376, %cond3A_377 : i32
    scf.if %cond3A_378 {
      %mul3A_379 = arith.constant 32 : i32
      %mul3A_380 = arith.muli %mul3A_379, %sub3A_373 : i32
      %add3A_381 = arith.addi %add3A, %mul3A_380 : i32
      %mul3A_382 = arith.constant 32 : i32
      %mul3A_383 = arith.muli %add3A_381, %mul3A_382 : i32
      %dma_wait3A_384 = arith.constant 0 : i32
      %dma_wait3A_385 = tpu.memref_slice %arg5[%mul3A_383, %dma_wait3A_384] : memref<100000x128xf32, #tpu.memory_space<hbm>> -> memref<32x128xf32, #tpu.memory_space<hbm>>
      %dma_wait3A_386 = arith.constant 0 : i32
      %dma_wait3A_387 = tpu.memref_slice %arg5[%mul3A_383, %dma_wait3A_386] : memref<100000x128xf32, #tpu.memory_space<hbm>> -> memref<32x128xf32, #tpu.memory_space<hbm>>
      tpu.wait_dma2 semaphore(%arg18 : memref<!tpu.dma_semaphore, #tpu.memory_space<semaphore_mem>>) src(%arg14 : memref<32x128xf32, #tpu.memory_space<vmem>>) dst(%dma_wait3A_387 : memref<32x128xf32, #tpu.memory_space<hbm>>)
    } else {
    }
    return
  }
}

module attributes {stable_mosaic.version = 14 : i64} {
  func.func @_adjust_body(%arg0: memref<6250x144xi32, #tpu.memory_space<vmem>>, %arg1: memref<1x144xi32, #tpu.memory_space<vmem>>) attributes {dimension_semantics = [], scalar_prefetch = 0 : i64, scratch_operands = 0 : i64, tpu.core_type = #tpu.core_type<tc>} {
    %get3A = arith.constant 0 : index
    %get3A_0 = arith.constant 0 : index
    %get3A_1 = vector.load %arg0[%get3A, %get3A_0] : memref<6250x144xi32, #tpu.memory_space<vmem>>, vector<6250x144xi32>
    %reduce_min3A = arith.constant dense<2147483647> : vector<144xi32>
    %reduce_min3A_2 = vector.multi_reduction <minsi>, %get3A_1, %reduce_min3A [0] : vector<6250x144xi32> to vector<144xi32>
    %broadcast_in_dim3A = vector.shape_cast %reduce_min3A_2 : vector<144xi32> to vector<1x144xi32>
    %iota3A = tpu.iota {dimensions = array<i32: 1>} : vector<1x144xi32>
    %jit3A = arith.constant 9 : i32
    %eq3A = arith.constant 0 : i32
    %eq3A_3 = arith.cmpi eq, %jit3A, %eq3A : i32
    %jit3A_4 = arith.constant 1 : i32
    %select_n3A = arith.select %eq3A_3, %jit3A_4, %jit3A : i32
    %rem3A = vector.broadcast %select_n3A : i32 to vector<1x144xi32>
    %rem3A_5 = arith.remsi %iota3A, %rem3A : vector<1x144xi32>
    %ne3A = arith.constant 0 : i32
    %ne3A_6 = vector.broadcast %ne3A : i32 to vector<1x144xi32>
    %ne3A_7 = arith.cmpi ne, %rem3A_5, %ne3A_6 : vector<1x144xi32>
    %lt3A = arith.constant 0 : i32
    %lt3A_8 = vector.broadcast %lt3A : i32 to vector<1x144xi32>
    %lt3A_9 = arith.cmpi slt, %rem3A_5, %lt3A_8 : vector<1x144xi32>
    %lt3A_10 = arith.constant 0 : i32
    %lt3A_11 = arith.cmpi slt, %select_n3A, %lt3A_10 : i32
    %ne3A_12 = vector.broadcast %lt3A_11 : i1 to vector<1x144xi1>
    %ne3A_13 = vector.broadcast %ne3A_12 : vector<1x144xi1> to vector<1x144xi1>
    %ne3A_14 = arith.xori %lt3A_9, %ne3A_13 : vector<1x144xi1>
    %and3A = arith.andi %ne3A_14, %ne3A_7 : vector<1x144xi1>
    %add3A = vector.broadcast %select_n3A : i32 to vector<1x144xi32>
    %add3A_15 = arith.addi %rem3A_5, %add3A : vector<1x144xi32>
    %select_n3A_16 = arith.select %and3A, %add3A_15, %rem3A_5 : vector<1x144xi1>, vector<1x144xi32>
    %broadcast_in_dim3A_17 = arith.constant 0 : i32
    %broadcast_in_dim3A_18 = vector.broadcast %broadcast_in_dim3A_17 : i32 to vector<1x144xi32>
    %eq3A_19 = arith.constant 0 : i32
    %eq3A_20 = vector.broadcast %eq3A_19 : i32 to vector<1x144xi32>
    %eq3A_21 = arith.cmpi eq, %select_n3A_16, %eq3A_20 : vector<1x144xi32>
    %jit3A_22 = arith.constant 2147483647 : i32
    %broadcast_in_dim3A_23 = vector.broadcast %jit3A_22 : i32 to vector<1x144xi32>
    %select_n3A_24 = arith.select %eq3A_21, %broadcast_in_dim3A, %broadcast_in_dim3A_23 : vector<1x144xi1>, vector<1x144xi32>
    %reduce_min3A_25 = arith.constant dense<2147483647> : vector<1xi32>
    %reduce_min3A_26 = vector.multi_reduction <minsi>, %select_n3A_24, %reduce_min3A_25 [1] : vector<1x144xi32> to vector<1xi32>
    %broadcast_in_dim3A_27 = vector.shape_cast %reduce_min3A_26 : vector<1xi32> to vector<1x1xi32>
    %sub3A = arith.constant 0 : i32
    %sub3A_28 = vector.broadcast %sub3A : i32 to vector<1x1xi32>
    %sub3A_29 = arith.subi %sub3A_28, %broadcast_in_dim3A_27 : vector<1x1xi32>
    %broadcast_in_dim3A_30 = vector.shape_cast %sub3A_29 : vector<1x1xi32> to vector<1x1xi32>
    %broadcast_in_dim3A_31 = vector.broadcast %broadcast_in_dim3A_30 : vector<1x1xi32> to vector<1x144xi32>
    %select_n3A_32 = arith.select %eq3A_21, %broadcast_in_dim3A_31, %broadcast_in_dim3A_18 : vector<1x144xi1>, vector<1x144xi32>
    %eq3A_33 = arith.constant 1 : i32
    %eq3A_34 = vector.broadcast %eq3A_33 : i32 to vector<1x144xi32>
    %eq3A_35 = arith.cmpi eq, %select_n3A_16, %eq3A_34 : vector<1x144xi32>
    %jit3A_36 = arith.constant 2147483647 : i32
    %broadcast_in_dim3A_37 = vector.broadcast %jit3A_36 : i32 to vector<1x144xi32>
    %select_n3A_38 = arith.select %eq3A_35, %broadcast_in_dim3A, %broadcast_in_dim3A_37 : vector<1x144xi1>, vector<1x144xi32>
    %reduce_min3A_39 = arith.constant dense<2147483647> : vector<1xi32>
    %reduce_min3A_40 = vector.multi_reduction <minsi>, %select_n3A_38, %reduce_min3A_39 [1] : vector<1x144xi32> to vector<1xi32>
    %broadcast_in_dim3A_41 = vector.shape_cast %reduce_min3A_40 : vector<1xi32> to vector<1x1xi32>
    %sub3A_42 = arith.constant 1000 : i32
    %sub3A_43 = vector.broadcast %sub3A_42 : i32 to vector<1x1xi32>
    %sub3A_44 = arith.subi %sub3A_43, %broadcast_in_dim3A_41 : vector<1x1xi32>
    %broadcast_in_dim3A_45 = vector.shape_cast %sub3A_44 : vector<1x1xi32> to vector<1x1xi32>
    %broadcast_in_dim3A_46 = vector.broadcast %broadcast_in_dim3A_45 : vector<1x1xi32> to vector<1x144xi32>
    %select_n3A_47 = arith.select %eq3A_35, %broadcast_in_dim3A_46, %select_n3A_32 : vector<1x144xi1>, vector<1x144xi32>
    %eq3A_48 = arith.constant 2 : i32
    %eq3A_49 = vector.broadcast %eq3A_48 : i32 to vector<1x144xi32>
    %eq3A_50 = arith.cmpi eq, %select_n3A_16, %eq3A_49 : vector<1x144xi32>
    %jit3A_51 = arith.constant 2147483647 : i32
    %broadcast_in_dim3A_52 = vector.broadcast %jit3A_51 : i32 to vector<1x144xi32>
    %select_n3A_53 = arith.select %eq3A_50, %broadcast_in_dim3A, %broadcast_in_dim3A_52 : vector<1x144xi1>, vector<1x144xi32>
    %reduce_min3A_54 = arith.constant dense<2147483647> : vector<1xi32>
    %reduce_min3A_55 = vector.multi_reduction <minsi>, %select_n3A_53, %reduce_min3A_54 [1] : vector<1x144xi32> to vector<1xi32>
    %broadcast_in_dim3A_56 = vector.shape_cast %reduce_min3A_55 : vector<1xi32> to vector<1x1xi32>
    %sub3A_57 = arith.constant 2000 : i32
    %sub3A_58 = vector.broadcast %sub3A_57 : i32 to vector<1x1xi32>
    %sub3A_59 = arith.subi %sub3A_58, %broadcast_in_dim3A_56 : vector<1x1xi32>
    %broadcast_in_dim3A_60 = vector.shape_cast %sub3A_59 : vector<1x1xi32> to vector<1x1xi32>
    %broadcast_in_dim3A_61 = vector.broadcast %broadcast_in_dim3A_60 : vector<1x1xi32> to vector<1x144xi32>
    %select_n3A_62 = arith.select %eq3A_50, %broadcast_in_dim3A_61, %select_n3A_47 : vector<1x144xi1>, vector<1x144xi32>
    %eq3A_63 = arith.constant 3 : i32
    %eq3A_64 = vector.broadcast %eq3A_63 : i32 to vector<1x144xi32>
    %eq3A_65 = arith.cmpi eq, %select_n3A_16, %eq3A_64 : vector<1x144xi32>
    %jit3A_66 = arith.constant 2147483647 : i32
    %broadcast_in_dim3A_67 = vector.broadcast %jit3A_66 : i32 to vector<1x144xi32>
    %select_n3A_68 = arith.select %eq3A_65, %broadcast_in_dim3A, %broadcast_in_dim3A_67 : vector<1x144xi1>, vector<1x144xi32>
    %reduce_min3A_69 = arith.constant dense<2147483647> : vector<1xi32>
    %reduce_min3A_70 = vector.multi_reduction <minsi>, %select_n3A_68, %reduce_min3A_69 [1] : vector<1x144xi32> to vector<1xi32>
    %broadcast_in_dim3A_71 = vector.shape_cast %reduce_min3A_70 : vector<1xi32> to vector<1x1xi32>
    %sub3A_72 = arith.constant 3000 : i32
    %sub3A_73 = vector.broadcast %sub3A_72 : i32 to vector<1x1xi32>
    %sub3A_74 = arith.subi %sub3A_73, %broadcast_in_dim3A_71 : vector<1x1xi32>
    %broadcast_in_dim3A_75 = vector.shape_cast %sub3A_74 : vector<1x1xi32> to vector<1x1xi32>
    %broadcast_in_dim3A_76 = vector.broadcast %broadcast_in_dim3A_75 : vector<1x1xi32> to vector<1x144xi32>
    %select_n3A_77 = arith.select %eq3A_65, %broadcast_in_dim3A_76, %select_n3A_62 : vector<1x144xi1>, vector<1x144xi32>
    %eq3A_78 = arith.constant 4 : i32
    %eq3A_79 = vector.broadcast %eq3A_78 : i32 to vector<1x144xi32>
    %eq3A_80 = arith.cmpi eq, %select_n3A_16, %eq3A_79 : vector<1x144xi32>
    %jit3A_81 = arith.constant 2147483647 : i32
    %broadcast_in_dim3A_82 = vector.broadcast %jit3A_81 : i32 to vector<1x144xi32>
    %select_n3A_83 = arith.select %eq3A_80, %broadcast_in_dim3A, %broadcast_in_dim3A_82 : vector<1x144xi1>, vector<1x144xi32>
    %reduce_min3A_84 = arith.constant dense<2147483647> : vector<1xi32>
    %reduce_min3A_85 = vector.multi_reduction <minsi>, %select_n3A_83, %reduce_min3A_84 [1] : vector<1x144xi32> to vector<1xi32>
    %broadcast_in_dim3A_86 = vector.shape_cast %reduce_min3A_85 : vector<1xi32> to vector<1x1xi32>
    %sub3A_87 = arith.constant 4000 : i32
    %sub3A_88 = vector.broadcast %sub3A_87 : i32 to vector<1x1xi32>
    %sub3A_89 = arith.subi %sub3A_88, %broadcast_in_dim3A_86 : vector<1x1xi32>
    %broadcast_in_dim3A_90 = vector.shape_cast %sub3A_89 : vector<1x1xi32> to vector<1x1xi32>
    %broadcast_in_dim3A_91 = vector.broadcast %broadcast_in_dim3A_90 : vector<1x1xi32> to vector<1x144xi32>
    %select_n3A_92 = arith.select %eq3A_80, %broadcast_in_dim3A_91, %select_n3A_77 : vector<1x144xi1>, vector<1x144xi32>
    %eq3A_93 = arith.constant 5 : i32
    %eq3A_94 = vector.broadcast %eq3A_93 : i32 to vector<1x144xi32>
    %eq3A_95 = arith.cmpi eq, %select_n3A_16, %eq3A_94 : vector<1x144xi32>
    %jit3A_96 = arith.constant 2147483647 : i32
    %broadcast_in_dim3A_97 = vector.broadcast %jit3A_96 : i32 to vector<1x144xi32>
    %select_n3A_98 = arith.select %eq3A_95, %broadcast_in_dim3A, %broadcast_in_dim3A_97 : vector<1x144xi1>, vector<1x144xi32>
    %reduce_min3A_99 = arith.constant dense<2147483647> : vector<1xi32>
    %reduce_min3A_100 = vector.multi_reduction <minsi>, %select_n3A_98, %reduce_min3A_99 [1] : vector<1x144xi32> to vector<1xi32>
    %broadcast_in_dim3A_101 = vector.shape_cast %reduce_min3A_100 : vector<1xi32> to vector<1x1xi32>
    %sub3A_102 = arith.constant 5000 : i32
    %sub3A_103 = vector.broadcast %sub3A_102 : i32 to vector<1x1xi32>
    %sub3A_104 = arith.subi %sub3A_103, %broadcast_in_dim3A_101 : vector<1x1xi32>
    %broadcast_in_dim3A_105 = vector.shape_cast %sub3A_104 : vector<1x1xi32> to vector<1x1xi32>
    %broadcast_in_dim3A_106 = vector.broadcast %broadcast_in_dim3A_105 : vector<1x1xi32> to vector<1x144xi32>
    %select_n3A_107 = arith.select %eq3A_95, %broadcast_in_dim3A_106, %select_n3A_92 : vector<1x144xi1>, vector<1x144xi32>
    %eq3A_108 = arith.constant 6 : i32
    %eq3A_109 = vector.broadcast %eq3A_108 : i32 to vector<1x144xi32>
    %eq3A_110 = arith.cmpi eq, %select_n3A_16, %eq3A_109 : vector<1x144xi32>
    %jit3A_111 = arith.constant 2147483647 : i32
    %broadcast_in_dim3A_112 = vector.broadcast %jit3A_111 : i32 to vector<1x144xi32>
    %select_n3A_113 = arith.select %eq3A_110, %broadcast_in_dim3A, %broadcast_in_dim3A_112 : vector<1x144xi1>, vector<1x144xi32>
    %reduce_min3A_114 = arith.constant dense<2147483647> : vector<1xi32>
    %reduce_min3A_115 = vector.multi_reduction <minsi>, %select_n3A_113, %reduce_min3A_114 [1] : vector<1x144xi32> to vector<1xi32>
    %broadcast_in_dim3A_116 = vector.shape_cast %reduce_min3A_115 : vector<1xi32> to vector<1x1xi32>
    %sub3A_117 = arith.constant 6000 : i32
    %sub3A_118 = vector.broadcast %sub3A_117 : i32 to vector<1x1xi32>
    %sub3A_119 = arith.subi %sub3A_118, %broadcast_in_dim3A_116 : vector<1x1xi32>
    %broadcast_in_dim3A_120 = vector.shape_cast %sub3A_119 : vector<1x1xi32> to vector<1x1xi32>
    %broadcast_in_dim3A_121 = vector.broadcast %broadcast_in_dim3A_120 : vector<1x1xi32> to vector<1x144xi32>
    %select_n3A_122 = arith.select %eq3A_110, %broadcast_in_dim3A_121, %select_n3A_107 : vector<1x144xi1>, vector<1x144xi32>
    %eq3A_123 = arith.constant 7 : i32
    %eq3A_124 = vector.broadcast %eq3A_123 : i32 to vector<1x144xi32>
    %eq3A_125 = arith.cmpi eq, %select_n3A_16, %eq3A_124 : vector<1x144xi32>
    %jit3A_126 = arith.constant 2147483647 : i32
    %broadcast_in_dim3A_127 = vector.broadcast %jit3A_126 : i32 to vector<1x144xi32>
    %select_n3A_128 = arith.select %eq3A_125, %broadcast_in_dim3A, %broadcast_in_dim3A_127 : vector<1x144xi1>, vector<1x144xi32>
    %reduce_min3A_129 = arith.constant dense<2147483647> : vector<1xi32>
    %reduce_min3A_130 = vector.multi_reduction <minsi>, %select_n3A_128, %reduce_min3A_129 [1] : vector<1x144xi32> to vector<1xi32>
    %broadcast_in_dim3A_131 = vector.shape_cast %reduce_min3A_130 : vector<1xi32> to vector<1x1xi32>
    %sub3A_132 = arith.constant 7000 : i32
    %sub3A_133 = vector.broadcast %sub3A_132 : i32 to vector<1x1xi32>
    %sub3A_134 = arith.subi %sub3A_133, %broadcast_in_dim3A_131 : vector<1x1xi32>
    %broadcast_in_dim3A_135 = vector.shape_cast %sub3A_134 : vector<1x1xi32> to vector<1x1xi32>
    %broadcast_in_dim3A_136 = vector.broadcast %broadcast_in_dim3A_135 : vector<1x1xi32> to vector<1x144xi32>
    %select_n3A_137 = arith.select %eq3A_125, %broadcast_in_dim3A_136, %select_n3A_122 : vector<1x144xi1>, vector<1x144xi32>
    %eq3A_138 = arith.constant 8 : i32
    %eq3A_139 = vector.broadcast %eq3A_138 : i32 to vector<1x144xi32>
    %eq3A_140 = arith.cmpi eq, %select_n3A_16, %eq3A_139 : vector<1x144xi32>
    %jit3A_141 = arith.constant 2147483647 : i32
    %broadcast_in_dim3A_142 = vector.broadcast %jit3A_141 : i32 to vector<1x144xi32>
    %select_n3A_143 = arith.select %eq3A_140, %broadcast_in_dim3A, %broadcast_in_dim3A_142 : vector<1x144xi1>, vector<1x144xi32>
    %reduce_min3A_144 = arith.constant dense<2147483647> : vector<1xi32>
    %reduce_min3A_145 = vector.multi_reduction <minsi>, %select_n3A_143, %reduce_min3A_144 [1] : vector<1x144xi32> to vector<1xi32>
    %broadcast_in_dim3A_146 = vector.shape_cast %reduce_min3A_145 : vector<1xi32> to vector<1x1xi32>
    %sub3A_147 = arith.constant 8000 : i32
    %sub3A_148 = vector.broadcast %sub3A_147 : i32 to vector<1x1xi32>
    %sub3A_149 = arith.subi %sub3A_148, %broadcast_in_dim3A_146 : vector<1x1xi32>
    %broadcast_in_dim3A_150 = vector.shape_cast %sub3A_149 : vector<1x1xi32> to vector<1x1xi32>
    %broadcast_in_dim3A_151 = vector.broadcast %broadcast_in_dim3A_150 : vector<1x1xi32> to vector<1x144xi32>
    %select_n3A_152 = arith.select %eq3A_140, %broadcast_in_dim3A_151, %select_n3A_137 : vector<1x144xi1>, vector<1x144xi32>
    %swap3A = arith.constant 0 : index
    %swap3A_153 = arith.constant 0 : index
    %swap3A_154 = vector.load %arg1[%swap3A, %swap3A_153] : memref<1x144xi32, #tpu.memory_space<vmem>>, vector<1x144xi32>
    tpu.vector_store %arg1[%swap3A, %swap3A_153], %select_n3A_152 {strides = array<i32>} : memref<1x144xi32, #tpu.memory_space<vmem>>, vector<1x144xi32>,
    return
  }
}

</mosaic_0001>

<sc_bundles>
// kernel: _run.4.cloned.1.call-start
scs
__scs_entry_jumppad:
0x0: {  	(pc) =	sbr.rel $0x88, $3  }
0x1: {  	(tag) =	ssettag $0x0;
	lr =	simm.s32 $0x1  }
0x2: {  	[smem:$0x3F9F] =	sst lr;
	_ =	strace $0xD0000000  }
0x3: {  	_ = 	snop  }
0x4: {  	_ = 	snop  }
0x5: {  	_ = 	snop  }
0x6: {  	_ = 	snop  }
0x7: {  	_ = 	snop  }
__scs_overlays_trampoline_lowered:
0x8: {  	[smem:$0x3FAE] =	sst s0  }
0x9: {  	[smem:$0x3FAF] =	sst s1  }
0xa: {  	[smem:$0x3FB0] =	sst s2  }
0xb: {  	[smem:$0x3FB1] =	sst s3  }
0xc: {  	[smem:$0x3FB2] =	sst s4  }
0xd: {  	[smem:$0x3FB3] =	sst s5  }
0xe: {  	[smem:$0x3FB4] =	sst s6  }
0xf: {  	[smem:$0x3FB5] =	sst s7  }
0x10: {  	[smem:$0x3FB6] =	sst s8  }
0x11: {  	[smem:$0x3FB7] =	sst s9;
	s0 =	simm.s32 @!p0 $0x0  }
0x12: {  	s1 =	sld [smem:$0x3F9D];
	s0 =	simm.s32 @p0 $0x1  }
0x13: {  	[smem:$0x3FB8] =	sst s0;
	s0 =	simm.s32 @!p1 $0x0  }
0x14: {  	s2 =	sld [smem:$0x3F9C];
	s0 =	simm.s32 @p1 $0x1  }
0x15: {  	[smem:$0x3FB9] =	sst s0;
	s0 =	simm.s32 @!p2 $0x0  }
0x16: {  	s3 =	sld [smem:$0x3FDB];
	s0 =	simm.s32 @p2 $0x1  }
0x17: {  	s4 =	simm.s32 $0x1BF5;
	[smem:$0x3FBB] =	sst s0  }
0x18: {  	s0 =	sld [smem:$0x3F9E];
	_ =	swait.ge [sflag:s4], $0x0  }
0x19: {  	s7 =	sld [smem:$0x3F9F]  }
0x1a: {  	s8 =	sadd.s32 $0xFFFFE003, lr  }
0x1b: {  	s9 =	sadd.s32 $0xFFFFFEF7, lr;
	s5 =	simm.s32 $0xFFFFFFFF;
	p2 =	slt.u32 s8, $0xFFFFF086  }
0x1c: {  	p1 =	slt.u32 s9, $0xF7A;
	s5 =	simm.s32 @!p2 $0x0  }
0x1d: {  	s5 =	simm.s32 @p1 $0x1;
	p0 =	seq.s32 s7, s2  }
0x1e: {  	s7 =	smul.u32 @!p0 $0xF7A, s2;
	p2 =	seq.s32 @!p0 s5, $0x0  }
0x1f: {  	s9 =	smul.u32 $0xF7A, s1;
	s8 =	simm.s32 @!p0 $0x1BF5;
	p2 =	por !p2, p0  }
0x20: {  	[sflag:s8] =	ssyncset.s32 @!p0 $0xFFFFF086;
	s6 =	sadd.s32 @!p0 s3, s7;
	s7 =	simm.s32 @!p0 $0x108  }
0x21: {  	s3 =	sadd.s32 s3, s9;
	s6 =	sadd.s32 @!p0 $0x88, s6;
	s7 =	simm.s32 @p2 $0x1082  }
0x22: {  	[simem:s7], [sflag:s8] =	dma.local @!p0 [hbm:s6], $0xF7A  }
0x23: {  	s9 =	sor.u32 $0xD0000000, s2;
	s6 =	simm.s32 $0x108;
	_ =	swait.ge @!p0 [sflag:s8], $0x0  }
0x24: {  	s3 =	sadd.s32 $0x88, s3;
	s6 =	simm.s32 @!p1 $0x1082;
	[sflag:s4] =	ssyncset.s32 $0xFFFFF086  }
0x25: {  	[simem:s6], [sflag:s4] =	dma.local [hbm:s3], $0xF7A  }
0x26: {  	[smem:$0x3F9F] =	sst s1;
	(tag) =	ssettag s2;
	_ =	strace s9  }
0x27: {  	s1 =	sld [smem:$0x3FAF]  }
0x28: {  	s2 =	sld [smem:$0x3FB0]  }
0x29: {  	s4 =	sld [smem:$0x3FB2]  }
0x2a: {  	p0 =	seq.s32 s5, $0x0;
	s5 =	sld [smem:$0x3FB3]  }
0x2b: {  	s6 =	sld [smem:$0x3FB4]  }
0x2c: {  	s7 =	sld [smem:$0x3FB5]  }
0x2d: {  	s3 =	simm.s32 $0x108;
	s8 =	sld [smem:$0x3FB6]  }
0x2e: {  	s3 =	simm.s32 @!p0 $0x1082;
	s9 =	sld [smem:$0x3FB7]  }
0x2f: {  	lr =	sadd.s32 s0, s3;
	s0 =	sld [smem:$0x3FAE]  }
0x30: {  	s3 =	sld [smem:$0x3FB1]  }
0x31: {  	[smem:$0x3FBA] =	sst s10  }
0x32: {  	s10 =	sld [smem:$0x3FB8];
	_ =	sdelay $0x3  }
0x33: {  	p0 =	seq.s32 s10, $0x1;
	s10 =	sld [smem:$0x3FBA];
	_ =	sdelay $0x3  }
0x34: {  	[smem:$0x3FBA] =	sst s10  }
0x35: {  	s10 =	sld [smem:$0x3FB9];
	_ =	sdelay $0x3  }
0x36: {  	p1 =	seq.s32 s10, $0x1;
	s10 =	sld [smem:$0x3FBA];
	_ =	sdelay $0x3  }
0x37: {  	[smem:$0x3FBA] =	sst s10  }
0x38: {  	s10 =	sld [smem:$0x3FBB]  }
0x39: {  	_ = 	snop;
	(pc) =	sbr.ind lr, $3  }
0x3a: {  	_ = 	snop  }
0x3b: {  	_ = 	snop  }
0x3c: {  	p2 =	seq.s32 s10, $0x1;
	s10 =	sld [smem:$0x3FBA]  }
0x3d: {  	_ =	shalt  }
0x3e: {  	_ =	shalt  }
0x3f: {  	_ =	shalt  }
0x40: {  	_ =	shalt  }
0x41: {  	_ =	shalt  }
0x42: {  	_ =	shalt  }
0x43: {  	_ =	shalt  }
0x44: {  	_ =	shalt  }
0x45: {  	_ =	shalt  }
0x46: {  	_ =	shalt  }
0x47: {  	_ =	shalt  }
0x48: {  	_ =	shalt  }
0x49: {  	_ =	shalt  }
0x4a: {  	_ =	shalt  }
0x4b: {  	_ =	shalt  }
0x4c: {  	_ =	shalt  }
0x4d: {  	_ =	shalt  }
0x4e: {  	_ =	shalt  }
0x4f: {  	_ =	shalt  }
0x50: {  	_ =	shalt  }
0x51: {  	_ =	shalt  }
0x52: {  	_ =	shalt  }
0x53: {  	_ =	shalt  }
0x54: {  	_ =	shalt  }
0x55: {  	_ =	shalt  }
0x56: {  	_ =	shalt  }
0x57: {  	_ =	shalt  }
0x58: {  	_ =	shalt  }
0x59: {  	_ =	shalt  }
0x5a: {  	_ =	shalt  }
0x5b: {  	_ =	shalt  }
0x5c: {  	_ =	shalt  }
0x5d: {  	_ =	shalt  }
0x5e: {  	_ =	shalt  }
0x5f: {  	_ =	shalt  }
0x60: {  	_ =	shalt  }
0x61: {  	_ =	shalt  }
0x62: {  	_ =	shalt  }
0x63: {  	_ =	shalt  }
0x64: {  	_ =	shalt  }
0x65: {  	_ =	shalt  }
0x66: {  	_ =	shalt  }
0x67: {  	_ =	shalt  }
0x68: {  	_ =	shalt  }
0x69: {  	_ =	shalt  }
0x6a: {  	_ =	shalt  }
0x6b: {  	_ =	shalt  }
0x6c: {  	_ =	shalt  }
0x6d: {  	_ =	shalt  }
0x6e: {  	_ =	shalt  }
0x6f: {  	_ =	shalt  }
0x70: {  	_ =	shalt  }
0x71: {  	_ =	shalt  }
0x72: {  	_ =	shalt  }
0x73: {  	_ =	shalt  }
0x74: {  	_ =	shalt  }
0x75: {  	_ =	shalt  }
0x76: {  	_ =	shalt  }
0x77: {  	_ =	shalt  }
0x78: {  	_ =	shalt  }
0x79: {  	_ =	shalt  }
0x7a: {  	_ =	shalt  }
0x7b: {  	_ =	shalt  }
0x7c: {  	_ =	shalt  }
0x7d: {  	_ =	shalt  }
0x7e: {  	_ =	shalt  }
0x7f: {  	_ =	shalt  }
0x80: {  	_ =	shalt  }
0x81: {  	_ =	shalt  }
0x82: {  	_ =	shalt  }
0x83: {  	_ =	shalt  }
0x84: {  	_ =	shalt  }
0x85: {  	_ =	shalt  }
0x86: {  	_ =	shalt  }
0x87: {  	_ =	shalt  }
.Lfunc_end0:
.L_simem_size_0:
called_computation_lowered:
.L_overlay_start_0:
0x88: {  	s2 =	sld [smem:$0x3FD9]  }
0x89: {  	s3 =	sld [smem:$0x3FFE];
	_ =	sdelay $0x1  }
0x8a: {  	s1 =	srdreg.scid  }
0x8b: {  	s0 =	sand.u32 $0x1, s1  }
0x8c: {  	s17 =	sshll.u32 s0, $0xA;
	s2 =	sadd.s32 s3, s2  }
0x8d: {  	s2 =	sadd.s32 s2, s17  }
0x8e: {  	[smem:$0x3FC6] =	sst s2  }
0x8f: {  	_ = 	snop  }
0x90: {  	s2 =	sld [smem:$0x3FC9]  }
0x91: {  	s18 =	sld [smem:$0x3FC8]  }
0x92: {  	s4 =	sld [smem:$0x3FD0];
	(tm) =	ssettm $0x1  }
0x93: {  	s5 =	sld [smem:$0x3FFB];
	_ =	sdelay $0x3  }
0x94: {  	_ =	strace s5  }
0x95: {  	s5 =	sld [smem:$0x3FFC];
	_ =	sdelay $0x3  }
0x96: {  	_ =	strace s5  }
0x97: {  	s5 =	sld [smem:$0x3FFD];
	_ =	sdelay $0x3  }
0x98: {  	_ =	strace s5  }
0x99: {  	_ =	strace $0x8FFFFFFF  }
0x9a: {  	s19 =	sld [smem:$0x3FDB];
	_ =	sdelay $0x1  }
0x9b: {  	s6 =	simm.s32 $_scs_section_size  }
0x9c: {  	s7 =	simm.s32 $_size__tile_overlayer_lowered;
	s8 =	simm.s32 $_tile_overlayer_lowered  }
0x9d: {  	s22 =	simm.s32 $0x1BFF;
	s21 =	sshll.u32 s8, $0x1;
	s5 =	sadd.s32 s6, s19  }
0x9e: {  	s9 =	simm.s32 $0x0;
	s20 =	sshll.u32 s7, $0x1;
	s7 =	sadd.s32 s21, s5  }
0x9f: {  	[timem:s9], [sflag:s22] =	dma.local [hbm:s7], s20  }
0xa0: {  	_ =	swait.ge [sflag:s22], s20  }
0xa1: {  	s6 =	ssub.s32 $0x0, s20;
	[sflag:s22] =	ssyncset.done $0x0  }
0xa2: {  	[sflag:s22] =	ssyncadd.s32 s6;
	_ =	sdelay $0x1  }
0xa3: {  	s23 =	simm.s32 $0x1B8B  }
0xa4: {  	_ =	swait.ge [sflag:s23], $0x1  }
0xa5: {  	[sflag:s23] =	ssyncset.done $0x0  }
0xa6: {  	s25 =	simm.s32 $0x1B8E;
	s24 =	sld [smem:$0x3FFE];
	[sflag:s23] =	ssyncadd.s32 $0xFFFFFFFF  }
0xa7: {  	s26 =	simm.s32 $execute0_lowered;
	[smem:$0x3FD2] =	sst s25  }
0xa8: {  	s7 =	sshll.u32 s26, $0x1;
	_ =	strace $0x80000046;
	[dreg:$0x1] =	wrdreg $0xFFFFFFFF  }
0xa9: {  	s28 =	simm.s32 $_size_execute0_lowered;
	s5 =	sadd.s32 s5, s7;
	[dreg:$0x0] =	wrdreg $0x0  }
0xaa: {  	s7 =	sshll.u32 s28, $0x1;
	[dreg:$0x2] =	wrdreg s5  }
0xab: {  	[dreg:$0x3] =	wrdreg s7  }
0xac: {  	[dreg:$0x4] =	wrdreg $0xC0  }
0xad: {  	_ =	task [dreg:s9], $0x5FFFF  }
0xae: {  	[dreg:$0x1] =	wrdreg $0xFFFFFFFF  }
0xaf: {  	[dreg:$0x0] =	wrdreg $0x60  }
0xb0: {  	[dreg:$0x2] =	wrdreg s2  }
0xb1: {  	[dreg:$0x3] =	wrdreg s24  }
0xb2: {  	[dreg:$0x4] =	wrdreg s18  }
0xb3: {  	[dreg:$0x5] =	wrdreg s4  }
0xb4: {  	[dreg:$0x6] =	wrdreg $0x9  }
0xb5: {  	_ =	task.clear_ibuf [dreg:s9], $0x7FFFF;
	_ =	strace $0x90000046  }
0xb6: {  	s29 =	simm.s32 $0x9;
	_ =	strace $0x80000048  }
0xb7: {  	_ =	swait.ge [sflag:s29], $0x1  }
0xb8: {  	[sflag:s29] =	ssyncadd.s32 $0xFFFFFFFF  }
0xb9: {  	_ =	strace $0x90000048  }
0xba: {  	_ =	sfence  }
0xbb: {  	s30 =	sld [smem:$0x0];
	_ =	sdelay $0x2  }
0xbc: {  	s31 =	sshll.u32 s1, $0xD;
	s1 =	sshrl.u32 s1, $0x2  }
0xbd: {  	s3 =	sand.u32 $0x4000, s31;
	s1 =	sadd.s32 s1, s30  }
0xbe: {  	s0 =	sor.u32 s3, s0;
	s1 =	sshll.u32 s1, $0x11  }
0xbf: {  	s0 =	sor.u32 s1, s0  }
0xc0: {  	s0 =	sadd.s32 $0x8F2B, s0  }
0xc1: {  	[sflag:s0] =	ssyncadd.remote.s32 $0x1  }
0xc2: {  	_ =	sfence.sel $0xFFFF  }
0xc3: {  	[dreg:$0x0] =	wrdreg $0xFFFFFFFF;
	(pc) =	sbr.abs _section_cstart, $3  }
0xc4: {  	[dreg:$0x1] =	wrdreg $0xFFFFFFFF  }
0xc5: {  	_ =	task.clear_ibuf [dreg:s9], $0x2FFFF;
	_ =	strace $0x9FFFFFFF  }
0xc6: {  	(tm) =	ssettm $0x7FFFFFFF  }
0xc7: {  	_ =	shalt  }
tec
execute0_lowered:
.L_overlay_start_1:
0x0: {  	(tag) =	ssettag $0x1  }
0x1: {  	s1 =	rddreg [dreg:$0x0]  }
0x2: {  	s0 =	rddreg [dreg:$0x1]  }
0x3: {  	s3 =	rddreg [dreg:$0x2]  }
0x4: {  	s2 =	srdreg.scid;
	s5 =	stileid.u32  }
0x5: {  	s4 =	rddreg [dreg:$0x3];
	s16 =	simm.s32 $0x5;
	s17 =	simm.s32 $0x60  }
0x6: {  	s18 =	simm.s32 $0x400;
	s19 =	simm.s32 $0x800;
	s20 =	simm.s32 $0x480  }
0x7: {  	s21 =	simm.s32 $0x3800;
	s22 =	simm.s32 $0x500;
	s23 =	simm.s32 $0x6800  }
0x8: {  	s24 =	simm.s32 $0x6;
	s29 =	simm.s32 $0xC800;
	s30 =	simm.s32 $0x700  }
0x9: {  	s31 =	simm.s32 $0xF800;
	s13 =	simm.s32 $0x2;
	s15 =	simm.s32 $0x13800  }
0xa: {  	s2 =	sand.u32 $0x1, s2;
	s6 =	sshll.u32 s5, $0x1;
	s5 =	simm.s32 $0x0  }
0xb: {  	s0 =	sadd.s32 $0x600, s0;
	s6 =	sor.u32 s2, s6;
	[smem:$0x7FF] =	sst s5  }
0xc: {  	s2 =	ssub.s32 $0x2, s2;
	s7 =	smul.u32 $0x120, s6;
	_ =	strace $0x80000047  }
0xd: {  	s8 =	sshrl.u32 s2, $0x1;
	s9 =	smul.u32 $0x24, s6;
	[dreg:$0x5] =	wrdreg s0  }
.Ltmp0:
0xe: {  	s10 =	sor.u32 $0x40, s6;
	s11 =	sor.u32 $0x60, s6;
	(pc) =	sbr.rel .LBB2_1-.Ltmp0, $4  }
0xf: {  	s25 =	ssub.s32 s2, s8;
	s7 =	sshrl.u32 s7, $0x3;
	s28 =	sadd.s32 s1, s9  }
0x10: {  	s0 =	smax.u32 s25, $0x1;
	s26 =	sadd.s32 s1, s7;
	[dreg:$0x6] =	wrdreg s28  }
0x11: {  	s9 =	simm.s32 $0x0;
	[dreg:$0x8] =	wrdreg s0;
	s2 =	sadd.s32 $0x480, s26  }
0x12: {  	s0 =	simm.s32 $0x12800;
	[dreg:$0x7] =	wrdreg s2;
	s2 =	simm.s32 $0x1  }
.LBB2_13:
0x13: {  	s7 =	simm.s32 $0x3  }
0x14: {  	_ =	swait.ge [sflag:s7], $0x1000  }
0x15: {  	[sflag:s7] =	ssyncset.done $0x0  }
0x16: {  	s8 =	simm.s32 $0x4;
	[sflag:s7] =	ssyncadd.s32 $0xFFFFF000  }
0x17: {  	_ =	swait.ge [sflag:s8], $0x1000  }
0x18: {  	s9 =	rddreg [dreg:$0x9]  }
0x19: {  	s28 =	rddreg [dreg:$0x8];
	s9 =	sadd.s32 $0x1, s9  }
0x1a: {  	p0 =	sne.s32 s9, s28  }
.Ltmp1:
0x1b: {  	_ = 	snop;
	(pc) =	sbr.rel @!p0 .LBB2_14-.Ltmp1, $3  }
0x1c: {  	_ =	sdelay $0x1  }
0x1d: {  	[sflag:s8] =	ssyncset.done $0x0  }
0x1e: {  	[sflag:s8] =	ssyncadd.s32 $0xFFFFF000  }
.LBB2_1:
0x1f: {  	[dreg:$0x9] =	wrdreg s9  }
0x20: {  	s7 =	rddreg [dreg:$0x5];
	s8 =	simm.s32 $0x300;
	s14 =	simm.s32 $0x7  }
0x21: {  	[tilespmem:s8], [sflag:$0x7] =	stream.linear.gather [hbm4b:s7+s5], $0x100, $0x38;
	[tilespmem:$0x14800] =	vst v63  }
0x22: {  	_ =	swait.ge [sflag:s14], $0x100  }
0x23: {  	[sflag:s14] =	ssyncset.done $0x0  }
0x24: {  	s25 =	rddreg [dreg:$0x6];
	[sflag:s14] =	ssyncadd.s32 $0xFFFFFF00  }
0x25: {  	[tilespmem:s5], [sflag:$0x5] =	stream.linear.gather [hbm4b:s25+s5], $0x120, $0x38;
	[tilespmem:$0x14800] =	vst v63  }
0x26: {  	s28 =	simm.s32 $0x180;
	s26 =	rddreg [dreg:$0x7]  }
0x27: {  	[tilespmem:s28], [sflag:$0x6] =	stream.linear.gather [hbm4b:s26+s5], $0x120, $0x38;
	[tilespmem:$0x14800] =	vst v63  }
0x28: {  	_ =	swait.ge [sflag:s16], $0x120  }
0x29: {  	[sflag:s16] =	ssyncset.done $0x0  }
0x2a: {  	[sflag:s16] =	ssyncadd.s32 $0xFFFFFEE0  }
0x2b: {  	v0 =	vld [tilespmem:$0x0]  }
0x2c: {  	v1 =	vld [tilespmem:$0x300]  }
0x2d: {  	v2 =	vld [tilespmem:$0x10]  }
0x2e: {  	v3 =	vld [tilespmem:$0x310]  }
0x2f: {  	v4 =	vld [tilespmem:$0x20]  }
0x30: {  	v5 =	vld [tilespmem:$0x320]  }
0x31: {  	v6 =	vld [tilespmem:$0x30]  }
0x32: {  	v7 =	vld [tilespmem:$0x330]  }
0x33: {  	v8 =	vld [tilespmem:$0x40]  }
0x34: {  	v9 =	vld [tilespmem:$0x340]  }
0x35: {  	v10 =	vld [tilespmem:$0x50]  }
0x36: {  	v11 =	vld [tilespmem:$0x350]  }
0x37: {  	v12 =	vld [tilespmem:$0x60]  }
0x38: {  	v13 =	vld [tilespmem:$0x360]  }
0x39: {  	v14 =	vld [tilespmem:$0x70]  }
0x3a: {  	v15 =	vld [tilespmem:$0x370]  }
0x3b: {  	v16 =	vld [tilespmem:$0x80]  }
0x3c: {  	v17 =	vld [tilespmem:$0x380]  }
0x3d: {  	v18 =	vld [tilespmem:$0x90]  }
0x3e: {  	v19 =	vld [tilespmem:$0x300]  }
0x3f: {  	v20 =	vld [tilespmem:$0xA0]  }
0x40: {  	v21 =	vld [tilespmem:$0x310]  }
0x41: {  	v22 =	vld [tilespmem:$0xB0]  }
0x42: {  	v34 =	vld [tilespmem:$0x320];
	v0 =	vadd.s32 v0, v1  }
0x43: {  	v36 =	vld [tilespmem:$0xC0];
	v35 =	vadd.s32 v2, v3;
	[tilespmem:$0x400] =	vst v0  }
0x44: {  	v38 =	vld [tilespmem:$0x330];
	v37 =	vadd.s32 v4, v5;
	[tilespmem:$0x410] =	vst v35  }
0x45: {  	v40 =	vld [tilespmem:$0xD0];
	v39 =	vadd.s32 v6, v7;
	[tilespmem:$0x420] =	vst v37  }
0x46: {  	v42 =	vld [tilespmem:$0x340];
	v41 =	vadd.s32 v8, v9;
	[tilespmem:$0x430] =	vst v39  }
0x47: {  	v44 =	vld [tilespmem:$0xE0];
	v43 =	vadd.s32 v10, v11;
	[tilespmem:$0x440] =	vst v41  }
0x48: {  	v46 =	vld [tilespmem:$0x350];
	v45 =	vadd.s32 v12, v13;
	[tilespmem:$0x450] =	vst v43  }
0x49: {  	v48 =	vld [tilespmem:$0xF0];
	v47 =	vadd.s32 v14, v15;
	[tilespmem:$0x480] =	vst v45  }
0x4a: {  	v50 =	vld [tilespmem:$0x360];
	v49 =	vadd.s32 v16, v17;
	[tilespmem:$0x490] =	vst v47  }
0x4b: {  	v52 =	vld [tilespmem:$0x100];
	v51 =	vadd.s32 v18, v19;
	[tilespmem:$0x4A0] =	vst v49  }
0x4c: {  	v54 =	vld [tilespmem:$0x370];
	v53 =	vadd.s32 v20, v21;
	[tilespmem:$0x4B0] =	vst v51  }
0x4d: {  	v56 =	vld [tilespmem:$0x110];
	v55 =	vadd.s32 v22, v34;
	[tilespmem:$0x4C0] =	vst v53  }
0x4e: {  	v58 =	vld [tilespmem:$0x380];
	v57 =	vadd.s32 v36, v38;
	[tilespmem:$0x4D0] =	vst v55  }
0x4f: {  	v59 =	vadd.s32 v40, v42;
	[tilespmem:$0x500] =	vst v57  }
0x50: {  	v60 =	vadd.s32 v44, v46;
	[tilespmem:$0x510] =	vst v59  }
0x51: {  	v61 =	vadd.s32 v48, v50;
	[tilespmem:$0x520] =	vst v60  }
0x52: {  	v62 =	vadd.s32 v52, v54;
	[tilespmem:$0x530] =	vst v61  }
0x53: {  	v63 =	vadd.s32 v56, v58;
	[tilespmem:$0x540] =	vst v62  }
0x54: {  	[tilespmem:$0x550] =	vst v63  }
0x55: {  	[tilespmem:s19], [sflag:$0x1] =	stream.indirect.gather [hbm4b:s3+s17], $0x80, s18, s17, $0xb8;
	[tilespmem:$0x14800] =	vst v63  }
.Ltmp2:
0x56: {  	_ = 	snop;
	(pc) =	sbr.rel .LBB2_2-.Ltmp2, $4  }
0x57: {  	_ = 	snop  }
0x58: {  	[tilespmem:s21], [sflag:$0x1] =	stream.indirect.gather [hbm4b:s3+s17], $0x80, s20, s17, $0xb8;
	[tilespmem:$0x14800] =	vst v63  }
0x59: {  	s12 =	simm.s32 $0x0  }
0x5a: {  	[tilespmem:s23], [sflag:$0x1] =	stream.indirect.gather [hbm4b:s3+s17], $0x80, s22, s17, $0xb8;
	[tilespmem:$0x14800] =	vst v63  }
.LBB2_12:
0x5b: {  	s12 =	sadd.s32 $0x1, s12  }
0x5c: {  	p0 =	sne.s32 s12, $0x31  }
.Ltmp3:
0x5d: {  	_ = 	snop;
	(pc) =	sbr.rel @!p0 .LBB2_13-.Ltmp3, $1  }
0x5e: {  	_ =	sdelay $0x3  }
.LBB2_2:
0x5f: {  	s7 =	sshll.u32 s12, $0x6  }
0x60: {  	s8 =	sadd.s32 s10, s7  }
0x61: {  	p1 =	sgt.u32 s8, $0xC34  }
0x62: {  	s8 =	smul.u32 @!p1 $0x24, s8;
	_ =	sdelay $0x1  }
0x63: {  	s9 =	simm.s32 @!p1 $0x0;
	s8 =	sadd.s32 @!p1 s1, s8  }
0x64: {  	[tilespmem:s9], [sflag:$0x5] =	stream.linear.gather @!p1 [hbm4b:s8+s9], $0x120, $0x38;
	[tilespmem:$0x14800] =	vst v63  }
0x65: {  	s8 =	sor.u32 s7, s6  }
0x66: {  	s14 =	sor.u32 $0x20, s8  }
0x67: {  	p0 =	sgt.u32 s14, $0xC34  }
.Ltmp4:
0x68: {  	_ = 	snop;
	(pc) =	sbr.rel @p0 .LBB2_4-.Ltmp4, $1  }
0x69: {  	_ =	sdelay $0x3  }
0x6a: {  	_ =	swait.ge [sflag:s24], $0x120  }
0x6b: {  	[sflag:s24] =	ssyncset.done $0x0  }
0x6c: {  	[sflag:s24] =	ssyncadd.s32 $0xFFFFFEE0  }
0x6d: {  	v0 =	vld [tilespmem:$0x180]  }
0x6e: {  	v1 =	vld [tilespmem:$0x300]  }
0x6f: {  	v2 =	vld [tilespmem:$0x190]  }
0x70: {  	v3 =	vld [tilespmem:$0x310]  }
0x71: {  	v4 =	vld [tilespmem:$0x1A0]  }
0x72: {  	v5 =	vld [tilespmem:$0x320]  }
0x73: {  	v6 =	vld [tilespmem:$0x1B0]  }
0x74: {  	v7 =	vld [tilespmem:$0x330]  }
0x75: {  	v8 =	vld [tilespmem:$0x1C0]  }
0x76: {  	v9 =	vld [tilespmem:$0x340]  }
0x77: {  	v10 =	vld [tilespmem:$0x1D0]  }
0x78: {  	v11 =	vld [tilespmem:$0x350]  }
0x79: {  	v12 =	vld [tilespmem:$0x1E0]  }
0x7a: {  	v13 =	vld [tilespmem:$0x360]  }
0x7b: {  	v14 =	vld [tilespmem:$0x1F0]  }
0x7c: {  	v15 =	vld [tilespmem:$0x370]  }
0x7d: {  	v16 =	vld [tilespmem:$0x200]  }
0x7e: {  	v17 =	vld [tilespmem:$0x380]  }
0x7f: {  	v18 =	vld [tilespmem:$0x210]  }
0x80: {  	v19 =	vld [tilespmem:$0x300]  }
0x81: {  	v20 =	vld [tilespmem:$0x220]  }
0x82: {  	v21 =	vld [tilespmem:$0x310]  }
0x83: {  	v22 =	vld [tilespmem:$0x230]  }
0x84: {  	v34 =	vld [tilespmem:$0x320];
	v0 =	vadd.s32 v0, v1  }
0x85: {  	v36 =	vld [tilespmem:$0x240];
	v35 =	vadd.s32 v2, v3;
	[tilespmem:$0x600] =	vst v0  }
0x86: {  	v38 =	vld [tilespmem:$0x330];
	v37 =	vadd.s32 v4, v5;
	[tilespmem:$0x610] =	vst v35  }
0x87: {  	v40 =	vld [tilespmem:$0x250];
	v39 =	vadd.s32 v6, v7;
	[tilespmem:$0x620] =	vst v37  }
0x88: {  	v42 =	vld [tilespmem:$0x340];
	v41 =	vadd.s32 v8, v9;
	[tilespmem:$0x630] =	vst v39  }
0x89: {  	v44 =	vld [tilespmem:$0x260];
	v43 =	vadd.s32 v10, v11;
	[tilespmem:$0x640] =	vst v41  }
0x8a: {  	v46 =	vld [tilespmem:$0x350];
	v45 =	vadd.s32 v12, v13;
	[tilespmem:$0x650] =	vst v43  }
0x8b: {  	v48 =	vld [tilespmem:$0x270];
	v47 =	vadd.s32 v14, v15;
	[tilespmem:$0x680] =	vst v45  }
0x8c: {  	v50 =	vld [tilespmem:$0x360];
	v49 =	vadd.s32 v16, v17;
	[tilespmem:$0x690] =	vst v47  }
0x8d: {  	v52 =	vld [tilespmem:$0x280];
	v51 =	vadd.s32 v18, v19;
	[tilespmem:$0x6A0] =	vst v49  }
0x8e: {  	v54 =	vld [tilespmem:$0x370];
	v53 =	vadd.s32 v20, v21;
	[tilespmem:$0x6B0] =	vst v51  }
0x8f: {  	v56 =	vld [tilespmem:$0x290];
	v55 =	vadd.s32 v22, v34;
	[tilespmem:$0x6C0] =	vst v53  }
0x90: {  	v58 =	vld [tilespmem:$0x380];
	v57 =	vadd.s32 v36, v38;
	[tilespmem:$0x6D0] =	vst v55  }
0x91: {  	v59 =	vadd.s32 v40, v42;
	[tilespmem:$0x700] =	vst v57  }
0x92: {  	v60 =	vadd.s32 v44, v46;
	[tilespmem:$0x710] =	vst v59  }
0x93: {  	v61 =	vadd.s32 v48, v50;
	[tilespmem:$0x720] =	vst v60  }
0x94: {  	v62 =	vadd.s32 v52, v54;
	[tilespmem:$0x730] =	vst v61  }
0x95: {  	v63 =	vadd.s32 v56, v58;
	[tilespmem:$0x740] =	vst v62  }
0x96: {  	s9 =	simm.s32 $0x600;
	s25 =	simm.s32 $0x9800;
	[tilespmem:$0x750] =	vst v63  }
0x97: {  	[tilespmem:s25], [sflag:$0x2] =	stream.indirect.gather [hbm4b:s3+s17], $0x80, s9, s17, $0xb8;
	[tilespmem:$0x14800] =	vst v63  }
0x98: {  	s28 =	simm.s32 $0x680  }
0x99: {  	[tilespmem:s29], [sflag:$0x2] =	stream.indirect.gather [hbm4b:s3+s17], $0x80, s28, s17, $0xb8;
	[tilespmem:$0x14800] =	vst v63  }
0x9a: {  	_ = 	snop  }
0x9b: {  	[tilespmem:s31], [sflag:$0x2] =	stream.indirect.gather [hbm4b:s3+s17], $0x80, s30, s17, $0xb8;
	[tilespmem:$0x14800] =	vst v63  }
.LBB2_4:
0x9c: {  	_ =	swait.ge [sflag:s2], $0x9000  }
0x9d: {  	p2 =	seq.s32 s12, $0x0;
	[sflag:s2] =	ssyncset.done $0x0  }
0x9e: {  	s9 =	simm.s32 @!p2 $0x3;
	[sflag:s2] =	ssyncadd.s32 $0xFFFF7000  }
0x9f: {  	_ =	swait.ge @!p2 [sflag:s9], $0x1000  }
0xa0: {  	[sflag:s9] =	ssyncset.done @!p2 $0x0  }
0xa1: {  	[sflag:s9] =	ssyncadd.s32 @!p2 $0xFFFFF000;
	s9 =	simm.s32 $0xA40  }
0xa2: {  	v0 =	vld [tilespmem:s9+$0xFFFFFE40]  }
0xa3: {  	v1 =	vld [tilespmem:s9+$0xFFFFFDC0];
	_ =	sdelay $0x1  }
0xa4: {  	v2 =	vld [tilespmem:s9+$0xFFFFFEC0];
	_ =	sdelay $0x1  }
0xa5: {  	v3 =	vld [tilespmem:s9+$0xFFFFFF40]  }
0xa6: {  	v0 =	vadd.f32 v0, v1  }
0xa7: {  	v1 =	vld [tilespmem:s9+$0xFFFFFFC0]  }
0xa8: {  	v0 =	vadd.f32 v2, v0  }
0xa9: {  	v2 =	vld [tilespmem:s9+$0x40]  }
0xaa: {  	v0 =	vadd.f32 v3, v0  }
0xab: {  	v3 =	vld [tilespmem:s9+$0xC0]  }
0xac: {  	v0 =	vadd.f32 v1, v0  }
0xad: {  	v1 =	vld [tilespmem:s9+$0x140]  }
0xae: {  	v0 =	vadd.f32 v2, v0  }
0xaf: {  	v2 =	vld [tilespmem:s9+$0x1C0]  }
0xb0: {  	v0 =	vadd.f32 v3, v0;
	_ =	sdelay $0x1  }
0xb1: {  	v0 =	vadd.f32 v1, v0;
	_ =	sdelay $0x1  }
0xb2: {  	v0 =	vadd.f32 v2, v0  }
0xb3: {  	s25 =	simm.s32 $0x0  }
0xb4: {  	[tilespmem:s25+$0x12800] =	vst v0  }
0xb5: {  	v0 =	vld [tilespmem:s9+$0xFFFFFDD0]  }
0xb6: {  	v1 =	vld [tilespmem:s9+$0xFFFFFE50];
	_ =	sdelay $0x1  }
0xb7: {  	v2 =	vld [tilespmem:s9+$0xFFFFFED0];
	_ =	sdelay $0x1  }
0xb8: {  	v3 =	vld [tilespmem:s9+$0xFFFFFF50]  }
0xb9: {  	v0 =	vadd.f32 v1, v0  }
0xba: {  	v1 =	vld [tilespmem:s9+$0xFFFFFFD0]  }
0xbb: {  	v0 =	vadd.f32 v2, v0  }
0xbc: {  	v2 =	vld [tilespmem:s9+$0x50]  }
0xbd: {  	v0 =	vadd.f32 v3, v0  }
0xbe: {  	v3 =	vld [tilespmem:s9+$0xD0]  }
0xbf: {  	v0 =	vadd.f32 v1, v0  }
0xc0: {  	v1 =	vld [tilespmem:s9+$0x150]  }
0xc1: {  	v0 =	vadd.f32 v2, v0  }
0xc2: {  	v2 =	vld [tilespmem:s9+$0x1D0]  }
0xc3: {  	v0 =	vadd.f32 v3, v0;
	_ =	sdelay $0x1  }
0xc4: {  	v0 =	vadd.f32 v1, v0;
	_ =	sdelay $0x1  }
0xc5: {  	v0 =	vadd.f32 v2, v0;
	_ =	sdelay $0x1  }
0xc6: {  	[tilespmem:s25+$0x12810] =	vst v0  }
0xc7: {  	v0 =	vld [tilespmem:s9+$0xFFFFFDE0]  }
0xc8: {  	v1 =	vld [tilespmem:s9+$0xFFFFFE60];
	_ =	sdelay $0x1  }
0xc9: {  	v2 =	vld [tilespmem:s9+$0xFFFFFEE0];
	_ =	sdelay $0x1  }
0xca: {  	v3 =	vld [tilespmem:s9+$0xFFFFFF60]  }
0xcb: {  	v0 =	vadd.f32 v1, v0  }
0xcc: {  	v1 =	vld [tilespmem:s9+$0xFFFFFFE0]  }
0xcd: {  	v0 =	vadd.f32 v2, v0  }
0xce: {  	v2 =	vld [tilespmem:s9+$0x60]  }
0xcf: {  	v0 =	vadd.f32 v3, v0  }
0xd0: {  	v3 =	vld [tilespmem:s9+$0xE0]  }
0xd1: {  	v0 =	vadd.f32 v1, v0  }
0xd2: {  	v1 =	vld [tilespmem:s9+$0x160]  }
0xd3: {  	v0 =	vadd.f32 v2, v0  }
0xd4: {  	v2 =	vld [tilespmem:s9+$0x1E0]  }
0xd5: {  	v0 =	vadd.f32 v3, v0;
	_ =	sdelay $0x1  }
0xd6: {  	v0 =	vadd.f32 v1, v0;
	_ =	sdelay $0x1  }
0xd7: {  	v0 =	vadd.f32 v2, v0;
	_ =	sdelay $0x1  }
0xd8: {  	[tilespmem:s25+$0x12820] =	vst v0  }
0xd9: {  	v0 =	vld [tilespmem:s9+$0xFFFFFDF0]  }
0xda: {  	v1 =	vld [tilespmem:s9+$0xFFFFFE70];
	_ =	sdelay $0x1  }
0xdb: {  	v2 =	vld [tilespmem:s9+$0xFFFFFEF0];
	_ =	sdelay $0x1  }
0xdc: {  	v3 =	vld [tilespmem:s9+$0xFFFFFF70]  }
0xdd: {  	v0 =	vadd.f32 v1, v0  }
0xde: {  	v1 =	vld [tilespmem:s9+$0xFFFFFFF0]  }
0xdf: {  	v0 =	vadd.f32 v2, v0  }
0xe0: {  	v2 =	vld [tilespmem:s9+$0x70]  }
0xe1: {  	v0 =	vadd.f32 v3, v0  }
0xe2: {  	v3 =	vld [tilespmem:s9+$0xF0]  }
0xe3: {  	v0 =	vadd.f32 v1, v0  }
0xe4: {  	v1 =	vld [tilespmem:s9+$0x170]  }
0xe5: {  	v0 =	vadd.f32 v2, v0  }
0xe6: {  	v2 =	vld [tilespmem:s9+$0x1F0]  }
0xe7: {  	v0 =	vadd.f32 v3, v0;
	_ =	sdelay $0x1  }
0xe8: {  	v0 =	vadd.f32 v1, v0;
	_ =	sdelay $0x1  }
0xe9: {  	v0 =	vadd.f32 v2, v0;
	_ =	sdelay $0x1  }
0xea: {  	[tilespmem:s25+$0x12830] =	vst v0  }
0xeb: {  	v0 =	vld [tilespmem:s9+$0xFFFFFE00]  }
0xec: {  	v1 =	vld [tilespmem:s9+$0xFFFFFE80];
	_ =	sdelay $0x1  }
0xed: {  	v2 =	vld [tilespmem:s9+$0xFFFFFF00];
	_ =	sdelay $0x1  }
0xee: {  	v3 =	vld [tilespmem:s9+$0xFFFFFF80]  }
0xef: {  	v0 =	vadd.f32 v1, v0  }
0xf0: {  	v1 =	vld [tilespmem:s9+$0x0]  }
0xf1: {  	v0 =	vadd.f32 v2, v0  }
0xf2: {  	v2 =	vld [tilespmem:s9+$0x80]  }
0xf3: {  	v0 =	vadd.f32 v3, v0  }
0xf4: {  	v3 =	vld [tilespmem:s9+$0x100]  }
0xf5: {  	v0 =	vadd.f32 v1, v0  }
0xf6: {  	v1 =	vld [tilespmem:s9+$0x180]  }
0xf7: {  	v0 =	vadd.f32 v2, v0  }
0xf8: {  	v2 =	vld [tilespmem:s9+$0x200]  }
0xf9: {  	v0 =	vadd.f32 v3, v0;
	_ =	sdelay $0x1  }
0xfa: {  	v0 =	vadd.f32 v1, v0;
	_ =	sdelay $0x1  }
0xfb: {  	v0 =	vadd.f32 v2, v0;
	_ =	sdelay $0x1  }
0xfc: {  	[tilespmem:s25+$0x12840] =	vst v0  }
0xfd: {  	v0 =	vld [tilespmem:s9+$0xFFFFFE10]  }
0xfe: {  	v1 =	vld [tilespmem:s9+$0xFFFFFE90];
	_ =	sdelay $0x1  }
0xff: {  	v2 =	vld [tilespmem:s9+$0xFFFFFF10];
	_ =	sdelay $0x1  }
0x100: {  	v3 =	vld [tilespmem:s9+$0xFFFFFF90]  }
0x101: {  	v0 =	vadd.f32 v1, v0  }
0x102: {  	v1 =	vld [tilespmem:s9+$0x10]  }
0x103: {  	v0 =	vadd.f32 v2, v0  }
0x104: {  	v2 =	vld [tilespmem:s9+$0x90]  }
0x105: {  	v0 =	vadd.f32 v3, v0  }
0x106: {  	v3 =	vld [tilespmem:s9+$0x110]  }
0x107: {  	v0 =	vadd.f32 v1, v0  }
0x108: {  	v1 =	vld [tilespmem:s9+$0x190]  }
0x109: {  	v0 =	vadd.f32 v2, v0  }
0x10a: {  	v2 =	vld [tilespmem:s9+$0x210]  }
0x10b: {  	v0 =	vadd.f32 v3, v0;
	_ =	sdelay $0x1  }
0x10c: {  	v0 =	vadd.f32 v1, v0;
	_ =	sdelay $0x1  }
0x10d: {  	v0 =	vadd.f32 v2, v0;
	_ =	sdelay $0x1  }
0x10e: {  	[tilespmem:s25+$0x12850] =	vst v0  }
0x10f: {  	v0 =	vld [tilespmem:s9+$0xFFFFFE20]  }
0x110: {  	v1 =	vld [tilespmem:s9+$0xFFFFFEA0];
	_ =	sdelay $0x1  }
0x111: {  	v2 =	vld [tilespmem:s9+$0xFFFFFF20];
	_ =	sdelay $0x1  }
0x112: {  	v3 =	vld [tilespmem:s9+$0xFFFFFFA0]  }
0x113: {  	v0 =	vadd.f32 v1, v0  }
0x114: {  	v1 =	vld [tilespmem:s9+$0x20]  }
0x115: {  	v0 =	vadd.f32 v2, v0  }
0x116: {  	v2 =	vld [tilespmem:s9+$0xA0]  }
0x117: {  	v0 =	vadd.f32 v3, v0  }
0x118: {  	v3 =	vld [tilespmem:s9+$0x120]  }
0x119: {  	v0 =	vadd.f32 v1, v0  }
0x11a: {  	v1 =	vld [tilespmem:s9+$0x1A0]  }
0x11b: {  	v0 =	vadd.f32 v2, v0  }
0x11c: {  	v2 =	vld [tilespmem:s9+$0x220]  }
0x11d: {  	v0 =	vadd.f32 v3, v0;
	_ =	sdelay $0x1  }
0x11e: {  	v0 =	vadd.f32 v1, v0;
	_ =	sdelay $0x1  }
0x11f: {  	v0 =	vadd.f32 v2, v0;
	_ =	sdelay $0x1  }
0x120: {  	[tilespmem:s25+$0x12860] =	vst v0  }
0x121: {  	v0 =	vld [tilespmem:s9+$0xFFFFFE30]  }
0x122: {  	v1 =	vld [tilespmem:s9+$0xFFFFFEB0];
	_ =	sdelay $0x1  }
0x123: {  	v2 =	vld [tilespmem:s9+$0xFFFFFF30];
	_ =	sdelay $0x1  }
0x124: {  	v3 =	vld [tilespmem:s9+$0xFFFFFFB0]  }
0x125: {  	v0 =	vadd.f32 v1, v0  }
0x126: {  	v4 =	vld [tilespmem:s9+$0x30]  }
0x127: {  	v2 =	vadd.f32 v2, v0  }
0x128: {  	v1 =	vld [tilespmem:s9+$0x130]  }
0x129: {  	v0 =	vld [tilespmem:s9+$0xB0];
	v5 =	vadd.f32 v3, v2  }
0x12a: {  	v2 =	vld [tilespmem:s9+$0x1B0]  }
0x12b: {  	s26 =	simm.s32 $0x200;
	v3 =	vld [tilespmem:s9+$0x230];
	v4 =	vadd.f32 v4, v5  }
.LBB2_5:
0x12c: {  	p3 =	sne.s32 s26, $0x3E00  }
0x12d: {  	s9 =	sadd.s32 $0x480, s9;
	s28 =	smov.u32 s26;
	s26 =	sadd.s32 $0x200, s26  }
0x12e: {  	v0 =	vadd.f32 v0, v4;
	_ =	sdelay $0x1  }
0x12f: {  	v0 =	vadd.f32 v1, v0;
	_ =	sdelay $0x1  }
0x130: {  	v0 =	vadd.f32 v2, v0;
	_ =	sdelay $0x1  }
0x131: {  	v0 =	vadd.f32 v3, v0;
	_ =	sdelay $0x1  }
0x132: {  	[tilespmem:s25+$0x12870] =	vst v0  }
0x133: {  	v0 =	vld [tilespmem:s9+$0xFFFFFE40]  }
0x134: {  	v1 =	vld [tilespmem:s9+$0xFFFFFDC0];
	_ =	sdelay $0x1  }
0x135: {  	v2 =	vld [tilespmem:s9+$0xFFFFFEC0]  }
0x136: {  	v3 =	vld [tilespmem:s9+$0xFFFFFF40];
	_ =	sdelay $0x1  }
0x137: {  	v0 =	vadd.f32 v0, v1;
	v1 =	vld [tilespmem:s9+$0xFFFFFFC0];
	_ =	sdelay $0x1  }
0x138: {  	v0 =	vadd.f32 v2, v0  }
0x139: {  	v2 =	vld [tilespmem:s9+$0x40]  }
0x13a: {  	v0 =	vadd.f32 v3, v0  }
0x13b: {  	v3 =	vld [tilespmem:s9+$0xC0]  }
0x13c: {  	v0 =	vadd.f32 v1, v0  }
0x13d: {  	v1 =	vld [tilespmem:s9+$0x140]  }
0x13e: {  	v0 =	vadd.f32 v2, v0  }
0x13f: {  	v2 =	vld [tilespmem:s9+$0x1C0]  }
0x140: {  	v0 =	vadd.f32 v3, v0;
	_ =	sdelay $0x1  }
0x141: {  	v0 =	vadd.f32 v1, v0;
	_ =	sdelay $0x1  }
0x142: {  	v0 =	vadd.f32 v2, v0  }
0x143: {  	s25 =	sshra.s32 s28, $0x2  }
0x144: {  	[tilespmem:s25+$0x12800] =	vst v0  }
0x145: {  	v0 =	vld [tilespmem:s9+$0xFFFFFDD0]  }
0x146: {  	v1 =	vld [tilespmem:s9+$0xFFFFFE50];
	_ =	sdelay $0x1  }
0x147: {  	v2 =	vld [tilespmem:s9+$0xFFFFFED0];
	_ =	sdelay $0x1  }
0x148: {  	v3 =	vld [tilespmem:s9+$0xFFFFFF50]  }
0x149: {  	v0 =	vadd.f32 v1, v0  }
0x14a: {  	v1 =	vld [tilespmem:s9+$0xFFFFFFD0]  }
0x14b: {  	v0 =	vadd.f32 v2, v0  }
0x14c: {  	v2 =	vld [tilespmem:s9+$0x50]  }
0x14d: {  	v0 =	vadd.f32 v3, v0  }
0x14e: {  	v3 =	vld [tilespmem:s9+$0xD0]  }
0x14f: {  	v0 =	vadd.f32 v1, v0  }
0x150: {  	v1 =	vld [tilespmem:s9+$0x150]  }
0x151: {  	v0 =	vadd.f32 v2, v0  }
0x152: {  	v2 =	vld [tilespmem:s9+$0x1D0]  }
0x153: {  	v0 =	vadd.f32 v3, v0;
	_ =	sdelay $0x1  }
0x154: {  	v0 =	vadd.f32 v1, v0;
	_ =	sdelay $0x1  }
0x155: {  	v0 =	vadd.f32 v2, v0;
	_ =	sdelay $0x1  }
0x156: {  	[tilespmem:s25+$0x12810] =	vst v0  }
0x157: {  	v0 =	vld [tilespmem:s9+$0xFFFFFDE0]  }
0x158: {  	v1 =	vld [tilespmem:s9+$0xFFFFFE60];
	_ =	sdelay $0x1  }
0x159: {  	v2 =	vld [tilespmem:s9+$0xFFFFFEE0];
	_ =	sdelay $0x1  }
0x15a: {  	v3 =	vld [tilespmem:s9+$0xFFFFFF60]  }
0x15b: {  	v0 =	vadd.f32 v1, v0  }
0x15c: {  	v1 =	vld [tilespmem:s9+$0xFFFFFFE0]  }
0x15d: {  	v0 =	vadd.f32 v2, v0  }
0x15e: {  	v2 =	vld [tilespmem:s9+$0x60]  }
0x15f: {  	v0 =	vadd.f32 v3, v0  }
0x160: {  	v3 =	vld [tilespmem:s9+$0xE0]  }
0x161: {  	v0 =	vadd.f32 v1, v0  }
0x162: {  	v1 =	vld [tilespmem:s9+$0x160]  }
0x163: {  	v0 =	vadd.f32 v2, v0  }
0x164: {  	v2 =	vld [tilespmem:s9+$0x1E0]  }
0x165: {  	v0 =	vadd.f32 v3, v0;
	_ =	sdelay $0x1  }
0x166: {  	v0 =	vadd.f32 v1, v0;
	_ =	sdelay $0x1  }
0x167: {  	v0 =	vadd.f32 v2, v0;
	_ =	sdelay $0x1  }
0x168: {  	[tilespmem:s25+$0x12820] =	vst v0  }
0x169: {  	v0 =	vld [tilespmem:s9+$0xFFFFFDF0]  }
0x16a: {  	v1 =	vld [tilespmem:s9+$0xFFFFFE70]  }
0x16b: {  	v2 =	vld [tilespmem:s9+$0xFFFFFEF0];
	_ =	sdelay $0x2  }
0x16c: {  	v3 =	vld [tilespmem:s9+$0xFFFFFF70]  }
0x16d: {  	v0 =	vadd.f32 v1, v0  }
0x16e: {  	v1 =	vld [tilespmem:s9+$0xFFFFFFF0]  }
0x16f: {  	v0 =	vadd.f32 v2, v0  }
0x170: {  	v2 =	vld [tilespmem:s9+$0x70]  }
0x171: {  	v0 =	vadd.f32 v3, v0  }
0x172: {  	v3 =	vld [tilespmem:s9+$0xF0]  }
0x173: {  	v0 =	vadd.f32 v1, v0  }
0x174: {  	v1 =	vld [tilespmem:s9+$0x170]  }
0x175: {  	v0 =	vadd.f32 v2, v0  }
0x176: {  	v2 =	vld [tilespmem:s9+$0x1F0]  }
0x177: {  	v0 =	vadd.f32 v3, v0;
	_ =	sdelay $0x1  }
0x178: {  	v0 =	vadd.f32 v1, v0;
	_ =	sdelay $0x1  }
0x179: {  	v0 =	vadd.f32 v2, v0;
	_ =	sdelay $0x1  }
0x17a: {  	[tilespmem:s25+$0x12830] =	vst v0  }
0x17b: {  	v0 =	vld [tilespmem:s9+$0xFFFFFE00]  }
0x17c: {  	v1 =	vld [tilespmem:s9+$0xFFFFFE80]  }
0x17d: {  	v2 =	vld [tilespmem:s9+$0xFFFFFF00];
	_ =	sdelay $0x2  }
0x17e: {  	v3 =	vld [tilespmem:s9+$0xFFFFFF80]  }
0x17f: {  	v0 =	vadd.f32 v1, v0  }
0x180: {  	v1 =	vld [tilespmem:s9+$0x0]  }
0x181: {  	v0 =	vadd.f32 v2, v0  }
0x182: {  	v2 =	vld [tilespmem:s9+$0x80]  }
0x183: {  	v0 =	vadd.f32 v3, v0  }
0x184: {  	v3 =	vld [tilespmem:s9+$0x100]  }
0x185: {  	v0 =	vadd.f32 v1, v0  }
0x186: {  	v1 =	vld [tilespmem:s9+$0x180]  }
0x187: {  	v0 =	vadd.f32 v2, v0  }
0x188: {  	v2 =	vld [tilespmem:s9+$0x200]  }
0x189: {  	v0 =	vadd.f32 v3, v0;
	_ =	sdelay $0x1  }
0x18a: {  	v0 =	vadd.f32 v1, v0;
	_ =	sdelay $0x1  }
0x18b: {  	v0 =	vadd.f32 v2, v0;
	_ =	sdelay $0x1  }
0x18c: {  	[tilespmem:s25+$0x12840] =	vst v0  }
0x18d: {  	v0 =	vld [tilespmem:s9+$0xFFFFFE10]  }
0x18e: {  	v1 =	vld [tilespmem:s9+$0xFFFFFE90]  }
0x18f: {  	v2 =	vld [tilespmem:s9+$0xFFFFFF10]  }
0x190: {  	v3 =	vld [tilespmem:s9+$0xFFFFFF90]  }
0x191: {  	v4 =	vld [tilespmem:s9+$0x10]  }
0x192: {  	v5 =	vld [tilespmem:s9+$0x90]  }
0x193: {  	v0 =	vadd.f32 v1, v0;
	v1 =	vld [tilespmem:s9+$0x110]  }
0x194: {  	v6 =	vld [tilespmem:s9+$0x190]  }
0x195: {  	v0 =	vadd.f32 v2, v0;
	v2 =	vld [tilespmem:s9+$0x210];
	_ =	sdelay $0x1  }
0x196: {  	v0 =	vadd.f32 v3, v0;
	_ =	sdelay $0x1  }
0x197: {  	v0 =	vadd.f32 v4, v0;
	_ =	sdelay $0x1  }
0x198: {  	v0 =	vadd.f32 v5, v0;
	_ =	sdelay $0x1  }
0x199: {  	v0 =	vadd.f32 v1, v0;
	_ =	sdelay $0x1  }
0x19a: {  	v0 =	vadd.f32 v6, v0;
	_ =	sdelay $0x1  }
0x19b: {  	v0 =	vadd.f32 v2, v0;
	_ =	sdelay $0x1  }
0x19c: {  	[tilespmem:s25+$0x12850] =	vst v0  }
0x19d: {  	v0 =	vld [tilespmem:s9+$0xFFFFFE20]  }
0x19e: {  	v1 =	vld [tilespmem:s9+$0xFFFFFEA0]  }
0x19f: {  	v2 =	vld [tilespmem:s9+$0xFFFFFF20]  }
0x1a0: {  	v3 =	vld [tilespmem:s9+$0xFFFFFFA0]  }
0x1a1: {  	v4 =	vld [tilespmem:s9+$0x20]  }
0x1a2: {  	v5 =	vld [tilespmem:s9+$0xA0]  }
0x1a3: {  	v0 =	vadd.f32 v1, v0;
	v1 =	vld [tilespmem:s9+$0x120]  }
0x1a4: {  	v6 =	vld [tilespmem:s9+$0x1A0]  }
0x1a5: {  	v0 =	vadd.f32 v2, v0;
	v2 =	vld [tilespmem:s9+$0x220];
	_ =	sdelay $0x1  }
0x1a6: {  	v0 =	vadd.f32 v3, v0;
	_ =	sdelay $0x1  }
0x1a7: {  	v0 =	vadd.f32 v4, v0;
	_ =	sdelay $0x1  }
0x1a8: {  	v0 =	vadd.f32 v5, v0;
	_ =	sdelay $0x1  }
0x1a9: {  	v0 =	vadd.f32 v1, v0;
	_ =	sdelay $0x1  }
0x1aa: {  	v0 =	vadd.f32 v6, v0;
	_ =	sdelay $0x1  }
0x1ab: {  	v0 =	vadd.f32 v2, v0;
	_ =	sdelay $0x1  }
0x1ac: {  	[tilespmem:s25+$0x12860] =	vst v0  }
0x1ad: {  	v1 =	vld [tilespmem:s9+$0xFFFFFE30]  }
0x1ae: {  	v2 =	vld [tilespmem:s9+$0xFFFFFEB0]  }
0x1af: {  	v3 =	vld [tilespmem:s9+$0xFFFFFF30]  }
0x1b0: {  	v4 =	vld [tilespmem:s9+$0xFFFFFFB0]  }
0x1b1: {  	v5 =	vld [tilespmem:s9+$0x30]  }
0x1b2: {  	v0 =	vld [tilespmem:s9+$0xB0]  }
0x1b3: {  	v6 =	vadd.f32 v2, v1;
	v1 =	vld [tilespmem:s9+$0x130]  }
0x1b4: {  	v2 =	vld [tilespmem:s9+$0x1B0]  }
.Ltmp5:
0x1b5: {  	v6 =	vadd.f32 v3, v6;
	v3 =	vld [tilespmem:s9+$0x230];
	(pc) =	sbr.rel @p3 .LBB2_5-.Ltmp5, $3  }
0x1b6: {  	_ = 	snop  }
0x1b7: {  	v4 =	vadd.f32 v4, v6;
	_ =	sdelay $0x1  }
0x1b8: {  	v4 =	vadd.f32 v5, v4  }
0x1b9: {  	_ = 	snop  }
0x1ba: {  	v0 =	vadd.f32 v0, v4;
	_ =	sdelay $0x1  }
0x1bb: {  	v0 =	vadd.f32 v1, v0;
	_ =	sdelay $0x1  }
0x1bc: {  	v0 =	vadd.f32 v2, v0;
	_ =	sdelay $0x1  }
0x1bd: {  	s7 =	sadd.s32 s11, s7;
	v0 =	vadd.f32 v3, v0  }
.Ltmp6:
0x1be: {  	s8 =	sshll.u32 s8, $0x9;
	p3 =	sgt.u32 s7, $0xC34;
	(pc) =	sbr.rel @p1 .LBB2_8-.Ltmp6, $4  }
0x1bf: {  	s8 =	sadd.s32 s4, s8;
	s7 =	smul.u32 @!p3 $0x24, s7;
	[tilespmem:s25+$0x12870] =	vst v0  }
0x1c0: {  	[hbm4b:s8+s5] =	stream.linear.scatter [tilespmem:s0], [sflag:$0x3], $0x1000, $0x38;
	[tilespmem:$0x14800] =	vst v63  }
0x1c1: {  	s9 =	simm.s32 @!p3 $0x180;
	s7 =	sadd.s32 @!p3 s1, s7;
	s8 =	simm.s32 @!p3 $0x0  }
0x1c2: {  	[tilespmem:s9], [sflag:$0x6] =	stream.linear.gather @!p3 [hbm4b:s7+s8], $0x120, $0x38;
	[tilespmem:$0x14800] =	vst v63  }
0x1c3: {  	_ =	swait.ge [sflag:s16], $0x120  }
0x1c4: {  	[sflag:s16] =	ssyncset.done $0x0  }
0x1c5: {  	[sflag:s16] =	ssyncadd.s32 $0xFFFFFEE0  }
0x1c6: {  	v0 =	vld [tilespmem:$0x0]  }
0x1c7: {  	v1 =	vld [tilespmem:$0x300]  }
0x1c8: {  	v2 =	vld [tilespmem:$0x10]  }
0x1c9: {  	v3 =	vld [tilespmem:$0x310]  }
0x1ca: {  	v4 =	vld [tilespmem:$0x20]  }
0x1cb: {  	v5 =	vld [tilespmem:$0x320]  }
0x1cc: {  	v6 =	vld [tilespmem:$0x30]  }
0x1cd: {  	v7 =	vld [tilespmem:$0x330]  }
0x1ce: {  	v8 =	vld [tilespmem:$0x40]  }
0x1cf: {  	v9 =	vld [tilespmem:$0x340]  }
0x1d0: {  	v10 =	vld [tilespmem:$0x50]  }
0x1d1: {  	v11 =	vld [tilespmem:$0x350]  }
0x1d2: {  	v12 =	vld [tilespmem:$0x60]  }
0x1d3: {  	v13 =	vld [tilespmem:$0x360]  }
0x1d4: {  	v14 =	vld [tilespmem:$0x70]  }
0x1d5: {  	v15 =	vld [tilespmem:$0x370]  }
0x1d6: {  	v16 =	vld [tilespmem:$0x80]  }
0x1d7: {  	v17 =	vld [tilespmem:$0x380]  }
0x1d8: {  	v18 =	vld [tilespmem:$0x90]  }
0x1d9: {  	v19 =	vld [tilespmem:$0x300]  }
0x1da: {  	v20 =	vld [tilespmem:$0xA0]  }
0x1db: {  	v21 =	vld [tilespmem:$0x310]  }
0x1dc: {  	v22 =	vld [tilespmem:$0xB0]  }
0x1dd: {  	v34 =	vld [tilespmem:$0x320];
	v0 =	vadd.s32 v0, v1  }
0x1de: {  	v36 =	vld [tilespmem:$0xC0];
	v35 =	vadd.s32 v2, v3;
	[tilespmem:$0x400] =	vst v0  }
0x1df: {  	v38 =	vld [tilespmem:$0x330];
	v37 =	vadd.s32 v4, v5;
	[tilespmem:$0x410] =	vst v35  }
0x1e0: {  	v40 =	vld [tilespmem:$0xD0];
	v39 =	vadd.s32 v6, v7;
	[tilespmem:$0x420] =	vst v37  }
0x1e1: {  	v42 =	vld [tilespmem:$0x340];
	v41 =	vadd.s32 v8, v9;
	[tilespmem:$0x430] =	vst v39  }
0x1e2: {  	v44 =	vld [tilespmem:$0xE0];
	v43 =	vadd.s32 v10, v11;
	[tilespmem:$0x440] =	vst v41  }
0x1e3: {  	v46 =	vld [tilespmem:$0x350];
	v45 =	vadd.s32 v12, v13;
	[tilespmem:$0x450] =	vst v43  }
0x1e4: {  	v48 =	vld [tilespmem:$0xF0];
	v47 =	vadd.s32 v14, v15;
	[tilespmem:$0x480] =	vst v45  }
0x1e5: {  	v50 =	vld [tilespmem:$0x360];
	v49 =	vadd.s32 v16, v17;
	[tilespmem:$0x490] =	vst v47  }
0x1e6: {  	v52 =	vld [tilespmem:$0x100];
	v51 =	vadd.s32 v18, v19;
	[tilespmem:$0x4A0] =	vst v49  }
0x1e7: {  	v54 =	vld [tilespmem:$0x370];
	v53 =	vadd.s32 v20, v21;
	[tilespmem:$0x4B0] =	vst v51  }
0x1e8: {  	v56 =	vld [tilespmem:$0x110];
	v55 =	vadd.s32 v22, v34;
	[tilespmem:$0x4C0] =	vst v53  }
0x1e9: {  	v58 =	vld [tilespmem:$0x380];
	v57 =	vadd.s32 v36, v38;
	[tilespmem:$0x4D0] =	vst v55  }
0x1ea: {  	v59 =	vadd.s32 v40, v42;
	[tilespmem:$0x500] =	vst v57  }
0x1eb: {  	v60 =	vadd.s32 v44, v46;
	[tilespmem:$0x510] =	vst v59  }
0x1ec: {  	v61 =	vadd.s32 v48, v50;
	[tilespmem:$0x520] =	vst v60  }
0x1ed: {  	v62 =	vadd.s32 v52, v54;
	[tilespmem:$0x530] =	vst v61  }
0x1ee: {  	v63 =	vadd.s32 v56, v58;
	[tilespmem:$0x540] =	vst v62  }
0x1ef: {  	[tilespmem:$0x550] =	vst v63  }
0x1f0: {  	[tilespmem:s19], [sflag:$0x1] =	stream.indirect.gather [hbm4b:s3+s17], $0x80, s18, s17, $0xb8;
	[tilespmem:$0x14800] =	vst v63  }
0x1f1: {  	_ = 	snop  }
0x1f2: {  	[tilespmem:s21], [sflag:$0x1] =	stream.indirect.gather [hbm4b:s3+s17], $0x80, s20, s17, $0xb8;
	[tilespmem:$0x14800] =	vst v63  }
0x1f3: {  	_ = 	snop  }
0x1f4: {  	[tilespmem:s23], [sflag:$0x1] =	stream.indirect.gather [hbm4b:s3+s17], $0x80, s22, s17, $0xb8;
	[tilespmem:$0x14800] =	vst v63  }
.LBB2_8:
.Ltmp7:
0x1f5: {  	(pc) =	sbr.rel @p0 .LBB2_12-.Ltmp7, $1  }
0x1f6: {  	_ =	sdelay $0x3  }
0x1f7: {  	_ =	swait.ge [sflag:s13], $0x9000  }
0x1f8: {  	[sflag:s13] =	ssyncset.done $0x0  }
0x1f9: {  	s7 =	simm.s32 @!p2 $0x4;
	[sflag:s13] =	ssyncadd.s32 $0xFFFF7000  }
0x1fa: {  	_ =	swait.ge @!p2 [sflag:s7], $0x1000  }
0x1fb: {  	[sflag:s7] =	ssyncset.done @!p2 $0x0  }
0x1fc: {  	[sflag:s7] =	ssyncadd.s32 @!p2 $0xFFFFF000;
	s7 =	simm.s32 $0x9A40  }
0x1fd: {  	v0 =	vld [tilespmem:s7+$0xFFFFFE40]  }
0x1fe: {  	v1 =	vld [tilespmem:s7+$0xFFFFFDC0];
	_ =	sdelay $0x1  }
0x1ff: {  	v2 =	vld [tilespmem:s7+$0xFFFFFEC0];
	_ =	sdelay $0x1  }
0x200: {  	v3 =	vld [tilespmem:s7+$0xFFFFFF40]  }
0x201: {  	v0 =	vadd.f32 v0, v1  }
0x202: {  	v1 =	vld [tilespmem:s7+$0xFFFFFFC0]  }
0x203: {  	v0 =	vadd.f32 v2, v0  }
0x204: {  	v2 =	vld [tilespmem:s7+$0x40]  }
0x205: {  	v0 =	vadd.f32 v3, v0  }
0x206: {  	v3 =	vld [tilespmem:s7+$0xC0]  }
0x207: {  	v0 =	vadd.f32 v1, v0  }
0x208: {  	v1 =	vld [tilespmem:s7+$0x140]  }
0x209: {  	v0 =	vadd.f32 v2, v0  }
0x20a: {  	v2 =	vld [tilespmem:s7+$0x1C0]  }
0x20b: {  	v0 =	vadd.f32 v3, v0;
	_ =	sdelay $0x1  }
0x20c: {  	v0 =	vadd.f32 v1, v0;
	_ =	sdelay $0x1  }
0x20d: {  	v0 =	vadd.f32 v2, v0  }
0x20e: {  	s8 =	simm.s32 $0x0  }
0x20f: {  	[tilespmem:s8+$0x13800] =	vst v0  }
0x210: {  	v0 =	vld [tilespmem:s7+$0xFFFFFDD0]  }
0x211: {  	v1 =	vld [tilespmem:s7+$0xFFFFFE50];
	_ =	sdelay $0x1  }
0x212: {  	v2 =	vld [tilespmem:s7+$0xFFFFFED0];
	_ =	sdelay $0x1  }
0x213: {  	v3 =	vld [tilespmem:s7+$0xFFFFFF50]  }
0x214: {  	v0 =	vadd.f32 v1, v0  }
0x215: {  	v1 =	vld [tilespmem:s7+$0xFFFFFFD0]  }
0x216: {  	v0 =	vadd.f32 v2, v0  }
0x217: {  	v2 =	vld [tilespmem:s7+$0x50]  }
0x218: {  	v0 =	vadd.f32 v3, v0  }
0x219: {  	v3 =	vld [tilespmem:s7+$0xD0]  }
0x21a: {  	v0 =	vadd.f32 v1, v0  }
0x21b: {  	v1 =	vld [tilespmem:s7+$0x150]  }
0x21c: {  	v0 =	vadd.f32 v2, v0  }
0x21d: {  	v2 =	vld [tilespmem:s7+$0x1D0]  }
0x21e: {  	v0 =	vadd.f32 v3, v0;
	_ =	sdelay $0x1  }
0x21f: {  	v0 =	vadd.f32 v1, v0;
	_ =	sdelay $0x1  }
0x220: {  	v0 =	vadd.f32 v2, v0;
	_ =	sdelay $0x1  }
0x221: {  	[tilespmem:s8+$0x13810] =	vst v0  }
0x222: {  	v0 =	vld [tilespmem:s7+$0xFFFFFDE0]  }
0x223: {  	v1 =	vld [tilespmem:s7+$0xFFFFFE60];
	_ =	sdelay $0x1  }
0x224: {  	v2 =	vld [tilespmem:s7+$0xFFFFFEE0];
	_ =	sdelay $0x1  }
0x225: {  	v3 =	vld [tilespmem:s7+$0xFFFFFF60]  }
0x226: {  	v0 =	vadd.f32 v1, v0  }
0x227: {  	v1 =	vld [tilespmem:s7+$0xFFFFFFE0]  }
0x228: {  	v0 =	vadd.f32 v2, v0  }
0x229: {  	v2 =	vld [tilespmem:s7+$0x60]  }
0x22a: {  	v0 =	vadd.f32 v3, v0  }
0x22b: {  	v3 =	vld [tilespmem:s7+$0xE0]  }
0x22c: {  	v0 =	vadd.f32 v1, v0  }
0x22d: {  	v1 =	vld [tilespmem:s7+$0x160]  }
0x22e: {  	v0 =	vadd.f32 v2, v0  }
0x22f: {  	v2 =	vld [tilespmem:s7+$0x1E0]  }
0x230: {  	v0 =	vadd.f32 v3, v0;
	_ =	sdelay $0x1  }
0x231: {  	v0 =	vadd.f32 v1, v0;
	_ =	sdelay $0x1  }
0x232: {  	v0 =	vadd.f32 v2, v0;
	_ =	sdelay $0x1  }
0x233: {  	[tilespmem:s8+$0x13820] =	vst v0  }
0x234: {  	v0 =	vld [tilespmem:s7+$0xFFFFFDF0]  }
0x235: {  	v1 =	vld [tilespmem:s7+$0xFFFFFE70];
	_ =	sdelay $0x1  }
0x236: {  	v2 =	vld [tilespmem:s7+$0xFFFFFEF0];
	_ =	sdelay $0x1  }
0x237: {  	v3 =	vld [tilespmem:s7+$0xFFFFFF70]  }
0x238: {  	v0 =	vadd.f32 v1, v0  }
0x239: {  	v1 =	vld [tilespmem:s7+$0xFFFFFFF0]  }
0x23a: {  	v0 =	vadd.f32 v2, v0  }
0x23b: {  	v2 =	vld [tilespmem:s7+$0x70]  }
0x23c: {  	v0 =	vadd.f32 v3, v0  }
0x23d: {  	v3 =	vld [tilespmem:s7+$0xF0]  }
0x23e: {  	v0 =	vadd.f32 v1, v0  }
0x23f: {  	v1 =	vld [tilespmem:s7+$0x170]  }
0x240: {  	v0 =	vadd.f32 v2, v0  }
0x241: {  	v2 =	vld [tilespmem:s7+$0x1F0]  }
0x242: {  	v0 =	vadd.f32 v3, v0;
	_ =	sdelay $0x1  }
0x243: {  	v0 =	vadd.f32 v1, v0;
	_ =	sdelay $0x1  }
0x244: {  	v0 =	vadd.f32 v2, v0;
	_ =	sdelay $0x1  }
0x245: {  	[tilespmem:s8+$0x13830] =	vst v0  }
0x246: {  	v0 =	vld [tilespmem:s7+$0xFFFFFE00]  }
0x247: {  	v1 =	vld [tilespmem:s7+$0xFFFFFE80];
	_ =	sdelay $0x1  }
0x248: {  	v2 =	vld [tilespmem:s7+$0xFFFFFF00];
	_ =	sdelay $0x1  }
0x249: {  	v3 =	vld [tilespmem:s7+$0xFFFFFF80]  }
0x24a: {  	v0 =	vadd.f32 v1, v0  }
0x24b: {  	v1 =	vld [tilespmem:s7+$0x0]  }
0x24c: {  	v0 =	vadd.f32 v2, v0  }
0x24d: {  	v2 =	vld [tilespmem:s7+$0x80]  }
0x24e: {  	v0 =	vadd.f32 v3, v0  }
0x24f: {  	v3 =	vld [tilespmem:s7+$0x100]  }
0x250: {  	v0 =	vadd.f32 v1, v0  }
0x251: {  	v1 =	vld [tilespmem:s7+$0x180]  }
0x252: {  	v0 =	vadd.f32 v2, v0  }
0x253: {  	v2 =	vld [tilespmem:s7+$0x200]  }
0x254: {  	v0 =	vadd.f32 v3, v0;
	_ =	sdelay $0x1  }
0x255: {  	v0 =	vadd.f32 v1, v0;
	_ =	sdelay $0x1  }
0x256: {  	v0 =	vadd.f32 v2, v0;
	_ =	sdelay $0x1  }
0x257: {  	[tilespmem:s8+$0x13840] =	vst v0  }
0x258: {  	v0 =	vld [tilespmem:s7+$0xFFFFFE10]  }
0x259: {  	v1 =	vld [tilespmem:s7+$0xFFFFFE90];
	_ =	sdelay $0x1  }
0x25a: {  	v2 =	vld [tilespmem:s7+$0xFFFFFF10];
	_ =	sdelay $0x1  }
0x25b: {  	v3 =	vld [tilespmem:s7+$0xFFFFFF90]  }
0x25c: {  	v0 =	vadd.f32 v1, v0  }
0x25d: {  	v1 =	vld [tilespmem:s7+$0x10]  }
0x25e: {  	v0 =	vadd.f32 v2, v0  }
0x25f: {  	v2 =	vld [tilespmem:s7+$0x90]  }
0x260: {  	v0 =	vadd.f32 v3, v0  }
0x261: {  	v3 =	vld [tilespmem:s7+$0x110]  }
0x262: {  	v0 =	vadd.f32 v1, v0  }
0x263: {  	v1 =	vld [tilespmem:s7+$0x190]  }
0x264: {  	v0 =	vadd.f32 v2, v0  }
0x265: {  	v2 =	vld [tilespmem:s7+$0x210]  }
0x266: {  	v0 =	vadd.f32 v3, v0;
	_ =	sdelay $0x1  }
0x267: {  	v0 =	vadd.f32 v1, v0;
	_ =	sdelay $0x1  }
0x268: {  	v0 =	vadd.f32 v2, v0;
	_ =	sdelay $0x1  }
0x269: {  	[tilespmem:s8+$0x13850] =	vst v0  }
0x26a: {  	v0 =	vld [tilespmem:s7+$0xFFFFFE20]  }
0x26b: {  	v1 =	vld [tilespmem:s7+$0xFFFFFEA0];
	_ =	sdelay $0x1  }
0x26c: {  	v2 =	vld [tilespmem:s7+$0xFFFFFF20];
	_ =	sdelay $0x1  }
0x26d: {  	v3 =	vld [tilespmem:s7+$0xFFFFFFA0]  }
0x26e: {  	v0 =	vadd.f32 v1, v0  }
0x26f: {  	v1 =	vld [tilespmem:s7+$0x20]  }
0x270: {  	v0 =	vadd.f32 v2, v0  }
0x271: {  	v2 =	vld [tilespmem:s7+$0xA0]  }
0x272: {  	v0 =	vadd.f32 v3, v0  }
0x273: {  	v3 =	vld [tilespmem:s7+$0x120]  }
0x274: {  	v0 =	vadd.f32 v1, v0  }
0x275: {  	v1 =	vld [tilespmem:s7+$0x1A0]  }
0x276: {  	v0 =	vadd.f32 v2, v0  }
0x277: {  	v2 =	vld [tilespmem:s7+$0x220]  }
0x278: {  	v0 =	vadd.f32 v3, v0;
	_ =	sdelay $0x1  }
0x279: {  	v0 =	vadd.f32 v1, v0;
	_ =	sdelay $0x1  }
0x27a: {  	v0 =	vadd.f32 v2, v0;
	_ =	sdelay $0x1  }
0x27b: {  	[tilespmem:s8+$0x13860] =	vst v0  }
0x27c: {  	v0 =	vld [tilespmem:s7+$0xFFFFFE30]  }
0x27d: {  	v1 =	vld [tilespmem:s7+$0xFFFFFEB0];
	_ =	sdelay $0x1  }
0x27e: {  	v2 =	vld [tilespmem:s7+$0xFFFFFF30];
	_ =	sdelay $0x1  }
0x27f: {  	v3 =	vld [tilespmem:s7+$0xFFFFFFB0]  }
0x280: {  	v0 =	vadd.f32 v1, v0  }
0x281: {  	v4 =	vld [tilespmem:s7+$0x30]  }
0x282: {  	v2 =	vadd.f32 v2, v0  }
0x283: {  	v1 =	vld [tilespmem:s7+$0x130]  }
0x284: {  	v0 =	vld [tilespmem:s7+$0xB0];
	v5 =	vadd.f32 v3, v2  }
0x285: {  	v2 =	vld [tilespmem:s7+$0x1B0]  }
0x286: {  	s9 =	simm.s32 $0x200;
	v3 =	vld [tilespmem:s7+$0x230];
	v4 =	vadd.f32 v4, v5  }
.LBB2_10:
0x287: {  	p0 =	sne.s32 s9, $0x3E00  }
0x288: {  	s7 =	sadd.s32 $0x480, s7;
	s25 =	smov.u32 s9;
	s9 =	sadd.s32 $0x200, s9  }
0x289: {  	v0 =	vadd.f32 v0, v4;
	_ =	sdelay $0x1  }
0x28a: {  	v0 =	vadd.f32 v1, v0;
	_ =	sdelay $0x1  }
0x28b: {  	v0 =	vadd.f32 v2, v0;
	_ =	sdelay $0x1  }
0x28c: {  	v0 =	vadd.f32 v3, v0;
	_ =	sdelay $0x1  }
0x28d: {  	[tilespmem:s8+$0x13870] =	vst v0  }
0x28e: {  	v0 =	vld [tilespmem:s7+$0xFFFFFE40]  }
0x28f: {  	v1 =	vld [tilespmem:s7+$0xFFFFFDC0];
	_ =	sdelay $0x1  }
0x290: {  	v2 =	vld [tilespmem:s7+$0xFFFFFEC0]  }
0x291: {  	v3 =	vld [tilespmem:s7+$0xFFFFFF40];
	_ =	sdelay $0x1  }
0x292: {  	v0 =	vadd.f32 v0, v1;
	v1 =	vld [tilespmem:s7+$0xFFFFFFC0];
	_ =	sdelay $0x1  }
0x293: {  	v0 =	vadd.f32 v2, v0  }
0x294: {  	v2 =	vld [tilespmem:s7+$0x40]  }
0x295: {  	v0 =	vadd.f32 v3, v0  }
0x296: {  	v3 =	vld [tilespmem:s7+$0xC0]  }
0x297: {  	v0 =	vadd.f32 v1, v0  }
0x298: {  	v1 =	vld [tilespmem:s7+$0x140]  }
0x299: {  	v0 =	vadd.f32 v2, v0  }
0x29a: {  	v2 =	vld [tilespmem:s7+$0x1C0]  }
0x29b: {  	v0 =	vadd.f32 v3, v0;
	_ =	sdelay $0x1  }
0x29c: {  	v0 =	vadd.f32 v1, v0;
	_ =	sdelay $0x1  }
0x29d: {  	v0 =	vadd.f32 v2, v0  }
0x29e: {  	s8 =	sshra.s32 s25, $0x2  }
0x29f: {  	[tilespmem:s8+$0x13800] =	vst v0  }
0x2a0: {  	v0 =	vld [tilespmem:s7+$0xFFFFFDD0]  }
0x2a1: {  	v1 =	vld [tilespmem:s7+$0xFFFFFE50];
	_ =	sdelay $0x1  }
0x2a2: {  	v2 =	vld [tilespmem:s7+$0xFFFFFED0];
	_ =	sdelay $0x1  }
0x2a3: {  	v3 =	vld [tilespmem:s7+$0xFFFFFF50]  }
0x2a4: {  	v0 =	vadd.f32 v1, v0  }
0x2a5: {  	v1 =	vld [tilespmem:s7+$0xFFFFFFD0]  }
0x2a6: {  	v0 =	vadd.f32 v2, v0  }
0x2a7: {  	v2 =	vld [tilespmem:s7+$0x50]  }
0x2a8: {  	v0 =	vadd.f32 v3, v0  }
0x2a9: {  	v3 =	vld [tilespmem:s7+$0xD0]  }
0x2aa: {  	v0 =	vadd.f32 v1, v0  }
0x2ab: {  	v1 =	vld [tilespmem:s7+$0x150]  }
0x2ac: {  	v0 =	vadd.f32 v2, v0  }
0x2ad: {  	v2 =	vld [tilespmem:s7+$0x1D0]  }
0x2ae: {  	v0 =	vadd.f32 v3, v0;
	_ =	sdelay $0x1  }
0x2af: {  	v0 =	vadd.f32 v1, v0;
	_ =	sdelay $0x1  }
0x2b0: {  	v0 =	vadd.f32 v2, v0;
	_ =	sdelay $0x1  }
0x2b1: {  	[tilespmem:s8+$0x13810] =	vst v0  }
0x2b2: {  	v0 =	vld [tilespmem:s7+$0xFFFFFDE0]  }
0x2b3: {  	v1 =	vld [tilespmem:s7+$0xFFFFFE60];
	_ =	sdelay $0x1  }
0x2b4: {  	v2 =	vld [tilespmem:s7+$0xFFFFFEE0];
	_ =	sdelay $0x1  }
0x2b5: {  	v3 =	vld [tilespmem:s7+$0xFFFFFF60]  }
0x2b6: {  	v0 =	vadd.f32 v1, v0  }
0x2b7: {  	v1 =	vld [tilespmem:s7+$0xFFFFFFE0]  }
0x2b8: {  	v0 =	vadd.f32 v2, v0  }
0x2b9: {  	v2 =	vld [tilespmem:s7+$0x60]  }
0x2ba: {  	v0 =	vadd.f32 v3, v0  }
0x2bb: {  	v3 =	vld [tilespmem:s7+$0xE0]  }
0x2bc: {  	v0 =	vadd.f32 v1, v0  }
0x2bd: {  	v1 =	vld [tilespmem:s7+$0x160]  }
0x2be: {  	v0 =	vadd.f32 v2, v0  }
0x2bf: {  	v2 =	vld [tilespmem:s7+$0x1E0]  }
0x2c0: {  	v0 =	vadd.f32 v3, v0;
	_ =	sdelay $0x1  }
0x2c1: {  	v0 =	vadd.f32 v1, v0;
	_ =	sdelay $0x1  }
0x2c2: {  	v0 =	vadd.f32 v2, v0;
	_ =	sdelay $0x1  }
0x2c3: {  	[tilespmem:s8+$0x13820] =	vst v0  }
0x2c4: {  	v0 =	vld [tilespmem:s7+$0xFFFFFDF0]  }
0x2c5: {  	v1 =	vld [tilespmem:s7+$0xFFFFFE70]  }
0x2c6: {  	v2 =	vld [tilespmem:s7+$0xFFFFFEF0];
	_ =	sdelay $0x2  }
0x2c7: {  	v3 =	vld [tilespmem:s7+$0xFFFFFF70]  }
0x2c8: {  	v0 =	vadd.f32 v1, v0  }
0x2c9: {  	v1 =	vld [tilespmem:s7+$0xFFFFFFF0]  }
0x2ca: {  	v0 =	vadd.f32 v2, v0  }
0x2cb: {  	v2 =	vld [tilespmem:s7+$0x70]  }
0x2cc: {  	v0 =	vadd.f32 v3, v0  }
0x2cd: {  	v3 =	vld [tilespmem:s7+$0xF0]  }
0x2ce: {  	v0 =	vadd.f32 v1, v0  }
0x2cf: {  	v1 =	vld [tilespmem:s7+$0x170]  }
0x2d0: {  	v0 =	vadd.f32 v2, v0  }
0x2d1: {  	v2 =	vld [tilespmem:s7+$0x1F0]  }
0x2d2: {  	v0 =	vadd.f32 v3, v0;
	_ =	sdelay $0x1  }
0x2d3: {  	v0 =	vadd.f32 v1, v0;
	_ =	sdelay $0x1  }
0x2d4: {  	v0 =	vadd.f32 v2, v0;
	_ =	sdelay $0x1  }
0x2d5: {  	[tilespmem:s8+$0x13830] =	vst v0  }
0x2d6: {  	v0 =	vld [tilespmem:s7+$0xFFFFFE00]  }
0x2d7: {  	v1 =	vld [tilespmem:s7+$0xFFFFFE80]  }
0x2d8: {  	v2 =	vld [tilespmem:s7+$0xFFFFFF00];
	_ =	sdelay $0x2  }
0x2d9: {  	v3 =	vld [tilespmem:s7+$0xFFFFFF80]  }
0x2da: {  	v0 =	vadd.f32 v1, v0  }
0x2db: {  	v1 =	vld [tilespmem:s7+$0x0]  }
0x2dc: {  	v0 =	vadd.f32 v2, v0  }
0x2dd: {  	v2 =	vld [tilespmem:s7+$0x80]  }
0x2de: {  	v0 =	vadd.f32 v3, v0  }
0x2df: {  	v3 =	vld [tilespmem:s7+$0x100]  }
0x2e0: {  	v0 =	vadd.f32 v1, v0  }
0x2e1: {  	v1 =	vld [tilespmem:s7+$0x180]  }
0x2e2: {  	v0 =	vadd.f32 v2, v0  }
0x2e3: {  	v2 =	vld [tilespmem:s7+$0x200]  }
0x2e4: {  	v0 =	vadd.f32 v3, v0;
	_ =	sdelay $0x1  }
0x2e5: {  	v0 =	vadd.f32 v1, v0;
	_ =	sdelay $0x1  }
0x2e6: {  	v0 =	vadd.f32 v2, v0;
	_ =	sdelay $0x1  }
0x2e7: {  	[tilespmem:s8+$0x13840] =	vst v0  }
0x2e8: {  	v0 =	vld [tilespmem:s7+$0xFFFFFE10]  }
0x2e9: {  	v1 =	vld [tilespmem:s7+$0xFFFFFE90]  }
0x2ea: {  	v2 =	vld [tilespmem:s7+$0xFFFFFF10]  }
0x2eb: {  	v3 =	vld [tilespmem:s7+$0xFFFFFF90]  }
0x2ec: {  	v4 =	vld [tilespmem:s7+$0x10]  }
0x2ed: {  	v5 =	vld [tilespmem:s7+$0x90]  }
0x2ee: {  	v0 =	vadd.f32 v1, v0;
	v1 =	vld [tilespmem:s7+$0x110]  }
0x2ef: {  	v6 =	vld [tilespmem:s7+$0x190]  }
0x2f0: {  	v0 =	vadd.f32 v2, v0;
	v2 =	vld [tilespmem:s7+$0x210];
	_ =	sdelay $0x1  }
0x2f1: {  	v0 =	vadd.f32 v3, v0;
	_ =	sdelay $0x1  }
0x2f2: {  	v0 =	vadd.f32 v4, v0;
	_ =	sdelay $0x1  }
0x2f3: {  	v0 =	vadd.f32 v5, v0;
	_ =	sdelay $0x1  }
0x2f4: {  	v0 =	vadd.f32 v1, v0;
	_ =	sdelay $0x1  }
0x2f5: {  	v0 =	vadd.f32 v6, v0;
	_ =	sdelay $0x1  }
0x2f6: {  	v0 =	vadd.f32 v2, v0;
	_ =	sdelay $0x1  }
0x2f7: {  	[tilespmem:s8+$0x13850] =	vst v0  }
0x2f8: {  	v0 =	vld [tilespmem:s7+$0xFFFFFE20]  }
0x2f9: {  	v1 =	vld [tilespmem:s7+$0xFFFFFEA0]  }
0x2fa: {  	v2 =	vld [tilespmem:s7+$0xFFFFFF20]  }
0x2fb: {  	v3 =	vld [tilespmem:s7+$0xFFFFFFA0]  }
0x2fc: {  	v4 =	vld [tilespmem:s7+$0x20]  }
0x2fd: {  	v5 =	vld [tilespmem:s7+$0xA0]  }
0x2fe: {  	v0 =	vadd.f32 v1, v0;
	v1 =	vld [tilespmem:s7+$0x120]  }
0x2ff: {  	v6 =	vld [tilespmem:s7+$0x1A0]  }
0x300: {  	v0 =	vadd.f32 v2, v0;
	v2 =	vld [tilespmem:s7+$0x220];
	_ =	sdelay $0x1  }
0x301: {  	v0 =	vadd.f32 v3, v0;
	_ =	sdelay $0x1  }
0x302: {  	v0 =	vadd.f32 v4, v0;
	_ =	sdelay $0x1  }
0x303: {  	v0 =	vadd.f32 v5, v0;
	_ =	sdelay $0x1  }
0x304: {  	v0 =	vadd.f32 v1, v0;
	_ =	sdelay $0x1  }
0x305: {  	v0 =	vadd.f32 v6, v0;
	_ =	sdelay $0x1  }
0x306: {  	v0 =	vadd.f32 v2, v0;
	_ =	sdelay $0x1  }
0x307: {  	[tilespmem:s8+$0x13860] =	vst v0  }
0x308: {  	v1 =	vld [tilespmem:s7+$0xFFFFFE30]  }
0x309: {  	v2 =	vld [tilespmem:s7+$0xFFFFFEB0]  }
0x30a: {  	v3 =	vld [tilespmem:s7+$0xFFFFFF30]  }
0x30b: {  	v4 =	vld [tilespmem:s7+$0xFFFFFFB0]  }
0x30c: {  	v5 =	vld [tilespmem:s7+$0x30]  }
0x30d: {  	v0 =	vld [tilespmem:s7+$0xB0]  }
0x30e: {  	v6 =	vadd.f32 v2, v1;
	v1 =	vld [tilespmem:s7+$0x130]  }
0x30f: {  	v2 =	vld [tilespmem:s7+$0x1B0]  }
.Ltmp8:
0x310: {  	v6 =	vadd.f32 v3, v6;
	v3 =	vld [tilespmem:s7+$0x230];
	(pc) =	sbr.rel @p0 .LBB2_10-.Ltmp8, $3  }
0x311: {  	_ = 	snop  }
0x312: {  	v4 =	vadd.f32 v4, v6;
	_ =	sdelay $0x1  }
0x313: {  	v4 =	vadd.f32 v5, v4  }
0x314: {  	_ = 	snop  }
0x315: {  	v0 =	vadd.f32 v0, v4;
	_ =	sdelay $0x1  }
0x316: {  	v0 =	vadd.f32 v1, v0;
	_ =	sdelay $0x1  }
0x317: {  	v0 =	vadd.f32 v2, v0  }
.Ltmp9:
0x318: {  	_ = 	snop;
	(pc) =	sbr.rel .LBB2_12-.Ltmp9, $4  }
0x319: {  	v0 =	vadd.f32 v3, v0  }
0x31a: {  	s7 =	sshll.u32 s14, $0x9  }
0x31b: {  	s7 =	sadd.s32 s4, s7;
	[tilespmem:s8+$0x13870] =	vst v0  }
0x31c: {  	[hbm4b:s7+s5] =	stream.linear.scatter [tilespmem:s15], [sflag:$0x4], $0x1000, $0x38;
	[tilespmem:$0x14800] =	vst v63  }
.LBB2_14:
0x31d: {  	_ =	sfence.sel $0x180000  }
0x31e: {  	[bflag:$0x0] =	sbarrier.arrive $0xFFFF  }
0x31f: {  	_ =	strace $0x90000047  }
0x320: {  	s0 =	stileid.u32;
	[bflag:$0x2] =	sbarrier.arrive $0xFFFF  }
0x321: {  	p0 =	sne.s32 s0, $0x0;
	s0 =	rddreg [dreg:$0x4]  }
0x322: {  	s0 =	sadd.s32 @!p0 $0x100000, s0  }
0x323: {  	[sflag:s0] =	ssyncadd.tile.s32 @!p0 $0x1;
	_ =	shalt  }
.Lfunc_end2:
_tile_overlayer_lowered:
.L_overlay_start_2:
0x324: {  	(tag) =	ssettag $0x2  }
0x325: {  	s0 =	rddreg [dreg:$0x0];
	s2 =	stileid.u32  }
0x326: {  	s1 =	rddreg [dreg:$0x1];
	p0 =	sne.s32 s2, $0x0  }
0x327: {  	s3 =	rddreg [dreg:$0x2];
	[bflag:$0x3] =	sbarrier.arrive $0xFFFF;
	s2 =	simm.s32 @!p0 $0x1C07  }
0x328: {  	[timem:s3], [sflag:s2] =	dma.local @!p0 [hbm:s0], s1  }
0x329: {  	s0 =	simm.s32 @!p0 $0x7  }
0x32a: {  	_ =	swait.ge @!p0 [sflag:s0], s1  }
0x32b: {  	s1 =	ssub.s32 @!p0 $0x0, s1;
	[sflag:s0] =	ssyncset.done @!p0 $0x0  }
0x32c: {  	[sflag:s0] =	ssyncadd.s32 @!p0 s1  }
0x32d: {  	[bflag:$0x3] =	sbarrier.arrive $0xFFFF  }
0x32e: {  	_ =	shalt  }

</sc_bundles>
